<compile_context>
chip_gen: v7x
topology: tpu7x:2x2x1
jax: 0.10.2.dev20260603
libtpu: 0.0.44.dev20260713+nightly
codegen_flags: <defaults>
</compile_context>

<pallas_src>
import functools

import jax
import jax.numpy as jnp
from jax import lax
from jax.experimental import pallas as pl
from jax.experimental.pallas import tpu as pltpu
from jax.experimental.pallas import tpu_sc as plsc

N = 100000
E = 1600000
N2 = 102400
NP = N2 // 8
NT = N // 16

f32 = jnp.float32
i32 = jnp.int32

_MESH = plsc.VectorSubcoreMesh(core_axis_name="c", subcore_axis_name="s")
_SC_PARAMS = pltpu.CompilerParams(use_tc_tiling_on_sc=False)
_TC_PARAMS = pltpu.CompilerParams(needs_layout_passes=False)


def _fill(ref, rows, value):
    def body(i, _):
        ref[i, :] = jnp.full((16,), value, f32)
        return 0
    lax.fori_loop(0, rows, body, 0)


def _stage_zero(zbuf, rows_buf, acc, s, sem):
    full, rem = NT // rows_buf, NT % rows_buf
    descs = []
    for m in range(full):
        descs.append(pltpu.async_copy(
            zbuf, acc.at[pl.ds(s * NT + m * rows_buf, rows_buf)], sem))
    if rem:
        descs.append(pltpu.async_copy(
            zbuf.at[pl.ds(0, rem)],
            acc.at[pl.ds(s * NT + full * rows_buf, rem)], sem))
    for d in descs:
        d.wait()


def _acc_out(acc, out_ref, s):
    sl = pl.ds(s * NT, NT)
    pltpu.sync_copy(acc.at[sl], out_ref.at[sl])


CHD = 800


@functools.partial(
    pl.kernel,
    out_type=[jax.ShapeDtypeStruct((N2, 16), f32),
              jax.ShapeDtypeStruct((N2, 16), f32)],
    mesh=_MESH,
    compiler_params=_SC_PARAMS,
    scratch_types=[
        pltpu.VMEM((CHD, 16), f32),
        pltpu.VMEM((CHD, 16), f32),
        pltpu.VMEM((CHD,), i32),
        pltpu.VMEM((CHD,), i32),
        pltpu.VMEM((400,), i32),
        pltpu.VMEM_SHARED((N, 16), f32),
        pltpu.SemaphoreType.DMA,
        pltpu.SemaphoreType.DMA,
    ],
)
def _deg_kernel(edge_hbm, dega, degb, zbuf, ones, dxa, dxb, dxt, acc,
                sma, smb):
    c = lax.axis_index("c")
    s = lax.axis_index("s")
    _fill(zbuf, CHD, 0.0)
    _fill(ones, CHD, 1.0)
    _stage_zero(zbuf, CHD, acc, s, sma)
    plsc.subcore_barrier()

    base = c * (E // 2) + s * (E // 32)
    nck = 62
    didx = (dxa, dxb)
    sems = (sma, smb)

    def load(k, p):
        pltpu.sync_copy(edge_hbm.at[1, pl.ds(base + k * CHD, CHD)], didx[p])

    def sissue(p):
        pltpu.async_copy(ones, acc.at[didx[p]], sems[p], add=True)

    def swait(p):
        pltpu.make_async_copy(ones, acc.at[didx[p]], sems[p]).wait()

    load(0, 0)
    sissue(0)
    load(1, 1)
    sissue(1)

    def body(k, _):
        @pl.when(k % 2 == 0)
        def _e():
            swait(0)
            load(k, 0)
            sissue(0)

        @pl.when(k % 2 == 1)
        def _o():
            swait(1)
            load(k, 1)
            sissue(1)
        return 0
    lax.fori_loop(2, nck, body, 0)
    swait(nck % 2)
    swait(1 - nck % 2)

    pltpu.sync_copy(edge_hbm.at[1, pl.ds(base + nck * CHD, 400)], dxt)
    pltpu.sync_copy(ones.at[pl.ds(0, 400)], acc.at[dxt], add=True)

    plsc.subcore_barrier()

    @pl.when(c == 0)
    def _out0():
        _acc_out(acc, dega, s)

    @pl.when(c == 1)
    def _out1():
        _acc_out(acc, degb, s)


def _aggregate(edge_hbm, y_hbm, acc, bufs, sidx, didx, gsem, ssem,
               base, nck, ch, tail, tbufs):
    def load(k, p):
        pltpu.sync_copy(edge_hbm.at[0, pl.ds(base + k * ch, ch)], sidx[p])
        pltpu.sync_copy(edge_hbm.at[1, pl.ds(base + k * ch, ch)], didx[p])

    def gissue(p):
        pltpu.async_copy(y_hbm.at[sidx[p]], bufs[p], gsem[p])

    def gwait(p):
        pltpu.make_async_copy(y_hbm.at[sidx[p]], bufs[p], gsem[p]).wait()

    def sissue(p):
        pltpu.async_copy(bufs[p], acc.at[didx[p]], ssem[p], add=True)

    def swait(p):
        pltpu.make_async_copy(bufs[p], acc.at[didx[p]], ssem[p]).wait()

    load(0, 0)
    gissue(0)
    load(1, 1)
    gissue(1)
    gwait(0)
    sissue(0)

    def body(k, _):
        @pl.when(k % 2 == 0)
        def _e():
            swait(0)
            load(k, 0)
            gissue(0)
            gwait(1)
            sissue(1)

        @pl.when(k % 2 == 1)
        def _o():
            swait(1)
            load(k, 1)
            gissue(1)
            gwait(0)
            sissue(0)
        return 0
    lax.fori_loop(2, nck, body, 0)

    p1 = (nck - 1) % 2
    swait(1 - p1)
    gwait(p1)
    sissue(p1)
    swait(p1)

    if tail:
        sxt, dxt = tbufs
        tb = bufs[0].at[pl.ds(0, tail)]
        off = base + nck * ch
        pltpu.sync_copy(edge_hbm.at[0, pl.ds(off, tail)], sxt)
        pltpu.sync_copy(edge_hbm.at[1, pl.ds(off, tail)], dxt)
        pltpu.async_copy(y_hbm.at[sxt], tb, gsem[0]).wait()
        pltpu.sync_copy(tb, acc.at[dxt], add=True)


def _agg_scratch(ch, tail):
    sc = [
        pltpu.VMEM((ch, 16), f32),
        pltpu.VMEM((ch, 16), f32),
        pltpu.VMEM((ch,), i32),
        pltpu.VMEM((ch,), i32),
        pltpu.VMEM((ch,), i32),
        pltpu.VMEM((ch,), i32),
        pltpu.VMEM_SHARED((N, 16), f32),
        pltpu.SemaphoreType.DMA,
        pltpu.SemaphoreType.DMA,
        pltpu.SemaphoreType.DMA,
        pltpu.SemaphoreType.DMA,
    ]
    if tail:
        sc.insert(6, pltpu.VMEM((tail,), i32))
        sc.insert(7, pltpu.VMEM((tail,), i32))
    return sc


CH1 = 800


@functools.partial(
    pl.kernel,
    out_type=[jax.ShapeDtypeStruct((N2, 16), f32),
              jax.ShapeDtypeStruct((N2, 16), f32)],
    mesh=_MESH,
    compiler_params=_SC_PARAMS,
    scratch_types=_agg_scratch(CH1, 0),
)
def _agg_feature_split(edge_hbm, ya_hbm, yb_hbm, agga, aggb,
                       bufa, bufb, sxa, sxb, dxa, dxb, acc, g0, g1, s0, s1):
    c = lax.axis_index("c")
    s = lax.axis_index("s")
    _fill(bufa, CH1, 0.0)
    _stage_zero(bufa, CH1, acc, s, g0)
    plsc.subcore_barrier()

    base = s * (E // 16)
    nck = (E // 16) // CH1

    @pl.when(c == 0)
    def _run0():
        _aggregate(edge_hbm, ya_hbm, acc, (bufa, bufb),
                   (sxa, sxb), (dxa, dxb), (g0, g1), (s0, s1),
                   base, nck, CH1, 0, None)

    @pl.when(c == 1)
    def _run1():
        _aggregate(edge_hbm, yb_hbm, acc, (bufa, bufb),
                   (sxa, sxb), (dxa, dxb), (g0, g1), (s0, s1),
                   base, nck, CH1, 0, None)

    plsc.subcore_barrier()

    @pl.when(c == 0)
    def _out0():
        _acc_out(acc, agga, s)

    @pl.when(c == 1)
    def _out1():
        _acc_out(acc, aggb, s)


CH2 = 800


@functools.partial(
    pl.kernel,
    out_type=[jax.ShapeDtypeStruct((N2, 16), f32),
              jax.ShapeDtypeStruct((N2, 16), f32)],
    mesh=_MESH,
    compiler_params=_SC_PARAMS,
    scratch_types=_agg_scratch(CH2, 400),
)
def _agg_edge_split(edge_hbm, y_hbm, agga, aggb,
                    bufa, bufb, sxa, sxb, dxa, dxb, sxt, dxt, acc,
                    g0, g1, s0, s1):
    c = lax.axis_index("c")
    s = lax.axis_index("s")
    _fill(bufa, CH2, 0.0)
    _stage_zero(bufa, CH2, acc, s, g0)
    plsc.subcore_barrier()

    base = c * (E // 2) + s * (E // 32)
    _aggregate(edge_hbm, y_hbm, acc, (bufa, bufb),
               (sxa, sxb), (dxa, dxb), (g0, g1), (s0, s1),
               base, 62, CH2, 400, (sxt, dxt))

    plsc.subcore_barrier()

    @pl.when(c == 0)
    def _out0():
        _acc_out(acc, agga, s)

    @pl.when(c == 1)
    def _out1():
        _acc_out(acc, aggb, s)


PB = 1600
PBC = 1600


def _tc_a_body(dega, degb, xp, w1a, w1b, dinv16, y1a, y1b):
    deg = dega[...] + degb[...] + 1.0
    dinv = lax.rsqrt(deg)
    dinv16[...] = dinv
    x = xp[...]
    y1a[...] = jnp.dot(x, w1a[...], preferred_element_type=f32) * dinv
    y1b[...] = jnp.dot(x, w1b[...], preferred_element_type=f32) * dinv


def _tc_b_body(dinv16, agg1a, agg1b, y1a, y1b, w2a, w2b, b1a, b1b, y2):
    d = dinv16[...]
    ha = jnp.maximum(d * (agg1a[...] + y1a[...]) + b1a[...][None, :], 0.0)
    hb = jnp.maximum(d * (agg1b[...] + y1b[...]) + b1b[...][None, :], 0.0)
    y2[...] = (jnp.dot(ha, w2a[...], preferred_element_type=f32)
               + jnp.dot(hb, w2b[...], preferred_element_type=f32)) * d


def _tc_c_body(dinv16, agg2a, agg2b, y2, b2t, out):
    res = (dinv16[...] * (agg2a[...] + agg2b[...] + y2[...])
           + b2t[...][None, :])
    out[...] = res.reshape(PBC, 8, 16).transpose(2, 0, 1).reshape(16, PBC * 8)


def _pb():
    return pl.BlockSpec((PB, 128), lambda i: (i, 0))


def _full(shape):
    nd = len(shape)
    return pl.BlockSpec(shape, lambda i: (0,) * nd)


def _packed(a):
    return a.reshape(NP, 128)


def kernel(features, edge_index, W1, b1, W2, b2):
    edges = edge_index.astype(i32)

    xp = _packed(jnp.pad(features, ((0, N2 - N), (0, 6))))
    eye8 = jnp.eye(8, dtype=f32)
    w1p = jnp.pad(W1, ((0, 6), (0, 0)))
    w1a = jnp.kron(eye8, w1p[:, :16])
    w1b = jnp.kron(eye8, w1p[:, 16:])
    w2p = jnp.pad(W2, ((0, 0), (0, 6)))
    w2a = jnp.kron(eye8, w2p[:16, :])
    w2b = jnp.kron(eye8, w2p[16:, :])
    b1a = jnp.tile(b1[:16], 8)
    b1b = jnp.tile(b1[16:], 8)
    b2t = jnp.tile(jnp.pad(b2, (0, 6)), 8)

    dega, degb = _deg_kernel(edges)

    dinv16, y1a, y1b = pl.pallas_call(
        _tc_a_body,
        compiler_params=_TC_PARAMS,
        grid=(NP // PB,),
        in_specs=[_pb(), _pb(), _pb(), _full((128, 128)), _full((128, 128))],
        out_specs=[_pb(), _pb(), _pb()],
        out_shape=[jax.ShapeDtypeStruct((NP, 128), f32)] * 3,
    )(_packed(dega), _packed(degb), xp, w1a, w1b)

    agg1a, agg1b = _agg_feature_split(edges, y1a.reshape(N2, 16),
                                      y1b.reshape(N2, 16))

    y2 = pl.pallas_call(
        _tc_b_body,
        compiler_params=_TC_PARAMS,
        grid=(NP // PB,),
        in_specs=[_pb()] * 5 + [_full((128, 128))] * 2 + [_full((128,))] * 2,
        out_specs=_pb(),
        out_shape=jax.ShapeDtypeStruct((NP, 128), f32),
    )(dinv16, _packed(agg1a), _packed(agg1b), y1a, y1b, w2a, w2b, b1a, b1b)

    agg2a, agg2b = _agg_edge_split(edges, y2.reshape(N2, 16))

    outt = pl.pallas_call(
        _tc_c_body,
        compiler_params=_TC_PARAMS,
        grid=(NP // PBC,),
        in_specs=[pl.BlockSpec((PBC, 128), lambda i: (i, 0))] * 4
        + [_full((128,))],
        out_specs=pl.BlockSpec((16, PBC * 8), lambda i: (0, i)),
        out_shape=jax.ShapeDtypeStruct((16, N2), f32),
    )(dinv16, _packed(agg2a), _packed(agg2b), y2, b2t)

    return outt[:10, :N].T

# --- scband reference (transcript-rebuilt; emitter-appended) ---
"""Pipeline reference for scband-gnnmodel-18193481466190 (READ-ONLY COPY).

The authoritative reference and input builder live on the scoring server;
editing this copy changes nothing except your own understanding.
"""

import jax, jax.numpy as jnp
import numpy as np

N_NODES = 100000
N_EDGES = 1600000
IN_FEATS = 10
HIDDEN = 32
NUM_CLASSES = 10


def setup_inputs(seed: int = 0) -> dict:
    key = jax.random.key(seed)
    k1, k2, k3, k4, k5, k6 = jax.random.split(key, 6)
    features = jax.random.normal(k1, (N_NODES, IN_FEATS), dtype=jnp.float32)
    edge_index = jax.random.randint(k2, (2, N_EDGES), 0, N_NODES, dtype=jnp.int64)
    # GCN layer 1 params (Glorot-style scale)
    W1 = jax.random.normal(k3, (IN_FEATS, HIDDEN), dtype=jnp.float32) * (1.0 / np.sqrt(IN_FEATS))
    b1 = jnp.zeros((HIDDEN,), dtype=jnp.float32)
    # GCN layer 2 params
    W2 = jax.random.normal(k4, (HIDDEN, NUM_CLASSES), dtype=jnp.float32) * (1.0 / np.sqrt(HIDDEN))
    b2 = jnp.zeros((NUM_CLASSES,), dtype=jnp.float32)
    return {"features": features, "edge_index": edge_index, "W1": W1, "b1": b1, "W2": W2, "b2": b2}


def _gcn_conv(x, src, dst, dinv_sqrt, W, b, n_nodes):
    # h = D^{-1/2} A_hat D^{-1/2} X W + b   (A_hat includes self-loops)
    xw = x @ W
    msg = jnp.take(xw, src, axis=0) * dinv_sqrt[src][:, None]
    agg = jnp.zeros((n_nodes, xw.shape[1]), dtype=xw.dtype).at[dst].add(msg)
    return agg * dinv_sqrt[:, None] + b


def reference(features, edge_index, W1, b1, W2, b2):
    n_nodes = features.shape[0]
    loop = jnp.arange(n_nodes, dtype=edge_index.dtype)
    src = jnp.concatenate([edge_index[0], loop])
    dst = jnp.concatenate([edge_index[1], loop])
    deg = jnp.zeros((n_nodes,), dtype=jnp.float32).at[dst].add(1.0)
    dinv_sqrt = jnp.where(deg > 0, 1.0 / jnp.sqrt(deg), 0.0)
    h = _gcn_conv(features, src, dst, dinv_sqrt, W1, b1, n_nodes)
    h = jax.nn.relu(h)
    h = _gcn_conv(h, src, dst, dinv_sqrt, W2, b2, n_nodes)
    return h

if __name__ == "__main__":
    import jax
    _d = setup_inputs()
    print(jax.jit(kernel)(*tuple(_d.values())))

</pallas_src>

<mosaic_0001>
#map = affine_map<(d0, d1) -> (0, 0)>
module attributes {stable_mosaic.version = 14 : i64} {
  func.func @_agg_edge_split(%arg0: i32, %arg1: i32, %arg2: memref<2x1600000xi32, #tpu.memory_space<hbm>>, %arg3: memref<102400x16xf32, #tpu.memory_space<hbm>>, %arg4: memref<102400x16xf32, #tpu.memory_space<hbm>>, %arg5: memref<102400x16xf32, #tpu.memory_space<hbm>>, %arg6: memref<800x16xf32, #tpu.memory_space<vmem>>, %arg7: memref<800x16xf32, #tpu.memory_space<vmem>>, %arg8: memref<800xi32, #tpu.memory_space<vmem>>, %arg9: memref<800xi32, #tpu.memory_space<vmem>>, %arg10: memref<800xi32, #tpu.memory_space<vmem>>, %arg11: memref<800xi32, #tpu.memory_space<vmem>>, %arg12: memref<400xi32, #tpu.memory_space<vmem>>, %arg13: memref<400xi32, #tpu.memory_space<vmem>>, %arg14: memref<100000x16xf32, #tpu.memory_space<vmem_shared>>, %arg15: memref<!tpu.dma_semaphore, #tpu.memory_space<semaphore_mem>>, %arg16: memref<!tpu.dma_semaphore, #tpu.memory_space<semaphore_mem>>, %arg17: memref<!tpu.dma_semaphore, #tpu.memory_space<semaphore_mem>>, %arg18: memref<!tpu.dma_semaphore, #tpu.memory_space<semaphore_mem>>) attributes {dimension_semantics = [#tpu.dimension_semantics<core_parallel>, #tpu.dimension_semantics<subcore_parallel>], iteration_bounds = array<i64: 2, 16>, scalar_prefetch = 0 : i64, scratch_operands = 13 : i64, tpu.core_type = #tpu.core_type<sc_vector_subcore>, window_params = [{transform_indices = #map}, {transform_indices = #map}, {transform_indices = #map}, {transform_indices = #map}]} {
    %scan3A = arith.constant 0 : i32
    %scan3A_0 = arith.constant 0 : i32
    %scan3A_1 = arith.constant 800 : i32
    %scan3A_2 = arith.addi %scan3A_0, %scan3A_1 : i32
    %scan3A_3 = arith.constant 1 : i32
    %scan3A_4 = scf.for %scan3A_181 = %scan3A_0 to %scan3A_2 step %scan3A_3 iter_args(%scan3A_182 = %scan3A) -> (i32)  : i32 {
      %broadcast_in_dim3A = arith.constant 0.000000e+00 : f32
      %broadcast_in_dim3A_183 = vector.broadcast %broadcast_in_dim3A : f32 to vector<16xf32>
      %swap3A = arith.index_cast %scan3A_181 : i32 to index
      %swap3A_184 = arith.constant 0 : index
      %swap3A_185 = tpu.vector_load %arg6[%swap3A, %swap3A_184] {strides = array<i32>} : memref<800x16xf32, #tpu.memory_space<vmem>>, vector<1x16xf32>,
      %swap3A_186 = vector.shape_cast %swap3A_185 : vector<1x16xf32> to vector<16xf32>
      %swap3A_187 = vector.shape_cast %broadcast_in_dim3A_183 : vector<16xf32> to vector<1x16xf32>
      tpu.vector_store %arg6[%swap3A, %swap3A_184], %swap3A_187 {strides = array<i32>} : memref<800x16xf32, #tpu.memory_space<vmem>>, vector<1x16xf32>,
      %scan3A_188 = arith.constant 0 : i32
      scf.yield %scan3A_188 : i32
    }
    %scan3A_5 = arith.constant 800 : i32
    %mul3A = arith.constant 6250 : i32
    %mul3A_6 = arith.muli %arg1, %mul3A : i32
    %add3A = arith.constant 0 : i32
    %add3A_7 = arith.addi %mul3A_6, %add3A : i32
    %dma_start3A = arith.constant 0 : i32
    %dma_start3A_8 = tpu.memref_slice %arg14[%add3A_7, %dma_start3A] : memref<100000x16xf32, #tpu.memory_space<vmem_shared>> -> memref<800x16xf32, #tpu.memory_space<vmem_shared>>
    %dma_start3A_9 = arith.constant 0 : i32
    %dma_start3A_10 = tpu.memref_slice %arg14[%add3A_7, %dma_start3A_9] : memref<100000x16xf32, #tpu.memory_space<vmem_shared>> -> memref<800x16xf32, #tpu.memory_space<vmem_shared>>
    tpu.enqueue_dma source(%arg6 : memref<800x16xf32, #tpu.memory_space<vmem>>) target(%dma_start3A_10 : memref<800x16xf32, #tpu.memory_space<vmem_shared>>) target_semaphore(%arg15 : memref<!tpu.dma_semaphore, #tpu.memory_space<semaphore_mem>>)
    %mul3A_11 = arith.constant 6250 : i32
    %mul3A_12 = arith.muli %arg1, %mul3A_11 : i32
    %add3A_13 = arith.constant 800 : i32
    %add3A_14 = arith.addi %mul3A_12, %add3A_13 : i32
    %dma_start3A_15 = arith.constant 0 : i32
    %dma_start3A_16 = tpu.memref_slice %arg14[%add3A_14, %dma_start3A_15] : memref<100000x16xf32, #tpu.memory_space<vmem_shared>> -> memref<800x16xf32, #tpu.memory_space<vmem_shared>>
    %dma_start3A_17 = arith.constant 0 : i32
    %dma_start3A_18 = tpu.memref_slice %arg14[%add3A_14, %dma_start3A_17] : memref<100000x16xf32, #tpu.memory_space<vmem_shared>> -> memref<800x16xf32, #tpu.memory_space<vmem_shared>>
    tpu.enqueue_dma source(%arg6 : memref<800x16xf32, #tpu.memory_space<vmem>>) target(%dma_start3A_18 : memref<800x16xf32, #tpu.memory_space<vmem_shared>>) target_semaphore(%arg15 : memref<!tpu.dma_semaphore, #tpu.memory_space<semaphore_mem>>)
    %mul3A_19 = arith.constant 6250 : i32
    %mul3A_20 = arith.muli %arg1, %mul3A_19 : i32
    %add3A_21 = arith.constant 1600 : i32
    %add3A_22 = arith.addi %mul3A_20, %add3A_21 : i32
    %dma_start3A_23 = arith.constant 0 : i32
    %dma_start3A_24 = tpu.memref_slice %arg14[%add3A_22, %dma_start3A_23] : memref<100000x16xf32, #tpu.memory_space<vmem_shared>> -> memref<800x16xf32, #tpu.memory_space<vmem_shared>>
    %dma_start3A_25 = arith.constant 0 : i32
    %dma_start3A_26 = tpu.memref_slice %arg14[%add3A_22, %dma_start3A_25] : memref<100000x16xf32, #tpu.memory_space<vmem_shared>> -> memref<800x16xf32, #tpu.memory_space<vmem_shared>>
    tpu.enqueue_dma source(%arg6 : memref<800x16xf32, #tpu.memory_space<vmem>>) target(%dma_start3A_26 : memref<800x16xf32, #tpu.memory_space<vmem_shared>>) target_semaphore(%arg15 : memref<!tpu.dma_semaphore, #tpu.memory_space<semaphore_mem>>)
    %mul3A_27 = arith.constant 6250 : i32
    %mul3A_28 = arith.muli %arg1, %mul3A_27 : i32
    %add3A_29 = arith.constant 2400 : i32
    %add3A_30 = arith.addi %mul3A_28, %add3A_29 : i32
    %dma_start3A_31 = arith.constant 0 : i32
    %dma_start3A_32 = tpu.memref_slice %arg14[%add3A_30, %dma_start3A_31] : memref<100000x16xf32, #tpu.memory_space<vmem_shared>> -> memref<800x16xf32, #tpu.memory_space<vmem_shared>>
    %dma_start3A_33 = arith.constant 0 : i32
    %dma_start3A_34 = tpu.memref_slice %arg14[%add3A_30, %dma_start3A_33] : memref<100000x16xf32, #tpu.memory_space<vmem_shared>> -> memref<800x16xf32, #tpu.memory_space<vmem_shared>>
    tpu.enqueue_dma source(%arg6 : memref<800x16xf32, #tpu.memory_space<vmem>>) target(%dma_start3A_34 : memref<800x16xf32, #tpu.memory_space<vmem_shared>>) target_semaphore(%arg15 : memref<!tpu.dma_semaphore, #tpu.memory_space<semaphore_mem>>)
    %mul3A_35 = arith.constant 6250 : i32
    %mul3A_36 = arith.muli %arg1, %mul3A_35 : i32
    %add3A_37 = arith.constant 3200 : i32
    %add3A_38 = arith.addi %mul3A_36, %add3A_37 : i32
    %dma_start3A_39 = arith.constant 0 : i32
    %dma_start3A_40 = tpu.memref_slice %arg14[%add3A_38, %dma_start3A_39] : memref<100000x16xf32, #tpu.memory_space<vmem_shared>> -> memref<800x16xf32, #tpu.memory_space<vmem_shared>>
    %dma_start3A_41 = arith.constant 0 : i32
    %dma_start3A_42 = tpu.memref_slice %arg14[%add3A_38, %dma_start3A_41] : memref<100000x16xf32, #tpu.memory_space<vmem_shared>> -> memref<800x16xf32, #tpu.memory_space<vmem_shared>>
    tpu.enqueue_dma source(%arg6 : memref<800x16xf32, #tpu.memory_space<vmem>>) target(%dma_start3A_42 : memref<800x16xf32, #tpu.memory_space<vmem_shared>>) target_semaphore(%arg15 : memref<!tpu.dma_semaphore, #tpu.memory_space<semaphore_mem>>)
    %mul3A_43 = arith.constant 6250 : i32
    %mul3A_44 = arith.muli %arg1, %mul3A_43 : i32
    %add3A_45 = arith.constant 4000 : i32
    %add3A_46 = arith.addi %mul3A_44, %add3A_45 : i32
    %dma_start3A_47 = arith.constant 0 : i32
    %dma_start3A_48 = tpu.memref_slice %arg14[%add3A_46, %dma_start3A_47] : memref<100000x16xf32, #tpu.memory_space<vmem_shared>> -> memref<800x16xf32, #tpu.memory_space<vmem_shared>>
    %dma_start3A_49 = arith.constant 0 : i32
    %dma_start3A_50 = tpu.memref_slice %arg14[%add3A_46, %dma_start3A_49] : memref<100000x16xf32, #tpu.memory_space<vmem_shared>> -> memref<800x16xf32, #tpu.memory_space<vmem_shared>>
    tpu.enqueue_dma source(%arg6 : memref<800x16xf32, #tpu.memory_space<vmem>>) target(%dma_start3A_50 : memref<800x16xf32, #tpu.memory_space<vmem_shared>>) target_semaphore(%arg15 : memref<!tpu.dma_semaphore, #tpu.memory_space<semaphore_mem>>)
    %mul3A_51 = arith.constant 6250 : i32
    %mul3A_52 = arith.muli %arg1, %mul3A_51 : i32
    %add3A_53 = arith.constant 4800 : i32
    %add3A_54 = arith.addi %mul3A_52, %add3A_53 : i32
    %dma_start3A_55 = arith.constant 0 : i32
    %dma_start3A_56 = tpu.memref_slice %arg14[%add3A_54, %dma_start3A_55] : memref<100000x16xf32, #tpu.memory_space<vmem_shared>> -> memref<800x16xf32, #tpu.memory_space<vmem_shared>>
    %dma_start3A_57 = arith.constant 0 : i32
    %dma_start3A_58 = tpu.memref_slice %arg14[%add3A_54, %dma_start3A_57] : memref<100000x16xf32, #tpu.memory_space<vmem_shared>> -> memref<800x16xf32, #tpu.memory_space<vmem_shared>>
    tpu.enqueue_dma source(%arg6 : memref<800x16xf32, #tpu.memory_space<vmem>>) target(%dma_start3A_58 : memref<800x16xf32, #tpu.memory_space<vmem_shared>>) target_semaphore(%arg15 : memref<!tpu.dma_semaphore, #tpu.memory_space<semaphore_mem>>)
    %mul3A_59 = arith.constant 6250 : i32
    %mul3A_60 = arith.muli %arg1, %mul3A_59 : i32
    %add3A_61 = arith.constant 5600 : i32
    %add3A_62 = arith.addi %mul3A_60, %add3A_61 : i32
    %dma_start3A_63 = arith.constant 0 : i32
    %dma_start3A_64 = arith.constant 0 : i32
    %dma_start3A_65 = tpu.memref_slice %arg6[%dma_start3A_63, %dma_start3A_64] : memref<800x16xf32, #tpu.memory_space<vmem>> -> memref<650x16xf32, #tpu.memory_space<vmem>>
    %dma_start3A_66 = arith.constant 0 : i32
    %dma_start3A_67 = tpu.memref_slice %arg14[%add3A_62, %dma_start3A_66] : memref<100000x16xf32, #tpu.memory_space<vmem_shared>> -> memref<650x16xf32, #tpu.memory_space<vmem_shared>>
    %dma_start3A_68 = arith.constant 0 : i32
    %dma_start3A_69 = tpu.memref_slice %arg14[%add3A_62, %dma_start3A_68] : memref<100000x16xf32, #tpu.memory_space<vmem_shared>> -> memref<650x16xf32, #tpu.memory_space<vmem_shared>>
    %dma_start3A_70 = arith.constant 0 : i32
    %dma_start3A_71 = arith.constant 0 : i32
    %dma_start3A_72 = tpu.memref_slice %arg6[%dma_start3A_70, %dma_start3A_71] : memref<800x16xf32, #tpu.memory_space<vmem>> -> memref<650x16xf32, #tpu.memory_space<vmem>>
    tpu.enqueue_dma source(%dma_start3A_72 : memref<650x16xf32, #tpu.memory_space<vmem>>) target(%dma_start3A_69 : memref<650x16xf32, #tpu.memory_space<vmem_shared>>) target_semaphore(%arg15 : memref<!tpu.dma_semaphore, #tpu.memory_space<semaphore_mem>>)
    %dma_wait3A = arith.constant 0 : i32
    %dma_wait3A_73 = tpu.memref_slice %arg14[%add3A_7, %dma_wait3A] : memref<100000x16xf32, #tpu.memory_space<vmem_shared>> -> memref<800x16xf32, #tpu.memory_space<vmem_shared>>
    %dma_wait3A_74 = arith.constant 0 : i32
    %dma_wait3A_75 = tpu.memref_slice %arg14[%add3A_7, %dma_wait3A_74] : memref<100000x16xf32, #tpu.memory_space<vmem_shared>> -> memref<800x16xf32, #tpu.memory_space<vmem_shared>>
    tpu.wait_dma2 semaphore(%arg15 : memref<!tpu.dma_semaphore, #tpu.memory_space<semaphore_mem>>) src(%arg6 : memref<800x16xf32, #tpu.memory_space<vmem>>) dst(%dma_wait3A_75 : memref<800x16xf32, #tpu.memory_space<vmem_shared>>)
    %dma_wait3A_76 = arith.constant 0 : i32
    %dma_wait3A_77 = tpu.memref_slice %arg14[%add3A_14, %dma_wait3A_76] : memref<100000x16xf32, #tpu.memory_space<vmem_shared>> -> memref<800x16xf32, #tpu.memory_space<vmem_shared>>
    %dma_wait3A_78 = arith.constant 0 : i32
    %dma_wait3A_79 = tpu.memref_slice %arg14[%add3A_14, %dma_wait3A_78] : memref<100000x16xf32, #tpu.memory_space<vmem_shared>> -> memref<800x16xf32, #tpu.memory_space<vmem_shared>>
    tpu.wait_dma2 semaphore(%arg15 : memref<!tpu.dma_semaphore, #tpu.memory_space<semaphore_mem>>) src(%arg6 : memref<800x16xf32, #tpu.memory_space<vmem>>) dst(%dma_wait3A_79 : memref<800x16xf32, #tpu.memory_space<vmem_shared>>)
    %dma_wait3A_80 = arith.constant 0 : i32
    %dma_wait3A_81 = tpu.memref_slice %arg14[%add3A_22, %dma_wait3A_80] : memref<100000x16xf32, #tpu.memory_space<vmem_shared>> -> memref<800x16xf32, #tpu.memory_space<vmem_shared>>
    %dma_wait3A_82 = arith.constant 0 : i32
    %dma_wait3A_83 = tpu.memref_slice %arg14[%add3A_22, %dma_wait3A_82] : memref<100000x16xf32, #tpu.memory_space<vmem_shared>> -> memref<800x16xf32, #tpu.memory_space<vmem_shared>>
    tpu.wait_dma2 semaphore(%arg15 : memref<!tpu.dma_semaphore, #tpu.memory_space<semaphore_mem>>) src(%arg6 : memref<800x16xf32, #tpu.memory_space<vmem>>) dst(%dma_wait3A_83 : memref<800x16xf32, #tpu.memory_space<vmem_shared>>)
    %dma_wait3A_84 = arith.constant 0 : i32
    %dma_wait3A_85 = tpu.memref_slice %arg14[%add3A_30, %dma_wait3A_84] : memref<100000x16xf32, #tpu.memory_space<vmem_shared>> -> memref<800x16xf32, #tpu.memory_space<vmem_shared>>
    %dma_wait3A_86 = arith.constant 0 : i32
    %dma_wait3A_87 = tpu.memref_slice %arg14[%add3A_30, %dma_wait3A_86] : memref<100000x16xf32, #tpu.memory_space<vmem_shared>> -> memref<800x16xf32, #tpu.memory_space<vmem_shared>>
    tpu.wait_dma2 semaphore(%arg15 : memref<!tpu.dma_semaphore, #tpu.memory_space<semaphore_mem>>) src(%arg6 : memref<800x16xf32, #tpu.memory_space<vmem>>) dst(%dma_wait3A_87 : memref<800x16xf32, #tpu.memory_space<vmem_shared>>)
    %dma_wait3A_88 = arith.constant 0 : i32
    %dma_wait3A_89 = tpu.memref_slice %arg14[%add3A_38, %dma_wait3A_88] : memref<100000x16xf32, #tpu.memory_space<vmem_shared>> -> memref<800x16xf32, #tpu.memory_space<vmem_shared>>
    %dma_wait3A_90 = arith.constant 0 : i32
    %dma_wait3A_91 = tpu.memref_slice %arg14[%add3A_38, %dma_wait3A_90] : memref<100000x16xf32, #tpu.memory_space<vmem_shared>> -> memref<800x16xf32, #tpu.memory_space<vmem_shared>>
    tpu.wait_dma2 semaphore(%arg15 : memref<!tpu.dma_semaphore, #tpu.memory_space<semaphore_mem>>) src(%arg6 : memref<800x16xf32, #tpu.memory_space<vmem>>) dst(%dma_wait3A_91 : memref<800x16xf32, #tpu.memory_space<vmem_shared>>)
    %dma_wait3A_92 = arith.constant 0 : i32
    %dma_wait3A_93 = tpu.memref_slice %arg14[%add3A_46, %dma_wait3A_92] : memref<100000x16xf32, #tpu.memory_space<vmem_shared>> -> memref<800x16xf32, #tpu.memory_space<vmem_shared>>
    %dma_wait3A_94 = arith.constant 0 : i32
    %dma_wait3A_95 = tpu.memref_slice %arg14[%add3A_46, %dma_wait3A_94] : memref<100000x16xf32, #tpu.memory_space<vmem_shared>> -> memref<800x16xf32, #tpu.memory_space<vmem_shared>>
    tpu.wait_dma2 semaphore(%arg15 : memref<!tpu.dma_semaphore, #tpu.memory_space<semaphore_mem>>) src(%arg6 : memref<800x16xf32, #tpu.memory_space<vmem>>) dst(%dma_wait3A_95 : memref<800x16xf32, #tpu.memory_space<vmem_shared>>)
    %dma_wait3A_96 = arith.constant 0 : i32
    %dma_wait3A_97 = tpu.memref_slice %arg14[%add3A_54, %dma_wait3A_96] : memref<100000x16xf32, #tpu.memory_space<vmem_shared>> -> memref<800x16xf32, #tpu.memory_space<vmem_shared>>
    %dma_wait3A_98 = arith.constant 0 : i32
    %dma_wait3A_99 = tpu.memref_slice %arg14[%add3A_54, %dma_wait3A_98] : memref<100000x16xf32, #tpu.memory_space<vmem_shared>> -> memref<800x16xf32, #tpu.memory_space<vmem_shared>>
    tpu.wait_dma2 semaphore(%arg15 : memref<!tpu.dma_semaphore, #tpu.memory_space<semaphore_mem>>) src(%arg6 : memref<800x16xf32, #tpu.memory_space<vmem>>) dst(%dma_wait3A_99 : memref<800x16xf32, #tpu.memory_space<vmem_shared>>)
    %dma_wait3A_100 = arith.constant 0 : i32
    %dma_wait3A_101 = arith.constant 0 : i32
    %dma_wait3A_102 = tpu.memref_slice %arg6[%dma_wait3A_100, %dma_wait3A_101] : memref<800x16xf32, #tpu.memory_space<vmem>> -> memref<650x16xf32, #tpu.memory_space<vmem>>
    %dma_wait3A_103 = arith.constant 0 : i32
    %dma_wait3A_104 = tpu.memref_slice %arg14[%add3A_62, %dma_wait3A_103] : memref<100000x16xf32, #tpu.memory_space<vmem_shared>> -> memref<650x16xf32, #tpu.memory_space<vmem_shared>>
    %dma_wait3A_105 = arith.constant 0 : i32
    %dma_wait3A_106 = tpu.memref_slice %arg14[%add3A_62, %dma_wait3A_105] : memref<100000x16xf32, #tpu.memory_space<vmem_shared>> -> memref<650x16xf32, #tpu.memory_space<vmem_shared>>
    %dma_wait3A_107 = arith.constant 0 : i32
    %dma_wait3A_108 = arith.constant 0 : i32
    %dma_wait3A_109 = tpu.memref_slice %arg6[%dma_wait3A_107, %dma_wait3A_108] : memref<800x16xf32, #tpu.memory_space<vmem>> -> memref<650x16xf32, #tpu.memory_space<vmem>>
    tpu.wait_dma2 semaphore(%arg15 : memref<!tpu.dma_semaphore, #tpu.memory_space<semaphore_mem>>) src(%dma_wait3A_109 : memref<650x16xf32, #tpu.memory_space<vmem>>) dst(%dma_wait3A_106 : memref<650x16xf32, #tpu.memory_space<vmem_shared>>)
    %barrier3A = arith.constant 0 : index
    tpu.barrier barrier_id(%barrier3A)
    %mul3A_110 = arith.constant 800000 : i32
    %mul3A_111 = arith.muli %arg0, %mul3A_110 : i32
    %mul3A_112 = arith.constant 50000 : i32
    %mul3A_113 = arith.muli %arg1, %mul3A_112 : i32
    %add3A_114 = arith.addi %mul3A_111, %mul3A_113 : i32
    %add3A_115 = arith.constant 0 : i32
    %add3A_116 = arith.addi %add3A_114, %add3A_115 : i32
    %run_scoped3A = arith.constant 0 : i32
    "tpu.region"() ({
      %run_scoped3A_181 = tpu.sem_alloc : memref<!tpu.dma_semaphore, #tpu.memory_space<semaphore_mem>>
      %dma_start3A_182 = tpu.memref_slice %arg2[%run_scoped3A, %add3A_116] : memref<2x1600000xi32, #tpu.memory_space<hbm>> -> memref<1x800xi32, #tpu.memory_space<hbm>>
      %dma_start3A_183 = tpu.memref_squeeze %dma_start3A_182 : memref<1x800xi32, #tpu.memory_space<hbm>> -> memref<800xi32, #tpu.memory_space<hbm>>
      %dma_start3A_184 = tpu.memref_slice %arg2[%run_scoped3A, %add3A_116] : memref<2x1600000xi32, #tpu.memory_space<hbm>> -> memref<1x800xi32, #tpu.memory_space<hbm>>
      %dma_start3A_185 = tpu.memref_squeeze %dma_start3A_184 : memref<1x800xi32, #tpu.memory_space<hbm>> -> memref<800xi32, #tpu.memory_space<hbm>>
      tpu.enqueue_dma source(%dma_start3A_185 : memref<800xi32, #tpu.memory_space<hbm>>) target(%arg8 : memref<800xi32, #tpu.memory_space<vmem>>) target_semaphore(%run_scoped3A_181 : memref<!tpu.dma_semaphore, #tpu.memory_space<semaphore_mem>>)
      %dma_wait3A_186 = tpu.memref_slice %arg2[%run_scoped3A, %add3A_116] : memref<2x1600000xi32, #tpu.memory_space<hbm>> -> memref<1x800xi32, #tpu.memory_space<hbm>>
      %dma_wait3A_187 = tpu.memref_squeeze %dma_wait3A_186 : memref<1x800xi32, #tpu.memory_space<hbm>> -> memref<800xi32, #tpu.memory_space<hbm>>
      %dma_wait3A_188 = tpu.memref_slice %arg2[%run_scoped3A, %add3A_116] : memref<2x1600000xi32, #tpu.memory_space<hbm>> -> memref<1x800xi32, #tpu.memory_space<hbm>>
      %dma_wait3A_189 = tpu.memref_squeeze %dma_wait3A_188 : memref<1x800xi32, #tpu.memory_space<hbm>> -> memref<800xi32, #tpu.memory_space<hbm>>
      tpu.wait_dma2 semaphore(%run_scoped3A_181 : memref<!tpu.dma_semaphore, #tpu.memory_space<semaphore_mem>>) src(%dma_wait3A_189 : memref<800xi32, #tpu.memory_space<hbm>>) dst(%arg8 : memref<800xi32, #tpu.memory_space<vmem>>)
      tpu.yield
    }) : () -> ()
    %add3A_117 = arith.constant 0 : i32
    %add3A_118 = arith.addi %add3A_114, %add3A_117 : i32
    %run_scoped3A_119 = arith.constant 1 : i32
    "tpu.region"() ({
      %run_scoped3A_181 = tpu.sem_alloc : memref<!tpu.dma_semaphore, #tpu.memory_space<semaphore_mem>>
      %dma_start3A_182 = tpu.memref_slice %arg2[%run_scoped3A_119, %add3A_118] : memref<2x1600000xi32, #tpu.memory_space<hbm>> -> memref<1x800xi32, #tpu.memory_space<hbm>>
      %dma_start3A_183 = tpu.memref_squeeze %dma_start3A_182 : memref<1x800xi32, #tpu.memory_space<hbm>> -> memref<800xi32, #tpu.memory_space<hbm>>
      %dma_start3A_184 = tpu.memref_slice %arg2[%run_scoped3A_119, %add3A_118] : memref<2x1600000xi32, #tpu.memory_space<hbm>> -> memref<1x800xi32, #tpu.memory_space<hbm>>
      %dma_start3A_185 = tpu.memref_squeeze %dma_start3A_184 : memref<1x800xi32, #tpu.memory_space<hbm>> -> memref<800xi32, #tpu.memory_space<hbm>>
      tpu.enqueue_dma source(%dma_start3A_185 : memref<800xi32, #tpu.memory_space<hbm>>) target(%arg10 : memref<800xi32, #tpu.memory_space<vmem>>) target_semaphore(%run_scoped3A_181 : memref<!tpu.dma_semaphore, #tpu.memory_space<semaphore_mem>>)
      %dma_wait3A_186 = tpu.memref_slice %arg2[%run_scoped3A_119, %add3A_118] : memref<2x1600000xi32, #tpu.memory_space<hbm>> -> memref<1x800xi32, #tpu.memory_space<hbm>>
      %dma_wait3A_187 = tpu.memref_squeeze %dma_wait3A_186 : memref<1x800xi32, #tpu.memory_space<hbm>> -> memref<800xi32, #tpu.memory_space<hbm>>
      %dma_wait3A_188 = tpu.memref_slice %arg2[%run_scoped3A_119, %add3A_118] : memref<2x1600000xi32, #tpu.memory_space<hbm>> -> memref<1x800xi32, #tpu.memory_space<hbm>>
      %dma_wait3A_189 = tpu.memref_squeeze %dma_wait3A_188 : memref<1x800xi32, #tpu.memory_space<hbm>> -> memref<800xi32, #tpu.memory_space<hbm>>
      tpu.wait_dma2 semaphore(%run_scoped3A_181 : memref<!tpu.dma_semaphore, #tpu.memory_space<semaphore_mem>>) src(%dma_wait3A_189 : memref<800xi32, #tpu.memory_space<hbm>>) dst(%arg10 : memref<800xi32, #tpu.memory_space<vmem>>)
      tpu.yield
    }) : () -> ()
    %dma_start3A_120 = arith.constant 0 : i32
    %dma_start3A_121 = arith.constant 0 : i32
    %dma_start3A_122 = tpu.memref_slice %arg3[%dma_start3A_120, %dma_start3A_121] : memref<102400x16xf32, #tpu.memory_space<hbm>> -> memref<102400x16xf32, #tpu.memory_space<hbm>>
    tpu.enqueue_indirect_dma source(%dma_start3A_122 : memref<102400x16xf32, #tpu.memory_space<hbm>>) target(%arg6 : memref<800x16xf32, #tpu.memory_space<vmem>>) offsets(%arg8 : memref<800xi32, #tpu.memory_space<vmem>>) semaphore(%arg15 : memref<!tpu.dma_semaphore, #tpu.memory_space<semaphore_mem>>)
    %add3A_123 = arith.constant 800 : i32
    %add3A_124 = arith.addi %add3A_114, %add3A_123 : i32
    %run_scoped3A_125 = arith.constant 0 : i32
    "tpu.region"() ({
      %run_scoped3A_181 = tpu.sem_alloc : memref<!tpu.dma_semaphore, #tpu.memory_space<semaphore_mem>>
      %dma_start3A_182 = tpu.memref_slice %arg2[%run_scoped3A_125, %add3A_124] : memref<2x1600000xi32, #tpu.memory_space<hbm>> -> memref<1x800xi32, #tpu.memory_space<hbm>>
      %dma_start3A_183 = tpu.memref_squeeze %dma_start3A_182 : memref<1x800xi32, #tpu.memory_space<hbm>> -> memref<800xi32, #tpu.memory_space<hbm>>
      %dma_start3A_184 = tpu.memref_slice %arg2[%run_scoped3A_125, %add3A_124] : memref<2x1600000xi32, #tpu.memory_space<hbm>> -> memref<1x800xi32, #tpu.memory_space<hbm>>
      %dma_start3A_185 = tpu.memref_squeeze %dma_start3A_184 : memref<1x800xi32, #tpu.memory_space<hbm>> -> memref<800xi32, #tpu.memory_space<hbm>>
      tpu.enqueue_dma source(%dma_start3A_185 : memref<800xi32, #tpu.memory_space<hbm>>) target(%arg9 : memref<800xi32, #tpu.memory_space<vmem>>) target_semaphore(%run_scoped3A_181 : memref<!tpu.dma_semaphore, #tpu.memory_space<semaphore_mem>>)
      %dma_wait3A_186 = tpu.memref_slice %arg2[%run_scoped3A_125, %add3A_124] : memref<2x1600000xi32, #tpu.memory_space<hbm>> -> memref<1x800xi32, #tpu.memory_space<hbm>>
      %dma_wait3A_187 = tpu.memref_squeeze %dma_wait3A_186 : memref<1x800xi32, #tpu.memory_space<hbm>> -> memref<800xi32, #tpu.memory_space<hbm>>
      %dma_wait3A_188 = tpu.memref_slice %arg2[%run_scoped3A_125, %add3A_124] : memref<2x1600000xi32, #tpu.memory_space<hbm>> -> memref<1x800xi32, #tpu.memory_space<hbm>>
      %dma_wait3A_189 = tpu.memref_squeeze %dma_wait3A_188 : memref<1x800xi32, #tpu.memory_space<hbm>> -> memref<800xi32, #tpu.memory_space<hbm>>
      tpu.wait_dma2 semaphore(%run_scoped3A_181 : memref<!tpu.dma_semaphore, #tpu.memory_space<semaphore_mem>>) src(%dma_wait3A_189 : memref<800xi32, #tpu.memory_space<hbm>>) dst(%arg9 : memref<800xi32, #tpu.memory_space<vmem>>)
      tpu.yield
    }) : () -> ()
    %add3A_126 = arith.constant 800 : i32
    %add3A_127 = arith.addi %add3A_114, %add3A_126 : i32
    %run_scoped3A_128 = arith.constant 1 : i32
    "tpu.region"() ({
      %run_scoped3A_181 = tpu.sem_alloc : memref<!tpu.dma_semaphore, #tpu.memory_space<semaphore_mem>>
      %dma_start3A_182 = tpu.memref_slice %arg2[%run_scoped3A_128, %add3A_127] : memref<2x1600000xi32, #tpu.memory_space<hbm>> -> memref<1x800xi32, #tpu.memory_space<hbm>>
      %dma_start3A_183 = tpu.memref_squeeze %dma_start3A_182 : memref<1x800xi32, #tpu.memory_space<hbm>> -> memref<800xi32, #tpu.memory_space<hbm>>
      %dma_start3A_184 = tpu.memref_slice %arg2[%run_scoped3A_128, %add3A_127] : memref<2x1600000xi32, #tpu.memory_space<hbm>> -> memref<1x800xi32, #tpu.memory_space<hbm>>
      %dma_start3A_185 = tpu.memref_squeeze %dma_start3A_184 : memref<1x800xi32, #tpu.memory_space<hbm>> -> memref<800xi32, #tpu.memory_space<hbm>>
      tpu.enqueue_dma source(%dma_start3A_185 : memref<800xi32, #tpu.memory_space<hbm>>) target(%arg11 : memref<800xi32, #tpu.memory_space<vmem>>) target_semaphore(%run_scoped3A_181 : memref<!tpu.dma_semaphore, #tpu.memory_space<semaphore_mem>>)
      %dma_wait3A_186 = tpu.memref_slice %arg2[%run_scoped3A_128, %add3A_127] : memref<2x1600000xi32, #tpu.memory_space<hbm>> -> memref<1x800xi32, #tpu.memory_space<hbm>>
      %dma_wait3A_187 = tpu.memref_squeeze %dma_wait3A_186 : memref<1x800xi32, #tpu.memory_space<hbm>> -> memref<800xi32, #tpu.memory_space<hbm>>
      %dma_wait3A_188 = tpu.memref_slice %arg2[%run_scoped3A_128, %add3A_127] : memref<2x1600000xi32, #tpu.memory_space<hbm>> -> memref<1x800xi32, #tpu.memory_space<hbm>>
      %dma_wait3A_189 = tpu.memref_squeeze %dma_wait3A_188 : memref<1x800xi32, #tpu.memory_space<hbm>> -> memref<800xi32, #tpu.memory_space<hbm>>
      tpu.wait_dma2 semaphore(%run_scoped3A_181 : memref<!tpu.dma_semaphore, #tpu.memory_space<semaphore_mem>>) src(%dma_wait3A_189 : memref<800xi32, #tpu.memory_space<hbm>>) dst(%arg11 : memref<800xi32, #tpu.memory_space<vmem>>)
      tpu.yield
    }) : () -> ()
    %dma_start3A_129 = arith.constant 0 : i32
    %dma_start3A_130 = arith.constant 0 : i32
    %dma_start3A_131 = tpu.memref_slice %arg3[%dma_start3A_129, %dma_start3A_130] : memref<102400x16xf32, #tpu.memory_space<hbm>> -> memref<102400x16xf32, #tpu.memory_space<hbm>>
    tpu.enqueue_indirect_dma source(%dma_start3A_131 : memref<102400x16xf32, #tpu.memory_space<hbm>>) target(%arg7 : memref<800x16xf32, #tpu.memory_space<vmem>>) offsets(%arg9 : memref<800xi32, #tpu.memory_space<vmem>>) semaphore(%arg16 : memref<!tpu.dma_semaphore, #tpu.memory_space<semaphore_mem>>)
    %dma_wait3A_132 = arith.constant 0 : i32
    %dma_wait3A_133 = arith.constant 0 : i32
    %dma_wait3A_134 = tpu.memref_slice %arg3[%dma_wait3A_132, %dma_wait3A_133] : memref<102400x16xf32, #tpu.memory_space<hbm>> -> memref<102400x16xf32, #tpu.memory_space<hbm>>
    tpu.wait_indirect_dma semaphore(%arg15 : memref<!tpu.dma_semaphore, #tpu.memory_space<semaphore_mem>>) src(%dma_wait3A_134 : memref<102400x16xf32, #tpu.memory_space<hbm>>) dst(%arg6 : memref<800x16xf32, #tpu.memory_space<vmem>>)
    %dma_start3A_135 = arith.constant 0 : i32
    %dma_start3A_136 = arith.constant 0 : i32
    %dma_start3A_137 = tpu.memref_slice %arg14[%dma_start3A_135, %dma_start3A_136] : memref<100000x16xf32, #tpu.memory_space<vmem_shared>> -> memref<100000x16xf32, #tpu.memory_space<vmem_shared>>
    tpu.enqueue_indirect_dma source(%arg6 : memref<800x16xf32, #tpu.memory_space<vmem>>) target(%dma_start3A_137 : memref<100000x16xf32, #tpu.memory_space<vmem_shared>>) offsets(%arg10 : memref<800xi32, #tpu.memory_space<vmem>>) semaphore(%arg17 : memref<!tpu.dma_semaphore, #tpu.memory_space<semaphore_mem>>) {add = true}
    %scan3A_138 = arith.constant 0 : i32
    %scan3A_139 = arith.constant 2 : i32
    %scan3A_140 = arith.constant 60 : i32
    %scan3A_141 = arith.addi %scan3A_139, %scan3A_140 : i32
    %scan3A_142 = arith.constant 1 : i32
    %scan3A_143 = scf.for %scan3A_181 = %scan3A_139 to %scan3A_141 step %scan3A_142 iter_args(%scan3A_182 = %scan3A_138) -> (i32)  : i32 {
      %jit3A = arith.constant 2 : i32
      %eq3A_183 = arith.constant 0 : i32
      %eq3A_184 = arith.cmpi eq, %jit3A, %eq3A_183 : i32
      %jit3A_185 = arith.constant 1 : i32
      %select_n3A = arith.select %eq3A_184, %jit3A_185, %jit3A : i32
      %rem3A = arith.remsi %scan3A_181, %select_n3A : i32
      %ne3A = arith.constant 0 : i32
      %ne3A_186 = arith.cmpi ne, %rem3A, %ne3A : i32
      %lt3A = arith.constant 0 : i32
      %lt3A_187 = arith.cmpi slt, %rem3A, %lt3A : i32
      %lt3A_188 = arith.constant 0 : i32
      %lt3A_189 = arith.cmpi slt, %select_n3A, %lt3A_188 : i32
      %ne3A_190 = arith.xori %lt3A_187, %lt3A_189 : i1
      %and3A = arith.andi %ne3A_190, %ne3A_186 : i1
      %add3A_191 = arith.addi %rem3A, %select_n3A : i32
      %select_n3A_192 = arith.select %and3A, %add3A_191, %rem3A : i32
      %eq3A_193 = arith.constant 0 : i32
      %eq3A_194 = arith.cmpi eq, %select_n3A_192, %eq3A_193 : i32
      %convert_element_type3A_195 = arith.extui %eq3A_194 : i1 to i32
      %cond3A_196 = arith.constant 0 : i32
      %cond3A_197 = arith.cmpi ne, %convert_element_type3A_195, %cond3A_196 : i32
      scf.if %cond3A_197 {
        %dma_wait3A_220 = arith.constant 0 : i32
        %dma_wait3A_221 = arith.constant 0 : i32
        %dma_wait3A_222 = tpu.memref_slice %arg14[%dma_wait3A_220, %dma_wait3A_221] : memref<100000x16xf32, #tpu.memory_space<vmem_shared>> -> memref<100000x16xf32, #tpu.memory_space<vmem_shared>>
        tpu.wait_indirect_dma semaphore(%arg17 : memref<!tpu.dma_semaphore, #tpu.memory_space<semaphore_mem>>) src(%arg6 : memref<800x16xf32, #tpu.memory_space<vmem>>) dst(%dma_wait3A_222 : memref<100000x16xf32, #tpu.memory_space<vmem_shared>>)
        %mul3A_223 = arith.constant 800 : i32
        %mul3A_224 = arith.muli %scan3A_181, %mul3A_223 : i32
        %add3A_225 = arith.addi %add3A_114, %mul3A_224 : i32
        %run_scoped3A_226 = arith.constant 0 : i32
        "tpu.region"() ({
          %run_scoped3A_240 = tpu.sem_alloc : memref<!tpu.dma_semaphore, #tpu.memory_space<semaphore_mem>>
          %dma_start3A_241 = tpu.memref_slice %arg2[%run_scoped3A_226, %add3A_225] : memref<2x1600000xi32, #tpu.memory_space<hbm>> -> memref<1x800xi32, #tpu.memory_space<hbm>>
          %dma_start3A_242 = tpu.memref_squeeze %dma_start3A_241 : memref<1x800xi32, #tpu.memory_space<hbm>> -> memref<800xi32, #tpu.memory_space<hbm>>
          %dma_start3A_243 = tpu.memref_slice %arg2[%run_scoped3A_226, %add3A_225] : memref<2x1600000xi32, #tpu.memory_space<hbm>> -> memref<1x800xi32, #tpu.memory_space<hbm>>
          %dma_start3A_244 = tpu.memref_squeeze %dma_start3A_243 : memref<1x800xi32, #tpu.memory_space<hbm>> -> memref<800xi32, #tpu.memory_space<hbm>>
          tpu.enqueue_dma source(%dma_start3A_244 : memref<800xi32, #tpu.memory_space<hbm>>) target(%arg8 : memref<800xi32, #tpu.memory_space<vmem>>) target_semaphore(%run_scoped3A_240 : memref<!tpu.dma_semaphore, #tpu.memory_space<semaphore_mem>>)
          %dma_wait3A_245 = tpu.memref_slice %arg2[%run_scoped3A_226, %add3A_225] : memref<2x1600000xi32, #tpu.memory_space<hbm>> -> memref<1x800xi32, #tpu.memory_space<hbm>>
          %dma_wait3A_246 = tpu.memref_squeeze %dma_wait3A_245 : memref<1x800xi32, #tpu.memory_space<hbm>> -> memref<800xi32, #tpu.memory_space<hbm>>
          %dma_wait3A_247 = tpu.memref_slice %arg2[%run_scoped3A_226, %add3A_225] : memref<2x1600000xi32, #tpu.memory_space<hbm>> -> memref<1x800xi32, #tpu.memory_space<hbm>>
          %dma_wait3A_248 = tpu.memref_squeeze %dma_wait3A_247 : memref<1x800xi32, #tpu.memory_space<hbm>> -> memref<800xi32, #tpu.memory_space<hbm>>
          tpu.wait_dma2 semaphore(%run_scoped3A_240 : memref<!tpu.dma_semaphore, #tpu.memory_space<semaphore_mem>>) src(%dma_wait3A_248 : memref<800xi32, #tpu.memory_space<hbm>>) dst(%arg8 : memref<800xi32, #tpu.memory_space<vmem>>)
          tpu.yield
        }) : () -> ()
        %mul3A_227 = arith.constant 800 : i32
        %mul3A_228 = arith.muli %scan3A_181, %mul3A_227 : i32
        %add3A_229 = arith.addi %add3A_114, %mul3A_228 : i32
        %run_scoped3A_230 = arith.constant 1 : i32
        "tpu.region"() ({
          %run_scoped3A_240 = tpu.sem_alloc : memref<!tpu.dma_semaphore, #tpu.memory_space<semaphore_mem>>
          %dma_start3A_241 = tpu.memref_slice %arg2[%run_scoped3A_230, %add3A_229] : memref<2x1600000xi32, #tpu.memory_space<hbm>> -> memref<1x800xi32, #tpu.memory_space<hbm>>
          %dma_start3A_242 = tpu.memref_squeeze %dma_start3A_241 : memref<1x800xi32, #tpu.memory_space<hbm>> -> memref<800xi32, #tpu.memory_space<hbm>>
          %dma_start3A_243 = tpu.memref_slice %arg2[%run_scoped3A_230, %add3A_229] : memref<2x1600000xi32, #tpu.memory_space<hbm>> -> memref<1x800xi32, #tpu.memory_space<hbm>>
          %dma_start3A_244 = tpu.memref_squeeze %dma_start3A_243 : memref<1x800xi32, #tpu.memory_space<hbm>> -> memref<800xi32, #tpu.memory_space<hbm>>
          tpu.enqueue_dma source(%dma_start3A_244 : memref<800xi32, #tpu.memory_space<hbm>>) target(%arg10 : memref<800xi32, #tpu.memory_space<vmem>>) target_semaphore(%run_scoped3A_240 : memref<!tpu.dma_semaphore, #tpu.memory_space<semaphore_mem>>)
          %dma_wait3A_245 = tpu.memref_slice %arg2[%run_scoped3A_230, %add3A_229] : memref<2x1600000xi32, #tpu.memory_space<hbm>> -> memref<1x800xi32, #tpu.memory_space<hbm>>
          %dma_wait3A_246 = tpu.memref_squeeze %dma_wait3A_245 : memref<1x800xi32, #tpu.memory_space<hbm>> -> memref<800xi32, #tpu.memory_space<hbm>>
          %dma_wait3A_247 = tpu.memref_slice %arg2[%run_scoped3A_230, %add3A_229] : memref<2x1600000xi32, #tpu.memory_space<hbm>> -> memref<1x800xi32, #tpu.memory_space<hbm>>
          %dma_wait3A_248 = tpu.memref_squeeze %dma_wait3A_247 : memref<1x800xi32, #tpu.memory_space<hbm>> -> memref<800xi32, #tpu.memory_space<hbm>>
          tpu.wait_dma2 semaphore(%run_scoped3A_240 : memref<!tpu.dma_semaphore, #tpu.memory_space<semaphore_mem>>) src(%dma_wait3A_248 : memref<800xi32, #tpu.memory_space<hbm>>) dst(%arg10 : memref<800xi32, #tpu.memory_space<vmem>>)
          tpu.yield
        }) : () -> ()
        %dma_start3A_231 = arith.constant 0 : i32
        %dma_start3A_232 = arith.constant 0 : i32
        %dma_start3A_233 = tpu.memref_slice %arg3[%dma_start3A_231, %dma_start3A_232] : memref<102400x16xf32, #tpu.memory_space<hbm>> -> memref<102400x16xf32, #tpu.memory_space<hbm>>
        tpu.enqueue_indirect_dma source(%dma_start3A_233 : memref<102400x16xf32, #tpu.memory_space<hbm>>) target(%arg6 : memref<800x16xf32, #tpu.memory_space<vmem>>) offsets(%arg8 : memref<800xi32, #tpu.memory_space<vmem>>) semaphore(%arg15 : memref<!tpu.dma_semaphore, #tpu.memory_space<semaphore_mem>>)
        %dma_wait3A_234 = arith.constant 0 : i32
        %dma_wait3A_235 = arith.constant 0 : i32
        %dma_wait3A_236 = tpu.memref_slice %arg3[%dma_wait3A_234, %dma_wait3A_235] : memref<102400x16xf32, #tpu.memory_space<hbm>> -> memref<102400x16xf32, #tpu.memory_space<hbm>>
        tpu.wait_indirect_dma semaphore(%arg16 : memref<!tpu.dma_semaphore, #tpu.memory_space<semaphore_mem>>) src(%dma_wait3A_236 : memref<102400x16xf32, #tpu.memory_space<hbm>>) dst(%arg7 : memref<800x16xf32, #tpu.memory_space<vmem>>)
        %dma_start3A_237 = arith.constant 0 : i32
        %dma_start3A_238 = arith.constant 0 : i32
        %dma_start3A_239 = tpu.memref_slice %arg14[%dma_start3A_237, %dma_start3A_238] : memref<100000x16xf32, #tpu.memory_space<vmem_shared>> -> memref<100000x16xf32, #tpu.memory_space<vmem_shared>>
        tpu.enqueue_indirect_dma source(%arg7 : memref<800x16xf32, #tpu.memory_space<vmem>>) target(%dma_start3A_239 : memref<100000x16xf32, #tpu.memory_space<vmem_shared>>) offsets(%arg11 : memref<800xi32, #tpu.memory_space<vmem>>) semaphore(%arg18 : memref<!tpu.dma_semaphore, #tpu.memory_space<semaphore_mem>>) {add = true}
      } else {
      }
      %jit3A_198 = arith.constant 2 : i32
      %eq3A_199 = arith.constant 0 : i32
      %eq3A_200 = arith.cmpi eq, %jit3A_198, %eq3A_199 : i32
      %jit3A_201 = arith.constant 1 : i32
      %select_n3A_202 = arith.select %eq3A_200, %jit3A_201, %jit3A_198 : i32
      %rem3A_203 = arith.remsi %scan3A_181, %select_n3A_202 : i32
      %ne3A_204 = arith.constant 0 : i32
      %ne3A_205 = arith.cmpi ne, %rem3A_203, %ne3A_204 : i32
      %lt3A_206 = arith.constant 0 : i32
      %lt3A_207 = arith.cmpi slt, %rem3A_203, %lt3A_206 : i32
      %lt3A_208 = arith.constant 0 : i32
      %lt3A_209 = arith.cmpi slt, %select_n3A_202, %lt3A_208 : i32
      %ne3A_210 = arith.xori %lt3A_207, %lt3A_209 : i1
      %and3A_211 = arith.andi %ne3A_210, %ne3A_205 : i1
      %add3A_212 = arith.addi %rem3A_203, %select_n3A_202 : i32
      %select_n3A_213 = arith.select %and3A_211, %add3A_212, %rem3A_203 : i32
      %eq3A_214 = arith.constant 1 : i32
      %eq3A_215 = arith.cmpi eq, %select_n3A_213, %eq3A_214 : i32
      %convert_element_type3A_216 = arith.extui %eq3A_215 : i1 to i32
      %cond3A_217 = arith.constant 0 : i32
      %cond3A_218 = arith.cmpi ne, %convert_element_type3A_216, %cond3A_217 : i32
      scf.if %cond3A_218 {
        %dma_wait3A_220 = arith.constant 0 : i32
        %dma_wait3A_221 = arith.constant 0 : i32
        %dma_wait3A_222 = tpu.memref_slice %arg14[%dma_wait3A_220, %dma_wait3A_221] : memref<100000x16xf32, #tpu.memory_space<vmem_shared>> -> memref<100000x16xf32, #tpu.memory_space<vmem_shared>>
        tpu.wait_indirect_dma semaphore(%arg18 : memref<!tpu.dma_semaphore, #tpu.memory_space<semaphore_mem>>) src(%arg7 : memref<800x16xf32, #tpu.memory_space<vmem>>) dst(%dma_wait3A_222 : memref<100000x16xf32, #tpu.memory_space<vmem_shared>>)
        %mul3A_223 = arith.constant 800 : i32
        %mul3A_224 = arith.muli %scan3A_181, %mul3A_223 : i32
        %add3A_225 = arith.addi %add3A_114, %mul3A_224 : i32
        %run_scoped3A_226 = arith.constant 0 : i32
        "tpu.region"() ({
          %run_scoped3A_240 = tpu.sem_alloc : memref<!tpu.dma_semaphore, #tpu.memory_space<semaphore_mem>>
          %dma_start3A_241 = tpu.memref_slice %arg2[%run_scoped3A_226, %add3A_225] : memref<2x1600000xi32, #tpu.memory_space<hbm>> -> memref<1x800xi32, #tpu.memory_space<hbm>>
          %dma_start3A_242 = tpu.memref_squeeze %dma_start3A_241 : memref<1x800xi32, #tpu.memory_space<hbm>> -> memref<800xi32, #tpu.memory_space<hbm>>
          %dma_start3A_243 = tpu.memref_slice %arg2[%run_scoped3A_226, %add3A_225] : memref<2x1600000xi32, #tpu.memory_space<hbm>> -> memref<1x800xi32, #tpu.memory_space<hbm>>
          %dma_start3A_244 = tpu.memref_squeeze %dma_start3A_243 : memref<1x800xi32, #tpu.memory_space<hbm>> -> memref<800xi32, #tpu.memory_space<hbm>>
          tpu.enqueue_dma source(%dma_start3A_244 : memref<800xi32, #tpu.memory_space<hbm>>) target(%arg9 : memref<800xi32, #tpu.memory_space<vmem>>) target_semaphore(%run_scoped3A_240 : memref<!tpu.dma_semaphore, #tpu.memory_space<semaphore_mem>>)
          %dma_wait3A_245 = tpu.memref_slice %arg2[%run_scoped3A_226, %add3A_225] : memref<2x1600000xi32, #tpu.memory_space<hbm>> -> memref<1x800xi32, #tpu.memory_space<hbm>>
          %dma_wait3A_246 = tpu.memref_squeeze %dma_wait3A_245 : memref<1x800xi32, #tpu.memory_space<hbm>> -> memref<800xi32, #tpu.memory_space<hbm>>
          %dma_wait3A_247 = tpu.memref_slice %arg2[%run_scoped3A_226, %add3A_225] : memref<2x1600000xi32, #tpu.memory_space<hbm>> -> memref<1x800xi32, #tpu.memory_space<hbm>>
          %dma_wait3A_248 = tpu.memref_squeeze %dma_wait3A_247 : memref<1x800xi32, #tpu.memory_space<hbm>> -> memref<800xi32, #tpu.memory_space<hbm>>
          tpu.wait_dma2 semaphore(%run_scoped3A_240 : memref<!tpu.dma_semaphore, #tpu.memory_space<semaphore_mem>>) src(%dma_wait3A_248 : memref<800xi32, #tpu.memory_space<hbm>>) dst(%arg9 : memref<800xi32, #tpu.memory_space<vmem>>)
          tpu.yield
        }) : () -> ()
        %mul3A_227 = arith.constant 800 : i32
        %mul3A_228 = arith.muli %scan3A_181, %mul3A_227 : i32
        %add3A_229 = arith.addi %add3A_114, %mul3A_228 : i32
        %run_scoped3A_230 = arith.constant 1 : i32
        "tpu.region"() ({
          %run_scoped3A_240 = tpu.sem_alloc : memref<!tpu.dma_semaphore, #tpu.memory_space<semaphore_mem>>
          %dma_start3A_241 = tpu.memref_slice %arg2[%run_scoped3A_230, %add3A_229] : memref<2x1600000xi32, #tpu.memory_space<hbm>> -> memref<1x800xi32, #tpu.memory_space<hbm>>
          %dma_start3A_242 = tpu.memref_squeeze %dma_start3A_241 : memref<1x800xi32, #tpu.memory_space<hbm>> -> memref<800xi32, #tpu.memory_space<hbm>>
          %dma_start3A_243 = tpu.memref_slice %arg2[%run_scoped3A_230, %add3A_229] : memref<2x1600000xi32, #tpu.memory_space<hbm>> -> memref<1x800xi32, #tpu.memory_space<hbm>>
          %dma_start3A_244 = tpu.memref_squeeze %dma_start3A_243 : memref<1x800xi32, #tpu.memory_space<hbm>> -> memref<800xi32, #tpu.memory_space<hbm>>
          tpu.enqueue_dma source(%dma_start3A_244 : memref<800xi32, #tpu.memory_space<hbm>>) target(%arg11 : memref<800xi32, #tpu.memory_space<vmem>>) target_semaphore(%run_scoped3A_240 : memref<!tpu.dma_semaphore, #tpu.memory_space<semaphore_mem>>)
          %dma_wait3A_245 = tpu.memref_slice %arg2[%run_scoped3A_230, %add3A_229] : memref<2x1600000xi32, #tpu.memory_space<hbm>> -> memref<1x800xi32, #tpu.memory_space<hbm>>
          %dma_wait3A_246 = tpu.memref_squeeze %dma_wait3A_245 : memref<1x800xi32, #tpu.memory_space<hbm>> -> memref<800xi32, #tpu.memory_space<hbm>>
          %dma_wait3A_247 = tpu.memref_slice %arg2[%run_scoped3A_230, %add3A_229] : memref<2x1600000xi32, #tpu.memory_space<hbm>> -> memref<1x800xi32, #tpu.memory_space<hbm>>
          %dma_wait3A_248 = tpu.memref_squeeze %dma_wait3A_247 : memref<1x800xi32, #tpu.memory_space<hbm>> -> memref<800xi32, #tpu.memory_space<hbm>>
          tpu.wait_dma2 semaphore(%run_scoped3A_240 : memref<!tpu.dma_semaphore, #tpu.memory_space<semaphore_mem>>) src(%dma_wait3A_248 : memref<800xi32, #tpu.memory_space<hbm>>) dst(%arg11 : memref<800xi32, #tpu.memory_space<vmem>>)
          tpu.yield
        }) : () -> ()
        %dma_start3A_231 = arith.constant 0 : i32
        %dma_start3A_232 = arith.constant 0 : i32
        %dma_start3A_233 = tpu.memref_slice %arg3[%dma_start3A_231, %dma_start3A_232] : memref<102400x16xf32, #tpu.memory_space<hbm>> -> memref<102400x16xf32, #tpu.memory_space<hbm>>
        tpu.enqueue_indirect_dma source(%dma_start3A_233 : memref<102400x16xf32, #tpu.memory_space<hbm>>) target(%arg7 : memref<800x16xf32, #tpu.memory_space<vmem>>) offsets(%arg9 : memref<800xi32, #tpu.memory_space<vmem>>) semaphore(%arg16 : memref<!tpu.dma_semaphore, #tpu.memory_space<semaphore_mem>>)
        %dma_wait3A_234 = arith.constant 0 : i32
        %dma_wait3A_235 = arith.constant 0 : i32
        %dma_wait3A_236 = tpu.memref_slice %arg3[%dma_wait3A_234, %dma_wait3A_235] : memref<102400x16xf32, #tpu.memory_space<hbm>> -> memref<102400x16xf32, #tpu.memory_space<hbm>>
        tpu.wait_indirect_dma semaphore(%arg15 : memref<!tpu.dma_semaphore, #tpu.memory_space<semaphore_mem>>) src(%dma_wait3A_236 : memref<102400x16xf32, #tpu.memory_space<hbm>>) dst(%arg6 : memref<800x16xf32, #tpu.memory_space<vmem>>)
        %dma_start3A_237 = arith.constant 0 : i32
        %dma_start3A_238 = arith.constant 0 : i32
        %dma_start3A_239 = tpu.memref_slice %arg14[%dma_start3A_237, %dma_start3A_238] : memref<100000x16xf32, #tpu.memory_space<vmem_shared>> -> memref<100000x16xf32, #tpu.memory_space<vmem_shared>>
        tpu.enqueue_indirect_dma source(%arg6 : memref<800x16xf32, #tpu.memory_space<vmem>>) target(%dma_start3A_239 : memref<100000x16xf32, #tpu.memory_space<vmem_shared>>) offsets(%arg10 : memref<800xi32, #tpu.memory_space<vmem>>) semaphore(%arg17 : memref<!tpu.dma_semaphore, #tpu.memory_space<semaphore_mem>>) {add = true}
      } else {
      }
      %scan3A_219 = arith.constant 0 : i32
      scf.yield %scan3A_219 : i32
    }
    %scan3A_144 = arith.constant 60 : i32
    %dma_wait3A_145 = arith.constant 0 : i32
    %dma_wait3A_146 = arith.constant 0 : i32
    %dma_wait3A_147 = tpu.memref_slice %arg14[%dma_wait3A_145, %dma_wait3A_146] : memref<100000x16xf32, #tpu.memory_space<vmem_shared>> -> memref<100000x16xf32, #tpu.memory_space<vmem_shared>>
    tpu.wait_indirect_dma semaphore(%arg17 : memref<!tpu.dma_semaphore, #tpu.memory_space<semaphore_mem>>) src(%arg6 : memref<800x16xf32, #tpu.memory_space<vmem>>) dst(%dma_wait3A_147 : memref<100000x16xf32, #tpu.memory_space<vmem_shared>>)
    %dma_wait3A_148 = arith.constant 0 : i32
    %dma_wait3A_149 = arith.constant 0 : i32
    %dma_wait3A_150 = tpu.memref_slice %arg3[%dma_wait3A_148, %dma_wait3A_149] : memref<102400x16xf32, #tpu.memory_space<hbm>> -> memref<102400x16xf32, #tpu.memory_space<hbm>>
    tpu.wait_indirect_dma semaphore(%arg16 : memref<!tpu.dma_semaphore, #tpu.memory_space<semaphore_mem>>) src(%dma_wait3A_150 : memref<102400x16xf32, #tpu.memory_space<hbm>>) dst(%arg7 : memref<800x16xf32, #tpu.memory_space<vmem>>)
    %dma_start3A_151 = arith.constant 0 : i32
    %dma_start3A_152 = arith.constant 0 : i32
    %dma_start3A_153 = tpu.memref_slice %arg14[%dma_start3A_151, %dma_start3A_152] : memref<100000x16xf32, #tpu.memory_space<vmem_shared>> -> memref<100000x16xf32, #tpu.memory_space<vmem_shared>>
    tpu.enqueue_indirect_dma source(%arg7 : memref<800x16xf32, #tpu.memory_space<vmem>>) target(%dma_start3A_153 : memref<100000x16xf32, #tpu.memory_space<vmem_shared>>) offsets(%arg11 : memref<800xi32, #tpu.memory_space<vmem>>) semaphore(%arg18 : memref<!tpu.dma_semaphore, #tpu.memory_space<semaphore_mem>>) {add = true}
    %dma_wait3A_154 = arith.constant 0 : i32
    %dma_wait3A_155 = arith.constant 0 : i32
    %dma_wait3A_156 = tpu.memref_slice %arg14[%dma_wait3A_154, %dma_wait3A_155] : memref<100000x16xf32, #tpu.memory_space<vmem_shared>> -> memref<100000x16xf32, #tpu.memory_space<vmem_shared>>
    tpu.wait_indirect_dma semaphore(%arg18 : memref<!tpu.dma_semaphore, #tpu.memory_space<semaphore_mem>>) src(%arg7 : memref<800x16xf32, #tpu.memory_space<vmem>>) dst(%dma_wait3A_156 : memref<100000x16xf32, #tpu.memory_space<vmem_shared>>)
    %add3A_157 = arith.constant 49600 : i32
    %add3A_158 = arith.addi %add3A_114, %add3A_157 : i32
    %run_scoped3A_159 = arith.constant 0 : i32
    "tpu.region"() ({
      %run_scoped3A_181 = tpu.sem_alloc : memref<!tpu.dma_semaphore, #tpu.memory_space<semaphore_mem>>
      %dma_start3A_182 = tpu.memref_slice %arg2[%run_scoped3A_159, %add3A_158] : memref<2x1600000xi32, #tpu.memory_space<hbm>> -> memref<1x400xi32, #tpu.memory_space<hbm>>
      %dma_start3A_183 = tpu.memref_squeeze %dma_start3A_182 : memref<1x400xi32, #tpu.memory_space<hbm>> -> memref<400xi32, #tpu.memory_space<hbm>>
      %dma_start3A_184 = tpu.memref_slice %arg2[%run_scoped3A_159, %add3A_158] : memref<2x1600000xi32, #tpu.memory_space<hbm>> -> memref<1x400xi32, #tpu.memory_space<hbm>>
      %dma_start3A_185 = tpu.memref_squeeze %dma_start3A_184 : memref<1x400xi32, #tpu.memory_space<hbm>> -> memref<400xi32, #tpu.memory_space<hbm>>
      tpu.enqueue_dma source(%dma_start3A_185 : memref<400xi32, #tpu.memory_space<hbm>>) target(%arg12 : memref<400xi32, #tpu.memory_space<vmem>>) target_semaphore(%run_scoped3A_181 : memref<!tpu.dma_semaphore, #tpu.memory_space<semaphore_mem>>)
      %dma_wait3A_186 = tpu.memref_slice %arg2[%run_scoped3A_159, %add3A_158] : memref<2x1600000xi32, #tpu.memory_space<hbm>> -> memref<1x400xi32, #tpu.memory_space<hbm>>
      %dma_wait3A_187 = tpu.memref_squeeze %dma_wait3A_186 : memref<1x400xi32, #tpu.memory_space<hbm>> -> memref<400xi32, #tpu.memory_space<hbm>>
      %dma_wait3A_188 = tpu.memref_slice %arg2[%run_scoped3A_159, %add3A_158] : memref<2x1600000xi32, #tpu.memory_space<hbm>> -> memref<1x400xi32, #tpu.memory_space<hbm>>
      %dma_wait3A_189 = tpu.memref_squeeze %dma_wait3A_188 : memref<1x400xi32, #tpu.memory_space<hbm>> -> memref<400xi32, #tpu.memory_space<hbm>>
      tpu.wait_dma2 semaphore(%run_scoped3A_181 : memref<!tpu.dma_semaphore, #tpu.memory_space<semaphore_mem>>) src(%dma_wait3A_189 : memref<400xi32, #tpu.memory_space<hbm>>) dst(%arg12 : memref<400xi32, #tpu.memory_space<vmem>>)
      tpu.yield
    }) : () -> ()
    %run_scoped3A_160 = arith.constant 1 : i32
    "tpu.region"() ({
      %run_scoped3A_181 = tpu.sem_alloc : memref<!tpu.dma_semaphore, #tpu.memory_space<semaphore_mem>>
      %dma_start3A_182 = tpu.memref_slice %arg2[%run_scoped3A_160, %add3A_158] : memref<2x1600000xi32, #tpu.memory_space<hbm>> -> memref<1x400xi32, #tpu.memory_space<hbm>>
      %dma_start3A_183 = tpu.memref_squeeze %dma_start3A_182 : memref<1x400xi32, #tpu.memory_space<hbm>> -> memref<400xi32, #tpu.memory_space<hbm>>
      %dma_start3A_184 = tpu.memref_slice %arg2[%run_scoped3A_160, %add3A_158] : memref<2x1600000xi32, #tpu.memory_space<hbm>> -> memref<1x400xi32, #tpu.memory_space<hbm>>
      %dma_start3A_185 = tpu.memref_squeeze %dma_start3A_184 : memref<1x400xi32, #tpu.memory_space<hbm>> -> memref<400xi32, #tpu.memory_space<hbm>>
      tpu.enqueue_dma source(%dma_start3A_185 : memref<400xi32, #tpu.memory_space<hbm>>) target(%arg13 : memref<400xi32, #tpu.memory_space<vmem>>) target_semaphore(%run_scoped3A_181 : memref<!tpu.dma_semaphore, #tpu.memory_space<semaphore_mem>>)
      %dma_wait3A_186 = tpu.memref_slice %arg2[%run_scoped3A_160, %add3A_158] : memref<2x1600000xi32, #tpu.memory_space<hbm>> -> memref<1x400xi32, #tpu.memory_space<hbm>>
      %dma_wait3A_187 = tpu.memref_squeeze %dma_wait3A_186 : memref<1x400xi32, #tpu.memory_space<hbm>> -> memref<400xi32, #tpu.memory_space<hbm>>
      %dma_wait3A_188 = tpu.memref_slice %arg2[%run_scoped3A_160, %add3A_158] : memref<2x1600000xi32, #tpu.memory_space<hbm>> -> memref<1x400xi32, #tpu.memory_space<hbm>>
      %dma_wait3A_189 = tpu.memref_squeeze %dma_wait3A_188 : memref<1x400xi32, #tpu.memory_space<hbm>> -> memref<400xi32, #tpu.memory_space<hbm>>
      tpu.wait_dma2 semaphore(%run_scoped3A_181 : memref<!tpu.dma_semaphore, #tpu.memory_space<semaphore_mem>>) src(%dma_wait3A_189 : memref<400xi32, #tpu.memory_space<hbm>>) dst(%arg13 : memref<400xi32, #tpu.memory_space<vmem>>)
      tpu.yield
    }) : () -> ()
    %dma_start3A_161 = arith.constant 0 : i32
    %dma_start3A_162 = arith.constant 0 : i32
    %dma_start3A_163 = tpu.memref_slice %arg6[%dma_start3A_161, %dma_start3A_162] : memref<800x16xf32, #tpu.memory_space<vmem>> -> memref<400x16xf32, #tpu.memory_space<vmem>>
    %dma_start3A_164 = arith.constant 0 : i32
    %dma_start3A_165 = arith.constant 0 : i32
    %dma_start3A_166 = tpu.memref_slice %arg3[%dma_start3A_164, %dma_start3A_165] : memref<102400x16xf32, #tpu.memory_space<hbm>> -> memref<102400x16xf32, #tpu.memory_space<hbm>>
    tpu.enqueue_indirect_dma source(%dma_start3A_166 : memref<102400x16xf32, #tpu.memory_space<hbm>>) target(%dma_start3A_163 : memref<400x16xf32, #tpu.memory_space<vmem>>) offsets(%arg12 : memref<400xi32, #tpu.memory_space<vmem>>) semaphore(%arg15 : memref<!tpu.dma_semaphore, #tpu.memory_space<semaphore_mem>>)
    %dma_wait3A_167 = arith.constant 0 : i32
    %dma_wait3A_168 = arith.constant 0 : i32
    %dma_wait3A_169 = tpu.memref_slice %arg6[%dma_wait3A_167, %dma_wait3A_168] : memref<800x16xf32, #tpu.memory_space<vmem>> -> memref<400x16xf32, #tpu.memory_space<vmem>>
    %dma_wait3A_170 = arith.constant 0 : i32
    %dma_wait3A_171 = arith.constant 0 : i32
    %dma_wait3A_172 = tpu.memref_slice %arg3[%dma_wait3A_170, %dma_wait3A_171] : memref<102400x16xf32, #tpu.memory_space<hbm>> -> memref<102400x16xf32, #tpu.memory_space<hbm>>
    tpu.wait_indirect_dma semaphore(%arg15 : memref<!tpu.dma_semaphore, #tpu.memory_space<semaphore_mem>>) src(%dma_wait3A_172 : memref<102400x16xf32, #tpu.memory_space<hbm>>) dst(%dma_wait3A_169 : memref<400x16xf32, #tpu.memory_space<vmem>>)
    "tpu.region"() ({
      %run_scoped3A_181 = tpu.sem_alloc : memref<!tpu.dma_semaphore, #tpu.memory_space<semaphore_mem>>
      %dma_start3A_182 = arith.constant 0 : i32
      %dma_start3A_183 = arith.constant 0 : i32
      %dma_start3A_184 = tpu.memref_slice %arg6[%dma_start3A_182, %dma_start3A_183] : memref<800x16xf32, #tpu.memory_space<vmem>> -> memref<400x16xf32, #tpu.memory_space<vmem>>
      %dma_start3A_185 = arith.constant 0 : i32
      %dma_start3A_186 = arith.constant 0 : i32
      %dma_start3A_187 = tpu.memref_slice %arg14[%dma_start3A_185, %dma_start3A_186] : memref<100000x16xf32, #tpu.memory_space<vmem_shared>> -> memref<100000x16xf32, #tpu.memory_space<vmem_shared>>
      tpu.enqueue_indirect_dma source(%dma_start3A_184 : memref<400x16xf32, #tpu.memory_space<vmem>>) target(%dma_start3A_187 : memref<100000x16xf32, #tpu.memory_space<vmem_shared>>) offsets(%arg13 : memref<400xi32, #tpu.memory_space<vmem>>) semaphore(%run_scoped3A_181 : memref<!tpu.dma_semaphore, #tpu.memory_space<semaphore_mem>>) {add = true}
      %dma_wait3A_188 = arith.constant 0 : i32
      %dma_wait3A_189 = arith.constant 0 : i32
      %dma_wait3A_190 = tpu.memref_slice %arg6[%dma_wait3A_188, %dma_wait3A_189] : memref<800x16xf32, #tpu.memory_space<vmem>> -> memref<400x16xf32, #tpu.memory_space<vmem>>
      %dma_wait3A_191 = arith.constant 0 : i32
      %dma_wait3A_192 = arith.constant 0 : i32
      %dma_wait3A_193 = tpu.memref_slice %arg14[%dma_wait3A_191, %dma_wait3A_192] : memref<100000x16xf32, #tpu.memory_space<vmem_shared>> -> memref<100000x16xf32, #tpu.memory_space<vmem_shared>>
      tpu.wait_indirect_dma semaphore(%run_scoped3A_181 : memref<!tpu.dma_semaphore, #tpu.memory_space<semaphore_mem>>) src(%dma_wait3A_190 : memref<400x16xf32, #tpu.memory_space<vmem>>) dst(%dma_wait3A_193 : memref<100000x16xf32, #tpu.memory_space<vmem_shared>>)
      tpu.yield
    }) : () -> ()
    %barrier3A_173 = arith.constant 0 : index
    tpu.barrier barrier_id(%barrier3A_173)
    %eq3A = arith.constant 0 : i32
    %eq3A_174 = arith.cmpi eq, %arg0, %eq3A : i32
    %convert_element_type3A = arith.extui %eq3A_174 : i1 to i32
    %cond3A = arith.constant 0 : i32
    %cond3A_175 = arith.cmpi ne, %convert_element_type3A, %cond3A : i32
    scf.if %cond3A_175 {
      %mul3A_181 = arith.constant 6250 : i32
      %mul3A_182 = arith.muli %arg1, %mul3A_181 : i32
      "tpu.region"() ({
        %run_scoped3A_183 = tpu.sem_alloc : memref<!tpu.dma_semaphore, #tpu.memory_space<semaphore_mem>>
        %dma_start3A_184 = arith.constant 0 : i32
        %dma_start3A_185 = tpu.memref_slice %arg4[%mul3A_182, %dma_start3A_184] : memref<102400x16xf32, #tpu.memory_space<hbm>> -> memref<6250x16xf32, #tpu.memory_space<hbm>>
        %dma_start3A_186 = arith.constant 0 : i32
        %dma_start3A_187 = tpu.memref_slice %arg14[%mul3A_182, %dma_start3A_186] : memref<100000x16xf32, #tpu.memory_space<vmem_shared>> -> memref<6250x16xf32, #tpu.memory_space<vmem_shared>>
        tpu.enqueue_dma source(%dma_start3A_187 : memref<6250x16xf32, #tpu.memory_space<vmem_shared>>) target(%dma_start3A_185 : memref<6250x16xf32, #tpu.memory_space<hbm>>) target_semaphore(%run_scoped3A_183 : memref<!tpu.dma_semaphore, #tpu.memory_space<semaphore_mem>>)
        %dma_wait3A_188 = arith.constant 0 : i32
        %dma_wait3A_189 = tpu.memref_slice %arg4[%mul3A_182, %dma_wait3A_188] : memref<102400x16xf32, #tpu.memory_space<hbm>> -> memref<6250x16xf32, #tpu.memory_space<hbm>>
        %dma_wait3A_190 = arith.constant 0 : i32
        %dma_wait3A_191 = tpu.memref_slice %arg14[%mul3A_182, %dma_wait3A_190] : memref<100000x16xf32, #tpu.memory_space<vmem_shared>> -> memref<6250x16xf32, #tpu.memory_space<vmem_shared>>
        tpu.wait_dma2 semaphore(%run_scoped3A_183 : memref<!tpu.dma_semaphore, #tpu.memory_space<semaphore_mem>>) src(%dma_wait3A_191 : memref<6250x16xf32, #tpu.memory_space<vmem_shared>>) dst(%dma_wait3A_189 : memref<6250x16xf32, #tpu.memory_space<hbm>>)
        tpu.yield
      }) : () -> ()
    } else {
    }
    %eq3A_176 = arith.constant 1 : i32
    %eq3A_177 = arith.cmpi eq, %arg0, %eq3A_176 : i32
    %convert_element_type3A_178 = arith.extui %eq3A_177 : i1 to i32
    %cond3A_179 = arith.constant 0 : i32
    %cond3A_180 = arith.cmpi ne, %convert_element_type3A_178, %cond3A_179 : i32
    scf.if %cond3A_180 {
      %mul3A_181 = arith.constant 6250 : i32
      %mul3A_182 = arith.muli %arg1, %mul3A_181 : i32
      "tpu.region"() ({
        %run_scoped3A_183 = tpu.sem_alloc : memref<!tpu.dma_semaphore, #tpu.memory_space<semaphore_mem>>
        %dma_start3A_184 = arith.constant 0 : i32
        %dma_start3A_185 = tpu.memref_slice %arg5[%mul3A_182, %dma_start3A_184] : memref<102400x16xf32, #tpu.memory_space<hbm>> -> memref<6250x16xf32, #tpu.memory_space<hbm>>
        %dma_start3A_186 = arith.constant 0 : i32
        %dma_start3A_187 = tpu.memref_slice %arg14[%mul3A_182, %dma_start3A_186] : memref<100000x16xf32, #tpu.memory_space<vmem_shared>> -> memref<6250x16xf32, #tpu.memory_space<vmem_shared>>
        tpu.enqueue_dma source(%dma_start3A_187 : memref<6250x16xf32, #tpu.memory_space<vmem_shared>>) target(%dma_start3A_185 : memref<6250x16xf32, #tpu.memory_space<hbm>>) target_semaphore(%run_scoped3A_183 : memref<!tpu.dma_semaphore, #tpu.memory_space<semaphore_mem>>)
        %dma_wait3A_188 = arith.constant 0 : i32
        %dma_wait3A_189 = tpu.memref_slice %arg5[%mul3A_182, %dma_wait3A_188] : memref<102400x16xf32, #tpu.memory_space<hbm>> -> memref<6250x16xf32, #tpu.memory_space<hbm>>
        %dma_wait3A_190 = arith.constant 0 : i32
        %dma_wait3A_191 = tpu.memref_slice %arg14[%mul3A_182, %dma_wait3A_190] : memref<100000x16xf32, #tpu.memory_space<vmem_shared>> -> memref<6250x16xf32, #tpu.memory_space<vmem_shared>>
        tpu.wait_dma2 semaphore(%run_scoped3A_183 : memref<!tpu.dma_semaphore, #tpu.memory_space<semaphore_mem>>) src(%dma_wait3A_191 : memref<6250x16xf32, #tpu.memory_space<vmem_shared>>) dst(%dma_wait3A_189 : memref<6250x16xf32, #tpu.memory_space<hbm>>)
        tpu.yield
      }) : () -> ()
    } else {
    }
    return
  }
}

#map = affine_map<(d0, d1) -> (0, 0)>
module attributes {stable_mosaic.version = 14 : i64} {
  func.func @_agg_feature_split(%arg0: i32, %arg1: i32, %arg2: memref<2x1600000xi32, #tpu.memory_space<hbm>>, %arg3: memref<102400x16xf32, #tpu.memory_space<hbm>>, %arg4: memref<102400x16xf32, #tpu.memory_space<hbm>>, %arg5: memref<102400x16xf32, #tpu.memory_space<hbm>>, %arg6: memref<102400x16xf32, #tpu.memory_space<hbm>>, %arg7: memref<800x16xf32, #tpu.memory_space<vmem>>, %arg8: memref<800x16xf32, #tpu.memory_space<vmem>>, %arg9: memref<800xi32, #tpu.memory_space<vmem>>, %arg10: memref<800xi32, #tpu.memory_space<vmem>>, %arg11: memref<800xi32, #tpu.memory_space<vmem>>, %arg12: memref<800xi32, #tpu.memory_space<vmem>>, %arg13: memref<100000x16xf32, #tpu.memory_space<vmem_shared>>, %arg14: memref<!tpu.dma_semaphore, #tpu.memory_space<semaphore_mem>>, %arg15: memref<!tpu.dma_semaphore, #tpu.memory_space<semaphore_mem>>, %arg16: memref<!tpu.dma_semaphore, #tpu.memory_space<semaphore_mem>>, %arg17: memref<!tpu.dma_semaphore, #tpu.memory_space<semaphore_mem>>) attributes {dimension_semantics = [#tpu.dimension_semantics<core_parallel>, #tpu.dimension_semantics<subcore_parallel>], iteration_bounds = array<i64: 2, 16>, scalar_prefetch = 0 : i64, scratch_operands = 11 : i64, tpu.core_type = #tpu.core_type<sc_vector_subcore>, window_params = [{transform_indices = #map}, {transform_indices = #map}, {transform_indices = #map}, {transform_indices = #map}, {transform_indices = #map}]} {
    %scan3A = arith.constant 0 : i32
    %scan3A_0 = arith.constant 0 : i32
    %scan3A_1 = arith.constant 800 : i32
    %scan3A_2 = arith.addi %scan3A_0, %scan3A_1 : i32
    %scan3A_3 = arith.constant 1 : i32
    %scan3A_4 = scf.for %scan3A_130 = %scan3A_0 to %scan3A_2 step %scan3A_3 iter_args(%scan3A_131 = %scan3A) -> (i32)  : i32 {
      %broadcast_in_dim3A = arith.constant 0.000000e+00 : f32
      %broadcast_in_dim3A_132 = vector.broadcast %broadcast_in_dim3A : f32 to vector<16xf32>
      %swap3A = arith.index_cast %scan3A_130 : i32 to index
      %swap3A_133 = arith.constant 0 : index
      %swap3A_134 = tpu.vector_load %arg7[%swap3A, %swap3A_133] {strides = array<i32>} : memref<800x16xf32, #tpu.memory_space<vmem>>, vector<1x16xf32>,
      %swap3A_135 = vector.shape_cast %swap3A_134 : vector<1x16xf32> to vector<16xf32>
      %swap3A_136 = vector.shape_cast %broadcast_in_dim3A_132 : vector<16xf32> to vector<1x16xf32>
      tpu.vector_store %arg7[%swap3A, %swap3A_133], %swap3A_136 {strides = array<i32>} : memref<800x16xf32, #tpu.memory_space<vmem>>, vector<1x16xf32>,
      %scan3A_137 = arith.constant 0 : i32
      scf.yield %scan3A_137 : i32
    }
    %scan3A_5 = arith.constant 800 : i32
    %mul3A = arith.constant 6250 : i32
    %mul3A_6 = arith.muli %arg1, %mul3A : i32
    %add3A = arith.constant 0 : i32
    %add3A_7 = arith.addi %mul3A_6, %add3A : i32
    %dma_start3A = arith.constant 0 : i32
    %dma_start3A_8 = tpu.memref_slice %arg13[%add3A_7, %dma_start3A] : memref<100000x16xf32, #tpu.memory_space<vmem_shared>> -> memref<800x16xf32, #tpu.memory_space<vmem_shared>>
    %dma_start3A_9 = arith.constant 0 : i32
    %dma_start3A_10 = tpu.memref_slice %arg13[%add3A_7, %dma_start3A_9] : memref<100000x16xf32, #tpu.memory_space<vmem_shared>> -> memref<800x16xf32, #tpu.memory_space<vmem_shared>>
    tpu.enqueue_dma source(%arg7 : memref<800x16xf32, #tpu.memory_space<vmem>>) target(%dma_start3A_10 : memref<800x16xf32, #tpu.memory_space<vmem_shared>>) target_semaphore(%arg14 : memref<!tpu.dma_semaphore, #tpu.memory_space<semaphore_mem>>)
    %mul3A_11 = arith.constant 6250 : i32
    %mul3A_12 = arith.muli %arg1, %mul3A_11 : i32
    %add3A_13 = arith.constant 800 : i32
    %add3A_14 = arith.addi %mul3A_12, %add3A_13 : i32
    %dma_start3A_15 = arith.constant 0 : i32
    %dma_start3A_16 = tpu.memref_slice %arg13[%add3A_14, %dma_start3A_15] : memref<100000x16xf32, #tpu.memory_space<vmem_shared>> -> memref<800x16xf32, #tpu.memory_space<vmem_shared>>
    %dma_start3A_17 = arith.constant 0 : i32
    %dma_start3A_18 = tpu.memref_slice %arg13[%add3A_14, %dma_start3A_17] : memref<100000x16xf32, #tpu.memory_space<vmem_shared>> -> memref<800x16xf32, #tpu.memory_space<vmem_shared>>
    tpu.enqueue_dma source(%arg7 : memref<800x16xf32, #tpu.memory_space<vmem>>) target(%dma_start3A_18 : memref<800x16xf32, #tpu.memory_space<vmem_shared>>) target_semaphore(%arg14 : memref<!tpu.dma_semaphore, #tpu.memory_space<semaphore_mem>>)
    %mul3A_19 = arith.constant 6250 : i32
    %mul3A_20 = arith.muli %arg1, %mul3A_19 : i32
    %add3A_21 = arith.constant 1600 : i32
    %add3A_22 = arith.addi %mul3A_20, %add3A_21 : i32
    %dma_start3A_23 = arith.constant 0 : i32
    %dma_start3A_24 = tpu.memref_slice %arg13[%add3A_22, %dma_start3A_23] : memref<100000x16xf32, #tpu.memory_space<vmem_shared>> -> memref<800x16xf32, #tpu.memory_space<vmem_shared>>
    %dma_start3A_25 = arith.constant 0 : i32
    %dma_start3A_26 = tpu.memref_slice %arg13[%add3A_22, %dma_start3A_25] : memref<100000x16xf32, #tpu.memory_space<vmem_shared>> -> memref<800x16xf32, #tpu.memory_space<vmem_shared>>
    tpu.enqueue_dma source(%arg7 : memref<800x16xf32, #tpu.memory_space<vmem>>) target(%dma_start3A_26 : memref<800x16xf32, #tpu.memory_space<vmem_shared>>) target_semaphore(%arg14 : memref<!tpu.dma_semaphore, #tpu.memory_space<semaphore_mem>>)
    %mul3A_27 = arith.constant 6250 : i32
    %mul3A_28 = arith.muli %arg1, %mul3A_27 : i32
    %add3A_29 = arith.constant 2400 : i32
    %add3A_30 = arith.addi %mul3A_28, %add3A_29 : i32
    %dma_start3A_31 = arith.constant 0 : i32
    %dma_start3A_32 = tpu.memref_slice %arg13[%add3A_30, %dma_start3A_31] : memref<100000x16xf32, #tpu.memory_space<vmem_shared>> -> memref<800x16xf32, #tpu.memory_space<vmem_shared>>
    %dma_start3A_33 = arith.constant 0 : i32
    %dma_start3A_34 = tpu.memref_slice %arg13[%add3A_30, %dma_start3A_33] : memref<100000x16xf32, #tpu.memory_space<vmem_shared>> -> memref<800x16xf32, #tpu.memory_space<vmem_shared>>
    tpu.enqueue_dma source(%arg7 : memref<800x16xf32, #tpu.memory_space<vmem>>) target(%dma_start3A_34 : memref<800x16xf32, #tpu.memory_space<vmem_shared>>) target_semaphore(%arg14 : memref<!tpu.dma_semaphore, #tpu.memory_space<semaphore_mem>>)
    %mul3A_35 = arith.constant 6250 : i32
    %mul3A_36 = arith.muli %arg1, %mul3A_35 : i32
    %add3A_37 = arith.constant 3200 : i32
    %add3A_38 = arith.addi %mul3A_36, %add3A_37 : i32
    %dma_start3A_39 = arith.constant 0 : i32
    %dma_start3A_40 = tpu.memref_slice %arg13[%add3A_38, %dma_start3A_39] : memref<100000x16xf32, #tpu.memory_space<vmem_shared>> -> memref<800x16xf32, #tpu.memory_space<vmem_shared>>
    %dma_start3A_41 = arith.constant 0 : i32
    %dma_start3A_42 = tpu.memref_slice %arg13[%add3A_38, %dma_start3A_41] : memref<100000x16xf32, #tpu.memory_space<vmem_shared>> -> memref<800x16xf32, #tpu.memory_space<vmem_shared>>
    tpu.enqueue_dma source(%arg7 : memref<800x16xf32, #tpu.memory_space<vmem>>) target(%dma_start3A_42 : memref<800x16xf32, #tpu.memory_space<vmem_shared>>) target_semaphore(%arg14 : memref<!tpu.dma_semaphore, #tpu.memory_space<semaphore_mem>>)
    %mul3A_43 = arith.constant 6250 : i32
    %mul3A_44 = arith.muli %arg1, %mul3A_43 : i32
    %add3A_45 = arith.constant 4000 : i32
    %add3A_46 = arith.addi %mul3A_44, %add3A_45 : i32
    %dma_start3A_47 = arith.constant 0 : i32
    %dma_start3A_48 = tpu.memref_slice %arg13[%add3A_46, %dma_start3A_47] : memref<100000x16xf32, #tpu.memory_space<vmem_shared>> -> memref<800x16xf32, #tpu.memory_space<vmem_shared>>
    %dma_start3A_49 = arith.constant 0 : i32
    %dma_start3A_50 = tpu.memref_slice %arg13[%add3A_46, %dma_start3A_49] : memref<100000x16xf32, #tpu.memory_space<vmem_shared>> -> memref<800x16xf32, #tpu.memory_space<vmem_shared>>
    tpu.enqueue_dma source(%arg7 : memref<800x16xf32, #tpu.memory_space<vmem>>) target(%dma_start3A_50 : memref<800x16xf32, #tpu.memory_space<vmem_shared>>) target_semaphore(%arg14 : memref<!tpu.dma_semaphore, #tpu.memory_space<semaphore_mem>>)
    %mul3A_51 = arith.constant 6250 : i32
    %mul3A_52 = arith.muli %arg1, %mul3A_51 : i32
    %add3A_53 = arith.constant 4800 : i32
    %add3A_54 = arith.addi %mul3A_52, %add3A_53 : i32
    %dma_start3A_55 = arith.constant 0 : i32
    %dma_start3A_56 = tpu.memref_slice %arg13[%add3A_54, %dma_start3A_55] : memref<100000x16xf32, #tpu.memory_space<vmem_shared>> -> memref<800x16xf32, #tpu.memory_space<vmem_shared>>
    %dma_start3A_57 = arith.constant 0 : i32
    %dma_start3A_58 = tpu.memref_slice %arg13[%add3A_54, %dma_start3A_57] : memref<100000x16xf32, #tpu.memory_space<vmem_shared>> -> memref<800x16xf32, #tpu.memory_space<vmem_shared>>
    tpu.enqueue_dma source(%arg7 : memref<800x16xf32, #tpu.memory_space<vmem>>) target(%dma_start3A_58 : memref<800x16xf32, #tpu.memory_space<vmem_shared>>) target_semaphore(%arg14 : memref<!tpu.dma_semaphore, #tpu.memory_space<semaphore_mem>>)
    %mul3A_59 = arith.constant 6250 : i32
    %mul3A_60 = arith.muli %arg1, %mul3A_59 : i32
    %add3A_61 = arith.constant 5600 : i32
    %add3A_62 = arith.addi %mul3A_60, %add3A_61 : i32
    %dma_start3A_63 = arith.constant 0 : i32
    %dma_start3A_64 = arith.constant 0 : i32
    %dma_start3A_65 = tpu.memref_slice %arg7[%dma_start3A_63, %dma_start3A_64] : memref<800x16xf32, #tpu.memory_space<vmem>> -> memref<650x16xf32, #tpu.memory_space<vmem>>
    %dma_start3A_66 = arith.constant 0 : i32
    %dma_start3A_67 = tpu.memref_slice %arg13[%add3A_62, %dma_start3A_66] : memref<100000x16xf32, #tpu.memory_space<vmem_shared>> -> memref<650x16xf32, #tpu.memory_space<vmem_shared>>
    %dma_start3A_68 = arith.constant 0 : i32
    %dma_start3A_69 = tpu.memref_slice %arg13[%add3A_62, %dma_start3A_68] : memref<100000x16xf32, #tpu.memory_space<vmem_shared>> -> memref<650x16xf32, #tpu.memory_space<vmem_shared>>
    %dma_start3A_70 = arith.constant 0 : i32
    %dma_start3A_71 = arith.constant 0 : i32
    %dma_start3A_72 = tpu.memref_slice %arg7[%dma_start3A_70, %dma_start3A_71] : memref<800x16xf32, #tpu.memory_space<vmem>> -> memref<650x16xf32, #tpu.memory_space<vmem>>
    tpu.enqueue_dma source(%dma_start3A_72 : memref<650x16xf32, #tpu.memory_space<vmem>>) target(%dma_start3A_69 : memref<650x16xf32, #tpu.memory_space<vmem_shared>>) target_semaphore(%arg14 : memref<!tpu.dma_semaphore, #tpu.memory_space<semaphore_mem>>)
    %dma_wait3A = arith.constant 0 : i32
    %dma_wait3A_73 = tpu.memref_slice %arg13[%add3A_7, %dma_wait3A] : memref<100000x16xf32, #tpu.memory_space<vmem_shared>> -> memref<800x16xf32, #tpu.memory_space<vmem_shared>>
    %dma_wait3A_74 = arith.constant 0 : i32
    %dma_wait3A_75 = tpu.memref_slice %arg13[%add3A_7, %dma_wait3A_74] : memref<100000x16xf32, #tpu.memory_space<vmem_shared>> -> memref<800x16xf32, #tpu.memory_space<vmem_shared>>
    tpu.wait_dma2 semaphore(%arg14 : memref<!tpu.dma_semaphore, #tpu.memory_space<semaphore_mem>>) src(%arg7 : memref<800x16xf32, #tpu.memory_space<vmem>>) dst(%dma_wait3A_75 : memref<800x16xf32, #tpu.memory_space<vmem_shared>>)
    %dma_wait3A_76 = arith.constant 0 : i32
    %dma_wait3A_77 = tpu.memref_slice %arg13[%add3A_14, %dma_wait3A_76] : memref<100000x16xf32, #tpu.memory_space<vmem_shared>> -> memref<800x16xf32, #tpu.memory_space<vmem_shared>>
    %dma_wait3A_78 = arith.constant 0 : i32
    %dma_wait3A_79 = tpu.memref_slice %arg13[%add3A_14, %dma_wait3A_78] : memref<100000x16xf32, #tpu.memory_space<vmem_shared>> -> memref<800x16xf32, #tpu.memory_space<vmem_shared>>
    tpu.wait_dma2 semaphore(%arg14 : memref<!tpu.dma_semaphore, #tpu.memory_space<semaphore_mem>>) src(%arg7 : memref<800x16xf32, #tpu.memory_space<vmem>>) dst(%dma_wait3A_79 : memref<800x16xf32, #tpu.memory_space<vmem_shared>>)
    %dma_wait3A_80 = arith.constant 0 : i32
    %dma_wait3A_81 = tpu.memref_slice %arg13[%add3A_22, %dma_wait3A_80] : memref<100000x16xf32, #tpu.memory_space<vmem_shared>> -> memref<800x16xf32, #tpu.memory_space<vmem_shared>>
    %dma_wait3A_82 = arith.constant 0 : i32
    %dma_wait3A_83 = tpu.memref_slice %arg13[%add3A_22, %dma_wait3A_82] : memref<100000x16xf32, #tpu.memory_space<vmem_shared>> -> memref<800x16xf32, #tpu.memory_space<vmem_shared>>
    tpu.wait_dma2 semaphore(%arg14 : memref<!tpu.dma_semaphore, #tpu.memory_space<semaphore_mem>>) src(%arg7 : memref<800x16xf32, #tpu.memory_space<vmem>>) dst(%dma_wait3A_83 : memref<800x16xf32, #tpu.memory_space<vmem_shared>>)
    %dma_wait3A_84 = arith.constant 0 : i32
    %dma_wait3A_85 = tpu.memref_slice %arg13[%add3A_30, %dma_wait3A_84] : memref<100000x16xf32, #tpu.memory_space<vmem_shared>> -> memref<800x16xf32, #tpu.memory_space<vmem_shared>>
    %dma_wait3A_86 = arith.constant 0 : i32
    %dma_wait3A_87 = tpu.memref_slice %arg13[%add3A_30, %dma_wait3A_86] : memref<100000x16xf32, #tpu.memory_space<vmem_shared>> -> memref<800x16xf32, #tpu.memory_space<vmem_shared>>
    tpu.wait_dma2 semaphore(%arg14 : memref<!tpu.dma_semaphore, #tpu.memory_space<semaphore_mem>>) src(%arg7 : memref<800x16xf32, #tpu.memory_space<vmem>>) dst(%dma_wait3A_87 : memref<800x16xf32, #tpu.memory_space<vmem_shared>>)
    %dma_wait3A_88 = arith.constant 0 : i32
    %dma_wait3A_89 = tpu.memref_slice %arg13[%add3A_38, %dma_wait3A_88] : memref<100000x16xf32, #tpu.memory_space<vmem_shared>> -> memref<800x16xf32, #tpu.memory_space<vmem_shared>>
    %dma_wait3A_90 = arith.constant 0 : i32
    %dma_wait3A_91 = tpu.memref_slice %arg13[%add3A_38, %dma_wait3A_90] : memref<100000x16xf32, #tpu.memory_space<vmem_shared>> -> memref<800x16xf32, #tpu.memory_space<vmem_shared>>
    tpu.wait_dma2 semaphore(%arg14 : memref<!tpu.dma_semaphore, #tpu.memory_space<semaphore_mem>>) src(%arg7 : memref<800x16xf32, #tpu.memory_space<vmem>>) dst(%dma_wait3A_91 : memref<800x16xf32, #tpu.memory_space<vmem_shared>>)
    %dma_wait3A_92 = arith.constant 0 : i32
    %dma_wait3A_93 = tpu.memref_slice %arg13[%add3A_46, %dma_wait3A_92] : memref<100000x16xf32, #tpu.memory_space<vmem_shared>> -> memref<800x16xf32, #tpu.memory_space<vmem_shared>>
    %dma_wait3A_94 = arith.constant 0 : i32
    %dma_wait3A_95 = tpu.memref_slice %arg13[%add3A_46, %dma_wait3A_94] : memref<100000x16xf32, #tpu.memory_space<vmem_shared>> -> memref<800x16xf32, #tpu.memory_space<vmem_shared>>
    tpu.wait_dma2 semaphore(%arg14 : memref<!tpu.dma_semaphore, #tpu.memory_space<semaphore_mem>>) src(%arg7 : memref<800x16xf32, #tpu.memory_space<vmem>>) dst(%dma_wait3A_95 : memref<800x16xf32, #tpu.memory_space<vmem_shared>>)
    %dma_wait3A_96 = arith.constant 0 : i32
    %dma_wait3A_97 = tpu.memref_slice %arg13[%add3A_54, %dma_wait3A_96] : memref<100000x16xf32, #tpu.memory_space<vmem_shared>> -> memref<800x16xf32, #tpu.memory_space<vmem_shared>>
    %dma_wait3A_98 = arith.constant 0 : i32
    %dma_wait3A_99 = tpu.memref_slice %arg13[%add3A_54, %dma_wait3A_98] : memref<100000x16xf32, #tpu.memory_space<vmem_shared>> -> memref<800x16xf32, #tpu.memory_space<vmem_shared>>
    tpu.wait_dma2 semaphore(%arg14 : memref<!tpu.dma_semaphore, #tpu.memory_space<semaphore_mem>>) src(%arg7 : memref<800x16xf32, #tpu.memory_space<vmem>>) dst(%dma_wait3A_99 : memref<800x16xf32, #tpu.memory_space<vmem_shared>>)
    %dma_wait3A_100 = arith.constant 0 : i32
    %dma_wait3A_101 = arith.constant 0 : i32
    %dma_wait3A_102 = tpu.memref_slice %arg7[%dma_wait3A_100, %dma_wait3A_101] : memref<800x16xf32, #tpu.memory_space<vmem>> -> memref<650x16xf32, #tpu.memory_space<vmem>>
    %dma_wait3A_103 = arith.constant 0 : i32
    %dma_wait3A_104 = tpu.memref_slice %arg13[%add3A_62, %dma_wait3A_103] : memref<100000x16xf32, #tpu.memory_space<vmem_shared>> -> memref<650x16xf32, #tpu.memory_space<vmem_shared>>
    %dma_wait3A_105 = arith.constant 0 : i32
    %dma_wait3A_106 = tpu.memref_slice %arg13[%add3A_62, %dma_wait3A_105] : memref<100000x16xf32, #tpu.memory_space<vmem_shared>> -> memref<650x16xf32, #tpu.memory_space<vmem_shared>>
    %dma_wait3A_107 = arith.constant 0 : i32
    %dma_wait3A_108 = arith.constant 0 : i32
    %dma_wait3A_109 = tpu.memref_slice %arg7[%dma_wait3A_107, %dma_wait3A_108] : memref<800x16xf32, #tpu.memory_space<vmem>> -> memref<650x16xf32, #tpu.memory_space<vmem>>
    tpu.wait_dma2 semaphore(%arg14 : memref<!tpu.dma_semaphore, #tpu.memory_space<semaphore_mem>>) src(%dma_wait3A_109 : memref<650x16xf32, #tpu.memory_space<vmem>>) dst(%dma_wait3A_106 : memref<650x16xf32, #tpu.memory_space<vmem_shared>>)
    %barrier3A = arith.constant 0 : index
    tpu.barrier barrier_id(%barrier3A)
    %mul3A_110 = arith.constant 100000 : i32
    %mul3A_111 = arith.muli %arg1, %mul3A_110 : i32
    %eq3A = arith.constant 0 : i32
    %eq3A_112 = arith.cmpi eq, %arg0, %eq3A : i32
    %convert_element_type3A = arith.extui %eq3A_112 : i1 to i32
    %cond3A = arith.constant 0 : i32
    %cond3A_113 = arith.cmpi ne, %convert_element_type3A, %cond3A : i32
    scf.if %cond3A_113 {
      %add3A_130 = arith.constant 0 : i32
      %add3A_131 = arith.addi %mul3A_111, %add3A_130 : i32
      %run_scoped3A = arith.constant 0 : i32
      "tpu.region"() ({
        %run_scoped3A_172 = tpu.sem_alloc : memref<!tpu.dma_semaphore, #tpu.memory_space<semaphore_mem>>
        %dma_start3A_173 = tpu.memref_slice %arg2[%run_scoped3A, %add3A_131] : memref<2x1600000xi32, #tpu.memory_space<hbm>> -> memref<1x800xi32, #tpu.memory_space<hbm>>
        %dma_start3A_174 = tpu.memref_squeeze %dma_start3A_173 : memref<1x800xi32, #tpu.memory_space<hbm>> -> memref<800xi32, #tpu.memory_space<hbm>>
        %dma_start3A_175 = tpu.memref_slice %arg2[%run_scoped3A, %add3A_131] : memref<2x1600000xi32, #tpu.memory_space<hbm>> -> memref<1x800xi32, #tpu.memory_space<hbm>>
        %dma_start3A_176 = tpu.memref_squeeze %dma_start3A_175 : memref<1x800xi32, #tpu.memory_space<hbm>> -> memref<800xi32, #tpu.memory_space<hbm>>
        tpu.enqueue_dma source(%dma_start3A_176 : memref<800xi32, #tpu.memory_space<hbm>>) target(%arg9 : memref<800xi32, #tpu.memory_space<vmem>>) target_semaphore(%run_scoped3A_172 : memref<!tpu.dma_semaphore, #tpu.memory_space<semaphore_mem>>)
        %dma_wait3A_177 = tpu.memref_slice %arg2[%run_scoped3A, %add3A_131] : memref<2x1600000xi32, #tpu.memory_space<hbm>> -> memref<1x800xi32, #tpu.memory_space<hbm>>
        %dma_wait3A_178 = tpu.memref_squeeze %dma_wait3A_177 : memref<1x800xi32, #tpu.memory_space<hbm>> -> memref<800xi32, #tpu.memory_space<hbm>>
        %dma_wait3A_179 = tpu.memref_slice %arg2[%run_scoped3A, %add3A_131] : memref<2x1600000xi32, #tpu.memory_space<hbm>> -> memref<1x800xi32, #tpu.memory_space<hbm>>
        %dma_wait3A_180 = tpu.memref_squeeze %dma_wait3A_179 : memref<1x800xi32, #tpu.memory_space<hbm>> -> memref<800xi32, #tpu.memory_space<hbm>>
        tpu.wait_dma2 semaphore(%run_scoped3A_172 : memref<!tpu.dma_semaphore, #tpu.memory_space<semaphore_mem>>) src(%dma_wait3A_180 : memref<800xi32, #tpu.memory_space<hbm>>) dst(%arg9 : memref<800xi32, #tpu.memory_space<vmem>>)
        tpu.yield
      }) : () -> ()
      %add3A_132 = arith.constant 0 : i32
      %add3A_133 = arith.addi %mul3A_111, %add3A_132 : i32
      %run_scoped3A_134 = arith.constant 1 : i32
      "tpu.region"() ({
        %run_scoped3A_172 = tpu.sem_alloc : memref<!tpu.dma_semaphore, #tpu.memory_space<semaphore_mem>>
        %dma_start3A_173 = tpu.memref_slice %arg2[%run_scoped3A_134, %add3A_133] : memref<2x1600000xi32, #tpu.memory_space<hbm>> -> memref<1x800xi32, #tpu.memory_space<hbm>>
        %dma_start3A_174 = tpu.memref_squeeze %dma_start3A_173 : memref<1x800xi32, #tpu.memory_space<hbm>> -> memref<800xi32, #tpu.memory_space<hbm>>
        %dma_start3A_175 = tpu.memref_slice %arg2[%run_scoped3A_134, %add3A_133] : memref<2x1600000xi32, #tpu.memory_space<hbm>> -> memref<1x800xi32, #tpu.memory_space<hbm>>
        %dma_start3A_176 = tpu.memref_squeeze %dma_start3A_175 : memref<1x800xi32, #tpu.memory_space<hbm>> -> memref<800xi32, #tpu.memory_space<hbm>>
        tpu.enqueue_dma source(%dma_start3A_176 : memref<800xi32, #tpu.memory_space<hbm>>) target(%arg11 : memref<800xi32, #tpu.memory_space<vmem>>) target_semaphore(%run_scoped3A_172 : memref<!tpu.dma_semaphore, #tpu.memory_space<semaphore_mem>>)
        %dma_wait3A_177 = tpu.memref_slice %arg2[%run_scoped3A_134, %add3A_133] : memref<2x1600000xi32, #tpu.memory_space<hbm>> -> memref<1x800xi32, #tpu.memory_space<hbm>>
        %dma_wait3A_178 = tpu.memref_squeeze %dma_wait3A_177 : memref<1x800xi32, #tpu.memory_space<hbm>> -> memref<800xi32, #tpu.memory_space<hbm>>
        %dma_wait3A_179 = tpu.memref_slice %arg2[%run_scoped3A_134, %add3A_133] : memref<2x1600000xi32, #tpu.memory_space<hbm>> -> memref<1x800xi32, #tpu.memory_space<hbm>>
        %dma_wait3A_180 = tpu.memref_squeeze %dma_wait3A_179 : memref<1x800xi32, #tpu.memory_space<hbm>> -> memref<800xi32, #tpu.memory_space<hbm>>
        tpu.wait_dma2 semaphore(%run_scoped3A_172 : memref<!tpu.dma_semaphore, #tpu.memory_space<semaphore_mem>>) src(%dma_wait3A_180 : memref<800xi32, #tpu.memory_space<hbm>>) dst(%arg11 : memref<800xi32, #tpu.memory_space<vmem>>)
        tpu.yield
      }) : () -> ()
      %dma_start3A_135 = arith.constant 0 : i32
      %dma_start3A_136 = arith.constant 0 : i32
      %dma_start3A_137 = tpu.memref_slice %arg3[%dma_start3A_135, %dma_start3A_136] : memref<102400x16xf32, #tpu.memory_space<hbm>> -> memref<102400x16xf32, #tpu.memory_space<hbm>>
      tpu.enqueue_indirect_dma source(%dma_start3A_137 : memref<102400x16xf32, #tpu.memory_space<hbm>>) target(%arg7 : memref<800x16xf32, #tpu.memory_space<vmem>>) offsets(%arg9 : memref<800xi32, #tpu.memory_space<vmem>>) semaphore(%arg14 : memref<!tpu.dma_semaphore, #tpu.memory_space<semaphore_mem>>)
      %add3A_138 = arith.constant 800 : i32
      %add3A_139 = arith.addi %mul3A_111, %add3A_138 : i32
      %run_scoped3A_140 = arith.constant 0 : i32
      "tpu.region"() ({
        %run_scoped3A_172 = tpu.sem_alloc : memref<!tpu.dma_semaphore, #tpu.memory_space<semaphore_mem>>
        %dma_start3A_173 = tpu.memref_slice %arg2[%run_scoped3A_140, %add3A_139] : memref<2x1600000xi32, #tpu.memory_space<hbm>> -> memref<1x800xi32, #tpu.memory_space<hbm>>
        %dma_start3A_174 = tpu.memref_squeeze %dma_start3A_173 : memref<1x800xi32, #tpu.memory_space<hbm>> -> memref<800xi32, #tpu.memory_space<hbm>>
        %dma_start3A_175 = tpu.memref_slice %arg2[%run_scoped3A_140, %add3A_139] : memref<2x1600000xi32, #tpu.memory_space<hbm>> -> memref<1x800xi32, #tpu.memory_space<hbm>>
        %dma_start3A_176 = tpu.memref_squeeze %dma_start3A_175 : memref<1x800xi32, #tpu.memory_space<hbm>> -> memref<800xi32, #tpu.memory_space<hbm>>
        tpu.enqueue_dma source(%dma_start3A_176 : memref<800xi32, #tpu.memory_space<hbm>>) target(%arg10 : memref<800xi32, #tpu.memory_space<vmem>>) target_semaphore(%run_scoped3A_172 : memref<!tpu.dma_semaphore, #tpu.memory_space<semaphore_mem>>)
        %dma_wait3A_177 = tpu.memref_slice %arg2[%run_scoped3A_140, %add3A_139] : memref<2x1600000xi32, #tpu.memory_space<hbm>> -> memref<1x800xi32, #tpu.memory_space<hbm>>
        %dma_wait3A_178 = tpu.memref_squeeze %dma_wait3A_177 : memref<1x800xi32, #tpu.memory_space<hbm>> -> memref<800xi32, #tpu.memory_space<hbm>>
        %dma_wait3A_179 = tpu.memref_slice %arg2[%run_scoped3A_140, %add3A_139] : memref<2x1600000xi32, #tpu.memory_space<hbm>> -> memref<1x800xi32, #tpu.memory_space<hbm>>
        %dma_wait3A_180 = tpu.memref_squeeze %dma_wait3A_179 : memref<1x800xi32, #tpu.memory_space<hbm>> -> memref<800xi32, #tpu.memory_space<hbm>>
        tpu.wait_dma2 semaphore(%run_scoped3A_172 : memref<!tpu.dma_semaphore, #tpu.memory_space<semaphore_mem>>) src(%dma_wait3A_180 : memref<800xi32, #tpu.memory_space<hbm>>) dst(%arg10 : memref<800xi32, #tpu.memory_space<vmem>>)
        tpu.yield
      }) : () -> ()
      %add3A_141 = arith.constant 800 : i32
      %add3A_142 = arith.addi %mul3A_111, %add3A_141 : i32
      %run_scoped3A_143 = arith.constant 1 : i32
      "tpu.region"() ({
        %run_scoped3A_172 = tpu.sem_alloc : memref<!tpu.dma_semaphore, #tpu.memory_space<semaphore_mem>>
        %dma_start3A_173 = tpu.memref_slice %arg2[%run_scoped3A_143, %add3A_142] : memref<2x1600000xi32, #tpu.memory_space<hbm>> -> memref<1x800xi32, #tpu.memory_space<hbm>>
        %dma_start3A_174 = tpu.memref_squeeze %dma_start3A_173 : memref<1x800xi32, #tpu.memory_space<hbm>> -> memref<800xi32, #tpu.memory_space<hbm>>
        %dma_start3A_175 = tpu.memref_slice %arg2[%run_scoped3A_143, %add3A_142] : memref<2x1600000xi32, #tpu.memory_space<hbm>> -> memref<1x800xi32, #tpu.memory_space<hbm>>
        %dma_start3A_176 = tpu.memref_squeeze %dma_start3A_175 : memref<1x800xi32, #tpu.memory_space<hbm>> -> memref<800xi32, #tpu.memory_space<hbm>>
        tpu.enqueue_dma source(%dma_start3A_176 : memref<800xi32, #tpu.memory_space<hbm>>) target(%arg12 : memref<800xi32, #tpu.memory_space<vmem>>) target_semaphore(%run_scoped3A_172 : memref<!tpu.dma_semaphore, #tpu.memory_space<semaphore_mem>>)
        %dma_wait3A_177 = tpu.memref_slice %arg2[%run_scoped3A_143, %add3A_142] : memref<2x1600000xi32, #tpu.memory_space<hbm>> -> memref<1x800xi32, #tpu.memory_space<hbm>>
        %dma_wait3A_178 = tpu.memref_squeeze %dma_wait3A_177 : memref<1x800xi32, #tpu.memory_space<hbm>> -> memref<800xi32, #tpu.memory_space<hbm>>
        %dma_wait3A_179 = tpu.memref_slice %arg2[%run_scoped3A_143, %add3A_142] : memref<2x1600000xi32, #tpu.memory_space<hbm>> -> memref<1x800xi32, #tpu.memory_space<hbm>>
        %dma_wait3A_180 = tpu.memref_squeeze %dma_wait3A_179 : memref<1x800xi32, #tpu.memory_space<hbm>> -> memref<800xi32, #tpu.memory_space<hbm>>
        tpu.wait_dma2 semaphore(%run_scoped3A_172 : memref<!tpu.dma_semaphore, #tpu.memory_space<semaphore_mem>>) src(%dma_wait3A_180 : memref<800xi32, #tpu.memory_space<hbm>>) dst(%arg12 : memref<800xi32, #tpu.memory_space<vmem>>)
        tpu.yield
      }) : () -> ()
      %dma_start3A_144 = arith.constant 0 : i32
      %dma_start3A_145 = arith.constant 0 : i32
      %dma_start3A_146 = tpu.memref_slice %arg3[%dma_start3A_144, %dma_start3A_145] : memref<102400x16xf32, #tpu.memory_space<hbm>> -> memref<102400x16xf32, #tpu.memory_space<hbm>>
      tpu.enqueue_indirect_dma source(%dma_start3A_146 : memref<102400x16xf32, #tpu.memory_space<hbm>>) target(%arg8 : memref<800x16xf32, #tpu.memory_space<vmem>>) offsets(%arg10 : memref<800xi32, #tpu.memory_space<vmem>>) semaphore(%arg15 : memref<!tpu.dma_semaphore, #tpu.memory_space<semaphore_mem>>)
      %dma_wait3A_147 = arith.constant 0 : i32
      %dma_wait3A_148 = arith.constant 0 : i32
      %dma_wait3A_149 = tpu.memref_slice %arg3[%dma_wait3A_147, %dma_wait3A_148] : memref<102400x16xf32, #tpu.memory_space<hbm>> -> memref<102400x16xf32, #tpu.memory_space<hbm>>
      tpu.wait_indirect_dma semaphore(%arg14 : memref<!tpu.dma_semaphore, #tpu.memory_space<semaphore_mem>>) src(%dma_wait3A_149 : memref<102400x16xf32, #tpu.memory_space<hbm>>) dst(%arg7 : memref<800x16xf32, #tpu.memory_space<vmem>>)
      %dma_start3A_150 = arith.constant 0 : i32
      %dma_start3A_151 = arith.constant 0 : i32
      %dma_start3A_152 = tpu.memref_slice %arg13[%dma_start3A_150, %dma_start3A_151] : memref<100000x16xf32, #tpu.memory_space<vmem_shared>> -> memref<100000x16xf32, #tpu.memory_space<vmem_shared>>
      tpu.enqueue_indirect_dma source(%arg7 : memref<800x16xf32, #tpu.memory_space<vmem>>) target(%dma_start3A_152 : memref<100000x16xf32, #tpu.memory_space<vmem_shared>>) offsets(%arg11 : memref<800xi32, #tpu.memory_space<vmem>>) semaphore(%arg16 : memref<!tpu.dma_semaphore, #tpu.memory_space<semaphore_mem>>) {add = true}
      %scan3A_153 = arith.constant 0 : i32
      %scan3A_154 = arith.constant 2 : i32
      %scan3A_155 = arith.constant 123 : i32
      %scan3A_156 = arith.addi %scan3A_154, %scan3A_155 : i32
      %scan3A_157 = arith.constant 1 : i32
      %scan3A_158 = scf.for %scan3A_172 = %scan3A_154 to %scan3A_156 step %scan3A_157 iter_args(%scan3A_173 = %scan3A_153) -> (i32)  : i32 {
        %jit3A = arith.constant 2 : i32
        %eq3A_174 = arith.constant 0 : i32
        %eq3A_175 = arith.cmpi eq, %jit3A, %eq3A_174 : i32
        %jit3A_176 = arith.constant 1 : i32
        %select_n3A = arith.select %eq3A_175, %jit3A_176, %jit3A : i32
        %rem3A = arith.remsi %scan3A_172, %select_n3A : i32
        %ne3A = arith.constant 0 : i32
        %ne3A_177 = arith.cmpi ne, %rem3A, %ne3A : i32
        %lt3A = arith.constant 0 : i32
        %lt3A_178 = arith.cmpi slt, %rem3A, %lt3A : i32
        %lt3A_179 = arith.constant 0 : i32
        %lt3A_180 = arith.cmpi slt, %select_n3A, %lt3A_179 : i32
        %ne3A_181 = arith.xori %lt3A_178, %lt3A_180 : i1
        %and3A = arith.andi %ne3A_181, %ne3A_177 : i1
        %add3A_182 = arith.addi %rem3A, %select_n3A : i32
        %select_n3A_183 = arith.select %and3A, %add3A_182, %rem3A : i32
        %eq3A_184 = arith.constant 0 : i32
        %eq3A_185 = arith.cmpi eq, %select_n3A_183, %eq3A_184 : i32
        %convert_element_type3A_186 = arith.extui %eq3A_185 : i1 to i32
        %cond3A_187 = arith.constant 0 : i32
        %cond3A_188 = arith.cmpi ne, %convert_element_type3A_186, %cond3A_187 : i32
        scf.if %cond3A_188 {
          %dma_wait3A_211 = arith.constant 0 : i32
          %dma_wait3A_212 = arith.constant 0 : i32
          %dma_wait3A_213 = tpu.memref_slice %arg13[%dma_wait3A_211, %dma_wait3A_212] : memref<100000x16xf32, #tpu.memory_space<vmem_shared>> -> memref<100000x16xf32, #tpu.memory_space<vmem_shared>>
          tpu.wait_indirect_dma semaphore(%arg16 : memref<!tpu.dma_semaphore, #tpu.memory_space<semaphore_mem>>) src(%arg7 : memref<800x16xf32, #tpu.memory_space<vmem>>) dst(%dma_wait3A_213 : memref<100000x16xf32, #tpu.memory_space<vmem_shared>>)
          %mul3A_214 = arith.constant 800 : i32
          %mul3A_215 = arith.muli %scan3A_172, %mul3A_214 : i32
          %add3A_216 = arith.addi %mul3A_111, %mul3A_215 : i32
          %run_scoped3A_217 = arith.constant 0 : i32
          "tpu.region"() ({
            %run_scoped3A_231 = tpu.sem_alloc : memref<!tpu.dma_semaphore, #tpu.memory_space<semaphore_mem>>
            %dma_start3A_232 = tpu.memref_slice %arg2[%run_scoped3A_217, %add3A_216] : memref<2x1600000xi32, #tpu.memory_space<hbm>> -> memref<1x800xi32, #tpu.memory_space<hbm>>
            %dma_start3A_233 = tpu.memref_squeeze %dma_start3A_232 : memref<1x800xi32, #tpu.memory_space<hbm>> -> memref<800xi32, #tpu.memory_space<hbm>>
            %dma_start3A_234 = tpu.memref_slice %arg2[%run_scoped3A_217, %add3A_216] : memref<2x1600000xi32, #tpu.memory_space<hbm>> -> memref<1x800xi32, #tpu.memory_space<hbm>>
            %dma_start3A_235 = tpu.memref_squeeze %dma_start3A_234 : memref<1x800xi32, #tpu.memory_space<hbm>> -> memref<800xi32, #tpu.memory_space<hbm>>
            tpu.enqueue_dma source(%dma_start3A_235 : memref<800xi32, #tpu.memory_space<hbm>>) target(%arg9 : memref<800xi32, #tpu.memory_space<vmem>>) target_semaphore(%run_scoped3A_231 : memref<!tpu.dma_semaphore, #tpu.memory_space<semaphore_mem>>)
            %dma_wait3A_236 = tpu.memref_slice %arg2[%run_scoped3A_217, %add3A_216] : memref<2x1600000xi32, #tpu.memory_space<hbm>> -> memref<1x800xi32, #tpu.memory_space<hbm>>
            %dma_wait3A_237 = tpu.memref_squeeze %dma_wait3A_236 : memref<1x800xi32, #tpu.memory_space<hbm>> -> memref<800xi32, #tpu.memory_space<hbm>>
            %dma_wait3A_238 = tpu.memref_slice %arg2[%run_scoped3A_217, %add3A_216] : memref<2x1600000xi32, #tpu.memory_space<hbm>> -> memref<1x800xi32, #tpu.memory_space<hbm>>
            %dma_wait3A_239 = tpu.memref_squeeze %dma_wait3A_238 : memref<1x800xi32, #tpu.memory_space<hbm>> -> memref<800xi32, #tpu.memory_space<hbm>>
            tpu.wait_dma2 semaphore(%run_scoped3A_231 : memref<!tpu.dma_semaphore, #tpu.memory_space<semaphore_mem>>) src(%dma_wait3A_239 : memref<800xi32, #tpu.memory_space<hbm>>) dst(%arg9 : memref<800xi32, #tpu.memory_space<vmem>>)
            tpu.yield
          }) : () -> ()
          %mul3A_218 = arith.constant 800 : i32
          %mul3A_219 = arith.muli %scan3A_172, %mul3A_218 : i32
          %add3A_220 = arith.addi %mul3A_111, %mul3A_219 : i32
          %run_scoped3A_221 = arith.constant 1 : i32
          "tpu.region"() ({
            %run_scoped3A_231 = tpu.sem_alloc : memref<!tpu.dma_semaphore, #tpu.memory_space<semaphore_mem>>
            %dma_start3A_232 = tpu.memref_slice %arg2[%run_scoped3A_221, %add3A_220] : memref<2x1600000xi32, #tpu.memory_space<hbm>> -> memref<1x800xi32, #tpu.memory_space<hbm>>
            %dma_start3A_233 = tpu.memref_squeeze %dma_start3A_232 : memref<1x800xi32, #tpu.memory_space<hbm>> -> memref<800xi32, #tpu.memory_space<hbm>>
            %dma_start3A_234 = tpu.memref_slice %arg2[%run_scoped3A_221, %add3A_220] : memref<2x1600000xi32, #tpu.memory_space<hbm>> -> memref<1x800xi32, #tpu.memory_space<hbm>>
            %dma_start3A_235 = tpu.memref_squeeze %dma_start3A_234 : memref<1x800xi32, #tpu.memory_space<hbm>> -> memref<800xi32, #tpu.memory_space<hbm>>
            tpu.enqueue_dma source(%dma_start3A_235 : memref<800xi32, #tpu.memory_space<hbm>>) target(%arg11 : memref<800xi32, #tpu.memory_space<vmem>>) target_semaphore(%run_scoped3A_231 : memref<!tpu.dma_semaphore, #tpu.memory_space<semaphore_mem>>)
            %dma_wait3A_236 = tpu.memref_slice %arg2[%run_scoped3A_221, %add3A_220] : memref<2x1600000xi32, #tpu.memory_space<hbm>> -> memref<1x800xi32, #tpu.memory_space<hbm>>
            %dma_wait3A_237 = tpu.memref_squeeze %dma_wait3A_236 : memref<1x800xi32, #tpu.memory_space<hbm>> -> memref<800xi32, #tpu.memory_space<hbm>>
            %dma_wait3A_238 = tpu.memref_slice %arg2[%run_scoped3A_221, %add3A_220] : memref<2x1600000xi32, #tpu.memory_space<hbm>> -> memref<1x800xi32, #tpu.memory_space<hbm>>
            %dma_wait3A_239 = tpu.memref_squeeze %dma_wait3A_238 : memref<1x800xi32, #tpu.memory_space<hbm>> -> memref<800xi32, #tpu.memory_space<hbm>>
            tpu.wait_dma2 semaphore(%run_scoped3A_231 : memref<!tpu.dma_semaphore, #tpu.memory_space<semaphore_mem>>) src(%dma_wait3A_239 : memref<800xi32, #tpu.memory_space<hbm>>) dst(%arg11 : memref<800xi32, #tpu.memory_space<vmem>>)
            tpu.yield
          }) : () -> ()
          %dma_start3A_222 = arith.constant 0 : i32
          %dma_start3A_223 = arith.constant 0 : i32
          %dma_start3A_224 = tpu.memref_slice %arg3[%dma_start3A_222, %dma_start3A_223] : memref<102400x16xf32, #tpu.memory_space<hbm>> -> memref<102400x16xf32, #tpu.memory_space<hbm>>
          tpu.enqueue_indirect_dma source(%dma_start3A_224 : memref<102400x16xf32, #tpu.memory_space<hbm>>) target(%arg7 : memref<800x16xf32, #tpu.memory_space<vmem>>) offsets(%arg9 : memref<800xi32, #tpu.memory_space<vmem>>) semaphore(%arg14 : memref<!tpu.dma_semaphore, #tpu.memory_space<semaphore_mem>>)
          %dma_wait3A_225 = arith.constant 0 : i32
          %dma_wait3A_226 = arith.constant 0 : i32
          %dma_wait3A_227 = tpu.memref_slice %arg3[%dma_wait3A_225, %dma_wait3A_226] : memref<102400x16xf32, #tpu.memory_space<hbm>> -> memref<102400x16xf32, #tpu.memory_space<hbm>>
          tpu.wait_indirect_dma semaphore(%arg15 : memref<!tpu.dma_semaphore, #tpu.memory_space<semaphore_mem>>) src(%dma_wait3A_227 : memref<102400x16xf32, #tpu.memory_space<hbm>>) dst(%arg8 : memref<800x16xf32, #tpu.memory_space<vmem>>)
          %dma_start3A_228 = arith.constant 0 : i32
          %dma_start3A_229 = arith.constant 0 : i32
          %dma_start3A_230 = tpu.memref_slice %arg13[%dma_start3A_228, %dma_start3A_229] : memref<100000x16xf32, #tpu.memory_space<vmem_shared>> -> memref<100000x16xf32, #tpu.memory_space<vmem_shared>>
          tpu.enqueue_indirect_dma source(%arg8 : memref<800x16xf32, #tpu.memory_space<vmem>>) target(%dma_start3A_230 : memref<100000x16xf32, #tpu.memory_space<vmem_shared>>) offsets(%arg12 : memref<800xi32, #tpu.memory_space<vmem>>) semaphore(%arg17 : memref<!tpu.dma_semaphore, #tpu.memory_space<semaphore_mem>>) {add = true}
        } else {
        }
        %jit3A_189 = arith.constant 2 : i32
        %eq3A_190 = arith.constant 0 : i32
        %eq3A_191 = arith.cmpi eq, %jit3A_189, %eq3A_190 : i32
        %jit3A_192 = arith.constant 1 : i32
        %select_n3A_193 = arith.select %eq3A_191, %jit3A_192, %jit3A_189 : i32
        %rem3A_194 = arith.remsi %scan3A_172, %select_n3A_193 : i32
        %ne3A_195 = arith.constant 0 : i32
        %ne3A_196 = arith.cmpi ne, %rem3A_194, %ne3A_195 : i32
        %lt3A_197 = arith.constant 0 : i32
        %lt3A_198 = arith.cmpi slt, %rem3A_194, %lt3A_197 : i32
        %lt3A_199 = arith.constant 0 : i32
        %lt3A_200 = arith.cmpi slt, %select_n3A_193, %lt3A_199 : i32
        %ne3A_201 = arith.xori %lt3A_198, %lt3A_200 : i1
        %and3A_202 = arith.andi %ne3A_201, %ne3A_196 : i1
        %add3A_203 = arith.addi %rem3A_194, %select_n3A_193 : i32
        %select_n3A_204 = arith.select %and3A_202, %add3A_203, %rem3A_194 : i32
        %eq3A_205 = arith.constant 1 : i32
        %eq3A_206 = arith.cmpi eq, %select_n3A_204, %eq3A_205 : i32
        %convert_element_type3A_207 = arith.extui %eq3A_206 : i1 to i32
        %cond3A_208 = arith.constant 0 : i32
        %cond3A_209 = arith.cmpi ne, %convert_element_type3A_207, %cond3A_208 : i32
        scf.if %cond3A_209 {
          %dma_wait3A_211 = arith.constant 0 : i32
          %dma_wait3A_212 = arith.constant 0 : i32
          %dma_wait3A_213 = tpu.memref_slice %arg13[%dma_wait3A_211, %dma_wait3A_212] : memref<100000x16xf32, #tpu.memory_space<vmem_shared>> -> memref<100000x16xf32, #tpu.memory_space<vmem_shared>>
          tpu.wait_indirect_dma semaphore(%arg17 : memref<!tpu.dma_semaphore, #tpu.memory_space<semaphore_mem>>) src(%arg8 : memref<800x16xf32, #tpu.memory_space<vmem>>) dst(%dma_wait3A_213 : memref<100000x16xf32, #tpu.memory_space<vmem_shared>>)
          %mul3A_214 = arith.constant 800 : i32
          %mul3A_215 = arith.muli %scan3A_172, %mul3A_214 : i32
          %add3A_216 = arith.addi %mul3A_111, %mul3A_215 : i32
          %run_scoped3A_217 = arith.constant 0 : i32
          "tpu.region"() ({
            %run_scoped3A_231 = tpu.sem_alloc : memref<!tpu.dma_semaphore, #tpu.memory_space<semaphore_mem>>
            %dma_start3A_232 = tpu.memref_slice %arg2[%run_scoped3A_217, %add3A_216] : memref<2x1600000xi32, #tpu.memory_space<hbm>> -> memref<1x800xi32, #tpu.memory_space<hbm>>
            %dma_start3A_233 = tpu.memref_squeeze %dma_start3A_232 : memref<1x800xi32, #tpu.memory_space<hbm>> -> memref<800xi32, #tpu.memory_space<hbm>>
            %dma_start3A_234 = tpu.memref_slice %arg2[%run_scoped3A_217, %add3A_216] : memref<2x1600000xi32, #tpu.memory_space<hbm>> -> memref<1x800xi32, #tpu.memory_space<hbm>>
            %dma_start3A_235 = tpu.memref_squeeze %dma_start3A_234 : memref<1x800xi32, #tpu.memory_space<hbm>> -> memref<800xi32, #tpu.memory_space<hbm>>
            tpu.enqueue_dma source(%dma_start3A_235 : memref<800xi32, #tpu.memory_space<hbm>>) target(%arg10 : memref<800xi32, #tpu.memory_space<vmem>>) target_semaphore(%run_scoped3A_231 : memref<!tpu.dma_semaphore, #tpu.memory_space<semaphore_mem>>)
            %dma_wait3A_236 = tpu.memref_slice %arg2[%run_scoped3A_217, %add3A_216] : memref<2x1600000xi32, #tpu.memory_space<hbm>> -> memref<1x800xi32, #tpu.memory_space<hbm>>
            %dma_wait3A_237 = tpu.memref_squeeze %dma_wait3A_236 : memref<1x800xi32, #tpu.memory_space<hbm>> -> memref<800xi32, #tpu.memory_space<hbm>>
            %dma_wait3A_238 = tpu.memref_slice %arg2[%run_scoped3A_217, %add3A_216] : memref<2x1600000xi32, #tpu.memory_space<hbm>> -> memref<1x800xi32, #tpu.memory_space<hbm>>
            %dma_wait3A_239 = tpu.memref_squeeze %dma_wait3A_238 : memref<1x800xi32, #tpu.memory_space<hbm>> -> memref<800xi32, #tpu.memory_space<hbm>>
            tpu.wait_dma2 semaphore(%run_scoped3A_231 : memref<!tpu.dma_semaphore, #tpu.memory_space<semaphore_mem>>) src(%dma_wait3A_239 : memref<800xi32, #tpu.memory_space<hbm>>) dst(%arg10 : memref<800xi32, #tpu.memory_space<vmem>>)
            tpu.yield
          }) : () -> ()
          %mul3A_218 = arith.constant 800 : i32
          %mul3A_219 = arith.muli %scan3A_172, %mul3A_218 : i32
          %add3A_220 = arith.addi %mul3A_111, %mul3A_219 : i32
          %run_scoped3A_221 = arith.constant 1 : i32
          "tpu.region"() ({
            %run_scoped3A_231 = tpu.sem_alloc : memref<!tpu.dma_semaphore, #tpu.memory_space<semaphore_mem>>
            %dma_start3A_232 = tpu.memref_slice %arg2[%run_scoped3A_221, %add3A_220] : memref<2x1600000xi32, #tpu.memory_space<hbm>> -> memref<1x800xi32, #tpu.memory_space<hbm>>
            %dma_start3A_233 = tpu.memref_squeeze %dma_start3A_232 : memref<1x800xi32, #tpu.memory_space<hbm>> -> memref<800xi32, #tpu.memory_space<hbm>>
            %dma_start3A_234 = tpu.memref_slice %arg2[%run_scoped3A_221, %add3A_220] : memref<2x1600000xi32, #tpu.memory_space<hbm>> -> memref<1x800xi32, #tpu.memory_space<hbm>>
            %dma_start3A_235 = tpu.memref_squeeze %dma_start3A_234 : memref<1x800xi32, #tpu.memory_space<hbm>> -> memref<800xi32, #tpu.memory_space<hbm>>
            tpu.enqueue_dma source(%dma_start3A_235 : memref<800xi32, #tpu.memory_space<hbm>>) target(%arg12 : memref<800xi32, #tpu.memory_space<vmem>>) target_semaphore(%run_scoped3A_231 : memref<!tpu.dma_semaphore, #tpu.memory_space<semaphore_mem>>)
            %dma_wait3A_236 = tpu.memref_slice %arg2[%run_scoped3A_221, %add3A_220] : memref<2x1600000xi32, #tpu.memory_space<hbm>> -> memref<1x800xi32, #tpu.memory_space<hbm>>
            %dma_wait3A_237 = tpu.memref_squeeze %dma_wait3A_236 : memref<1x800xi32, #tpu.memory_space<hbm>> -> memref<800xi32, #tpu.memory_space<hbm>>
            %dma_wait3A_238 = tpu.memref_slice %arg2[%run_scoped3A_221, %add3A_220] : memref<2x1600000xi32, #tpu.memory_space<hbm>> -> memref<1x800xi32, #tpu.memory_space<hbm>>
            %dma_wait3A_239 = tpu.memref_squeeze %dma_wait3A_238 : memref<1x800xi32, #tpu.memory_space<hbm>> -> memref<800xi32, #tpu.memory_space<hbm>>
            tpu.wait_dma2 semaphore(%run_scoped3A_231 : memref<!tpu.dma_semaphore, #tpu.memory_space<semaphore_mem>>) src(%dma_wait3A_239 : memref<800xi32, #tpu.memory_space<hbm>>) dst(%arg12 : memref<800xi32, #tpu.memory_space<vmem>>)
            tpu.yield
          }) : () -> ()
          %dma_start3A_222 = arith.constant 0 : i32
          %dma_start3A_223 = arith.constant 0 : i32
          %dma_start3A_224 = tpu.memref_slice %arg3[%dma_start3A_222, %dma_start3A_223] : memref<102400x16xf32, #tpu.memory_space<hbm>> -> memref<102400x16xf32, #tpu.memory_space<hbm>>
          tpu.enqueue_indirect_dma source(%dma_start3A_224 : memref<102400x16xf32, #tpu.memory_space<hbm>>) target(%arg8 : memref<800x16xf32, #tpu.memory_space<vmem>>) offsets(%arg10 : memref<800xi32, #tpu.memory_space<vmem>>) semaphore(%arg15 : memref<!tpu.dma_semaphore, #tpu.memory_space<semaphore_mem>>)
          %dma_wait3A_225 = arith.constant 0 : i32
          %dma_wait3A_226 = arith.constant 0 : i32
          %dma_wait3A_227 = tpu.memref_slice %arg3[%dma_wait3A_225, %dma_wait3A_226] : memref<102400x16xf32, #tpu.memory_space<hbm>> -> memref<102400x16xf32, #tpu.memory_space<hbm>>
          tpu.wait_indirect_dma semaphore(%arg14 : memref<!tpu.dma_semaphore, #tpu.memory_space<semaphore_mem>>) src(%dma_wait3A_227 : memref<102400x16xf32, #tpu.memory_space<hbm>>) dst(%arg7 : memref<800x16xf32, #tpu.memory_space<vmem>>)
          %dma_start3A_228 = arith.constant 0 : i32
          %dma_start3A_229 = arith.constant 0 : i32
          %dma_start3A_230 = tpu.memref_slice %arg13[%dma_start3A_228, %dma_start3A_229] : memref<100000x16xf32, #tpu.memory_space<vmem_shared>> -> memref<100000x16xf32, #tpu.memory_space<vmem_shared>>
          tpu.enqueue_indirect_dma source(%arg7 : memref<800x16xf32, #tpu.memory_space<vmem>>) target(%dma_start3A_230 : memref<100000x16xf32, #tpu.memory_space<vmem_shared>>) offsets(%arg11 : memref<800xi32, #tpu.memory_space<vmem>>) semaphore(%arg16 : memref<!tpu.dma_semaphore, #tpu.memory_space<semaphore_mem>>) {add = true}
        } else {
        }
        %scan3A_210 = arith.constant 0 : i32
        scf.yield %scan3A_210 : i32
      }
      %scan3A_159 = arith.constant 123 : i32
      %dma_wait3A_160 = arith.constant 0 : i32
      %dma_wait3A_161 = arith.constant 0 : i32
      %dma_wait3A_162 = tpu.memref_slice %arg13[%dma_wait3A_160, %dma_wait3A_161] : memref<100000x16xf32, #tpu.memory_space<vmem_shared>> -> memref<100000x16xf32, #tpu.memory_space<vmem_shared>>
      tpu.wait_indirect_dma semaphore(%arg17 : memref<!tpu.dma_semaphore, #tpu.memory_space<semaphore_mem>>) src(%arg8 : memref<800x16xf32, #tpu.memory_space<vmem>>) dst(%dma_wait3A_162 : memref<100000x16xf32, #tpu.memory_space<vmem_shared>>)
      %dma_wait3A_163 = arith.constant 0 : i32
      %dma_wait3A_164 = arith.constant 0 : i32
      %dma_wait3A_165 = tpu.memref_slice %arg3[%dma_wait3A_163, %dma_wait3A_164] : memref<102400x16xf32, #tpu.memory_space<hbm>> -> memref<102400x16xf32, #tpu.memory_space<hbm>>
      tpu.wait_indirect_dma semaphore(%arg14 : memref<!tpu.dma_semaphore, #tpu.memory_space<semaphore_mem>>) src(%dma_wait3A_165 : memref<102400x16xf32, #tpu.memory_space<hbm>>) dst(%arg7 : memref<800x16xf32, #tpu.memory_space<vmem>>)
      %dma_start3A_166 = arith.constant 0 : i32
      %dma_start3A_167 = arith.constant 0 : i32
      %dma_start3A_168 = tpu.memref_slice %arg13[%dma_start3A_166, %dma_start3A_167] : memref<100000x16xf32, #tpu.memory_space<vmem_shared>> -> memref<100000x16xf32, #tpu.memory_space<vmem_shared>>
      tpu.enqueue_indirect_dma source(%arg7 : memref<800x16xf32, #tpu.memory_space<vmem>>) target(%dma_start3A_168 : memref<100000x16xf32, #tpu.memory_space<vmem_shared>>) offsets(%arg11 : memref<800xi32, #tpu.memory_space<vmem>>) semaphore(%arg16 : memref<!tpu.dma_semaphore, #tpu.memory_space<semaphore_mem>>) {add = true}
      %dma_wait3A_169 = arith.constant 0 : i32
      %dma_wait3A_170 = arith.constant 0 : i32
      %dma_wait3A_171 = tpu.memref_slice %arg13[%dma_wait3A_169, %dma_wait3A_170] : memref<100000x16xf32, #tpu.memory_space<vmem_shared>> -> memref<100000x16xf32, #tpu.memory_space<vmem_shared>>
      tpu.wait_indirect_dma semaphore(%arg16 : memref<!tpu.dma_semaphore, #tpu.memory_space<semaphore_mem>>) src(%arg7 : memref<800x16xf32, #tpu.memory_space<vmem>>) dst(%dma_wait3A_171 : memref<100000x16xf32, #tpu.memory_space<vmem_shared>>)
    } else {
    }
    %eq3A_114 = arith.constant 1 : i32
    %eq3A_115 = arith.cmpi eq, %arg0, %eq3A_114 : i32
    %convert_element_type3A_116 = arith.extui %eq3A_115 : i1 to i32
    %cond3A_117 = arith.constant 0 : i32
    %cond3A_118 = arith.cmpi ne, %convert_element_type3A_116, %cond3A_117 : i32
    scf.if %cond3A_118 {
      %add3A_130 = arith.constant 0 : i32
      %add3A_131 = arith.addi %mul3A_111, %add3A_130 : i32
      %run_scoped3A = arith.constant 0 : i32
      "tpu.region"() ({
        %run_scoped3A_172 = tpu.sem_alloc : memref<!tpu.dma_semaphore, #tpu.memory_space<semaphore_mem>>
        %dma_start3A_173 = tpu.memref_slice %arg2[%run_scoped3A, %add3A_131] : memref<2x1600000xi32, #tpu.memory_space<hbm>> -> memref<1x800xi32, #tpu.memory_space<hbm>>
        %dma_start3A_174 = tpu.memref_squeeze %dma_start3A_173 : memref<1x800xi32, #tpu.memory_space<hbm>> -> memref<800xi32, #tpu.memory_space<hbm>>
        %dma_start3A_175 = tpu.memref_slice %arg2[%run_scoped3A, %add3A_131] : memref<2x1600000xi32, #tpu.memory_space<hbm>> -> memref<1x800xi32, #tpu.memory_space<hbm>>
        %dma_start3A_176 = tpu.memref_squeeze %dma_start3A_175 : memref<1x800xi32, #tpu.memory_space<hbm>> -> memref<800xi32, #tpu.memory_space<hbm>>
        tpu.enqueue_dma source(%dma_start3A_176 : memref<800xi32, #tpu.memory_space<hbm>>) target(%arg9 : memref<800xi32, #tpu.memory_space<vmem>>) target_semaphore(%run_scoped3A_172 : memref<!tpu.dma_semaphore, #tpu.memory_space<semaphore_mem>>)
        %dma_wait3A_177 = tpu.memref_slice %arg2[%run_scoped3A, %add3A_131] : memref<2x1600000xi32, #tpu.memory_space<hbm>> -> memref<1x800xi32, #tpu.memory_space<hbm>>
        %dma_wait3A_178 = tpu.memref_squeeze %dma_wait3A_177 : memref<1x800xi32, #tpu.memory_space<hbm>> -> memref<800xi32, #tpu.memory_space<hbm>>
        %dma_wait3A_179 = tpu.memref_slice %arg2[%run_scoped3A, %add3A_131] : memref<2x1600000xi32, #tpu.memory_space<hbm>> -> memref<1x800xi32, #tpu.memory_space<hbm>>
        %dma_wait3A_180 = tpu.memref_squeeze %dma_wait3A_179 : memref<1x800xi32, #tpu.memory_space<hbm>> -> memref<800xi32, #tpu.memory_space<hbm>>
        tpu.wait_dma2 semaphore(%run_scoped3A_172 : memref<!tpu.dma_semaphore, #tpu.memory_space<semaphore_mem>>) src(%dma_wait3A_180 : memref<800xi32, #tpu.memory_space<hbm>>) dst(%arg9 : memref<800xi32, #tpu.memory_space<vmem>>)
        tpu.yield
      }) : () -> ()
      %add3A_132 = arith.constant 0 : i32
      %add3A_133 = arith.addi %mul3A_111, %add3A_132 : i32
      %run_scoped3A_134 = arith.constant 1 : i32
      "tpu.region"() ({
        %run_scoped3A_172 = tpu.sem_alloc : memref<!tpu.dma_semaphore, #tpu.memory_space<semaphore_mem>>
        %dma_start3A_173 = tpu.memref_slice %arg2[%run_scoped3A_134, %add3A_133] : memref<2x1600000xi32, #tpu.memory_space<hbm>> -> memref<1x800xi32, #tpu.memory_space<hbm>>
        %dma_start3A_174 = tpu.memref_squeeze %dma_start3A_173 : memref<1x800xi32, #tpu.memory_space<hbm>> -> memref<800xi32, #tpu.memory_space<hbm>>
        %dma_start3A_175 = tpu.memref_slice %arg2[%run_scoped3A_134, %add3A_133] : memref<2x1600000xi32, #tpu.memory_space<hbm>> -> memref<1x800xi32, #tpu.memory_space<hbm>>
        %dma_start3A_176 = tpu.memref_squeeze %dma_start3A_175 : memref<1x800xi32, #tpu.memory_space<hbm>> -> memref<800xi32, #tpu.memory_space<hbm>>
        tpu.enqueue_dma source(%dma_start3A_176 : memref<800xi32, #tpu.memory_space<hbm>>) target(%arg11 : memref<800xi32, #tpu.memory_space<vmem>>) target_semaphore(%run_scoped3A_172 : memref<!tpu.dma_semaphore, #tpu.memory_space<semaphore_mem>>)
        %dma_wait3A_177 = tpu.memref_slice %arg2[%run_scoped3A_134, %add3A_133] : memref<2x1600000xi32, #tpu.memory_space<hbm>> -> memref<1x800xi32, #tpu.memory_space<hbm>>
        %dma_wait3A_178 = tpu.memref_squeeze %dma_wait3A_177 : memref<1x800xi32, #tpu.memory_space<hbm>> -> memref<800xi32, #tpu.memory_space<hbm>>
        %dma_wait3A_179 = tpu.memref_slice %arg2[%run_scoped3A_134, %add3A_133] : memref<2x1600000xi32, #tpu.memory_space<hbm>> -> memref<1x800xi32, #tpu.memory_space<hbm>>
        %dma_wait3A_180 = tpu.memref_squeeze %dma_wait3A_179 : memref<1x800xi32, #tpu.memory_space<hbm>> -> memref<800xi32, #tpu.memory_space<hbm>>
        tpu.wait_dma2 semaphore(%run_scoped3A_172 : memref<!tpu.dma_semaphore, #tpu.memory_space<semaphore_mem>>) src(%dma_wait3A_180 : memref<800xi32, #tpu.memory_space<hbm>>) dst(%arg11 : memref<800xi32, #tpu.memory_space<vmem>>)
        tpu.yield
      }) : () -> ()
      %dma_start3A_135 = arith.constant 0 : i32
      %dma_start3A_136 = arith.constant 0 : i32
      %dma_start3A_137 = tpu.memref_slice %arg4[%dma_start3A_135, %dma_start3A_136] : memref<102400x16xf32, #tpu.memory_space<hbm>> -> memref<102400x16xf32, #tpu.memory_space<hbm>>
      tpu.enqueue_indirect_dma source(%dma_start3A_137 : memref<102400x16xf32, #tpu.memory_space<hbm>>) target(%arg7 : memref<800x16xf32, #tpu.memory_space<vmem>>) offsets(%arg9 : memref<800xi32, #tpu.memory_space<vmem>>) semaphore(%arg14 : memref<!tpu.dma_semaphore, #tpu.memory_space<semaphore_mem>>)
      %add3A_138 = arith.constant 800 : i32
      %add3A_139 = arith.addi %mul3A_111, %add3A_138 : i32
      %run_scoped3A_140 = arith.constant 0 : i32
      "tpu.region"() ({
        %run_scoped3A_172 = tpu.sem_alloc : memref<!tpu.dma_semaphore, #tpu.memory_space<semaphore_mem>>
        %dma_start3A_173 = tpu.memref_slice %arg2[%run_scoped3A_140, %add3A_139] : memref<2x1600000xi32, #tpu.memory_space<hbm>> -> memref<1x800xi32, #tpu.memory_space<hbm>>
        %dma_start3A_174 = tpu.memref_squeeze %dma_start3A_173 : memref<1x800xi32, #tpu.memory_space<hbm>> -> memref<800xi32, #tpu.memory_space<hbm>>
        %dma_start3A_175 = tpu.memref_slice %arg2[%run_scoped3A_140, %add3A_139] : memref<2x1600000xi32, #tpu.memory_space<hbm>> -> memref<1x800xi32, #tpu.memory_space<hbm>>
        %dma_start3A_176 = tpu.memref_squeeze %dma_start3A_175 : memref<1x800xi32, #tpu.memory_space<hbm>> -> memref<800xi32, #tpu.memory_space<hbm>>
        tpu.enqueue_dma source(%dma_start3A_176 : memref<800xi32, #tpu.memory_space<hbm>>) target(%arg10 : memref<800xi32, #tpu.memory_space<vmem>>) target_semaphore(%run_scoped3A_172 : memref<!tpu.dma_semaphore, #tpu.memory_space<semaphore_mem>>)
        %dma_wait3A_177 = tpu.memref_slice %arg2[%run_scoped3A_140, %add3A_139] : memref<2x1600000xi32, #tpu.memory_space<hbm>> -> memref<1x800xi32, #tpu.memory_space<hbm>>
        %dma_wait3A_178 = tpu.memref_squeeze %dma_wait3A_177 : memref<1x800xi32, #tpu.memory_space<hbm>> -> memref<800xi32, #tpu.memory_space<hbm>>
        %dma_wait3A_179 = tpu.memref_slice %arg2[%run_scoped3A_140, %add3A_139] : memref<2x1600000xi32, #tpu.memory_space<hbm>> -> memref<1x800xi32, #tpu.memory_space<hbm>>
        %dma_wait3A_180 = tpu.memref_squeeze %dma_wait3A_179 : memref<1x800xi32, #tpu.memory_space<hbm>> -> memref<800xi32, #tpu.memory_space<hbm>>
        tpu.wait_dma2 semaphore(%run_scoped3A_172 : memref<!tpu.dma_semaphore, #tpu.memory_space<semaphore_mem>>) src(%dma_wait3A_180 : memref<800xi32, #tpu.memory_space<hbm>>) dst(%arg10 : memref<800xi32, #tpu.memory_space<vmem>>)
        tpu.yield
      }) : () -> ()
      %add3A_141 = arith.constant 800 : i32
      %add3A_142 = arith.addi %mul3A_111, %add3A_141 : i32
      %run_scoped3A_143 = arith.constant 1 : i32
      "tpu.region"() ({
        %run_scoped3A_172 = tpu.sem_alloc : memref<!tpu.dma_semaphore, #tpu.memory_space<semaphore_mem>>
        %dma_start3A_173 = tpu.memref_slice %arg2[%run_scoped3A_143, %add3A_142] : memref<2x1600000xi32, #tpu.memory_space<hbm>> -> memref<1x800xi32, #tpu.memory_space<hbm>>
        %dma_start3A_174 = tpu.memref_squeeze %dma_start3A_173 : memref<1x800xi32, #tpu.memory_space<hbm>> -> memref<800xi32, #tpu.memory_space<hbm>>
        %dma_start3A_175 = tpu.memref_slice %arg2[%run_scoped3A_143, %add3A_142] : memref<2x1600000xi32, #tpu.memory_space<hbm>> -> memref<1x800xi32, #tpu.memory_space<hbm>>
        %dma_start3A_176 = tpu.memref_squeeze %dma_start3A_175 : memref<1x800xi32, #tpu.memory_space<hbm>> -> memref<800xi32, #tpu.memory_space<hbm>>
        tpu.enqueue_dma source(%dma_start3A_176 : memref<800xi32, #tpu.memory_space<hbm>>) target(%arg12 : memref<800xi32, #tpu.memory_space<vmem>>) target_semaphore(%run_scoped3A_172 : memref<!tpu.dma_semaphore, #tpu.memory_space<semaphore_mem>>)
        %dma_wait3A_177 = tpu.memref_slice %arg2[%run_scoped3A_143, %add3A_142] : memref<2x1600000xi32, #tpu.memory_space<hbm>> -> memref<1x800xi32, #tpu.memory_space<hbm>>
        %dma_wait3A_178 = tpu.memref_squeeze %dma_wait3A_177 : memref<1x800xi32, #tpu.memory_space<hbm>> -> memref<800xi32, #tpu.memory_space<hbm>>
        %dma_wait3A_179 = tpu.memref_slice %arg2[%run_scoped3A_143, %add3A_142] : memref<2x1600000xi32, #tpu.memory_space<hbm>> -> memref<1x800xi32, #tpu.memory_space<hbm>>
        %dma_wait3A_180 = tpu.memref_squeeze %dma_wait3A_179 : memref<1x800xi32, #tpu.memory_space<hbm>> -> memref<800xi32, #tpu.memory_space<hbm>>
        tpu.wait_dma2 semaphore(%run_scoped3A_172 : memref<!tpu.dma_semaphore, #tpu.memory_space<semaphore_mem>>) src(%dma_wait3A_180 : memref<800xi32, #tpu.memory_space<hbm>>) dst(%arg12 : memref<800xi32, #tpu.memory_space<vmem>>)
        tpu.yield
      }) : () -> ()
      %dma_start3A_144 = arith.constant 0 : i32
      %dma_start3A_145 = arith.constant 0 : i32
      %dma_start3A_146 = tpu.memref_slice %arg4[%dma_start3A_144, %dma_start3A_145] : memref<102400x16xf32, #tpu.memory_space<hbm>> -> memref<102400x16xf32, #tpu.memory_space<hbm>>
      tpu.enqueue_indirect_dma source(%dma_start3A_146 : memref<102400x16xf32, #tpu.memory_space<hbm>>) target(%arg8 : memref<800x16xf32, #tpu.memory_space<vmem>>) offsets(%arg10 : memref<800xi32, #tpu.memory_space<vmem>>) semaphore(%arg15 : memref<!tpu.dma_semaphore, #tpu.memory_space<semaphore_mem>>)
      %dma_wait3A_147 = arith.constant 0 : i32
      %dma_wait3A_148 = arith.constant 0 : i32
      %dma_wait3A_149 = tpu.memref_slice %arg4[%dma_wait3A_147, %dma_wait3A_148] : memref<102400x16xf32, #tpu.memory_space<hbm>> -> memref<102400x16xf32, #tpu.memory_space<hbm>>
      tpu.wait_indirect_dma semaphore(%arg14 : memref<!tpu.dma_semaphore, #tpu.memory_space<semaphore_mem>>) src(%dma_wait3A_149 : memref<102400x16xf32, #tpu.memory_space<hbm>>) dst(%arg7 : memref<800x16xf32, #tpu.memory_space<vmem>>)
      %dma_start3A_150 = arith.constant 0 : i32
      %dma_start3A_151 = arith.constant 0 : i32
      %dma_start3A_152 = tpu.memref_slice %arg13[%dma_start3A_150, %dma_start3A_151] : memref<100000x16xf32, #tpu.memory_space<vmem_shared>> -> memref<100000x16xf32, #tpu.memory_space<vmem_shared>>
      tpu.enqueue_indirect_dma source(%arg7 : memref<800x16xf32, #tpu.memory_space<vmem>>) target(%dma_start3A_152 : memref<100000x16xf32, #tpu.memory_space<vmem_shared>>) offsets(%arg11 : memref<800xi32, #tpu.memory_space<vmem>>) semaphore(%arg16 : memref<!tpu.dma_semaphore, #tpu.memory_space<semaphore_mem>>) {add = true}
      %scan3A_153 = arith.constant 0 : i32
      %scan3A_154 = arith.constant 2 : i32
      %scan3A_155 = arith.constant 123 : i32
      %scan3A_156 = arith.addi %scan3A_154, %scan3A_155 : i32
      %scan3A_157 = arith.constant 1 : i32
      %scan3A_158 = scf.for %scan3A_172 = %scan3A_154 to %scan3A_156 step %scan3A_157 iter_args(%scan3A_173 = %scan3A_153) -> (i32)  : i32 {
        %jit3A = arith.constant 2 : i32
        %eq3A_174 = arith.constant 0 : i32
        %eq3A_175 = arith.cmpi eq, %jit3A, %eq3A_174 : i32
        %jit3A_176 = arith.constant 1 : i32
        %select_n3A = arith.select %eq3A_175, %jit3A_176, %jit3A : i32
        %rem3A = arith.remsi %scan3A_172, %select_n3A : i32
        %ne3A = arith.constant 0 : i32
        %ne3A_177 = arith.cmpi ne, %rem3A, %ne3A : i32
        %lt3A = arith.constant 0 : i32
        %lt3A_178 = arith.cmpi slt, %rem3A, %lt3A : i32
        %lt3A_179 = arith.constant 0 : i32
        %lt3A_180 = arith.cmpi slt, %select_n3A, %lt3A_179 : i32
        %ne3A_181 = arith.xori %lt3A_178, %lt3A_180 : i1
        %and3A = arith.andi %ne3A_181, %ne3A_177 : i1
        %add3A_182 = arith.addi %rem3A, %select_n3A : i32
        %select_n3A_183 = arith.select %and3A, %add3A_182, %rem3A : i32
        %eq3A_184 = arith.constant 0 : i32
        %eq3A_185 = arith.cmpi eq, %select_n3A_183, %eq3A_184 : i32
        %convert_element_type3A_186 = arith.extui %eq3A_185 : i1 to i32
        %cond3A_187 = arith.constant 0 : i32
        %cond3A_188 = arith.cmpi ne, %convert_element_type3A_186, %cond3A_187 : i32
        scf.if %cond3A_188 {
          %dma_wait3A_211 = arith.constant 0 : i32
          %dma_wait3A_212 = arith.constant 0 : i32
          %dma_wait3A_213 = tpu.memref_slice %arg13[%dma_wait3A_211, %dma_wait3A_212] : memref<100000x16xf32, #tpu.memory_space<vmem_shared>> -> memref<100000x16xf32, #tpu.memory_space<vmem_shared>>
          tpu.wait_indirect_dma semaphore(%arg16 : memref<!tpu.dma_semaphore, #tpu.memory_space<semaphore_mem>>) src(%arg7 : memref<800x16xf32, #tpu.memory_space<vmem>>) dst(%dma_wait3A_213 : memref<100000x16xf32, #tpu.memory_space<vmem_shared>>)
          %mul3A_214 = arith.constant 800 : i32
          %mul3A_215 = arith.muli %scan3A_172, %mul3A_214 : i32
          %add3A_216 = arith.addi %mul3A_111, %mul3A_215 : i32
          %run_scoped3A_217 = arith.constant 0 : i32
          "tpu.region"() ({
            %run_scoped3A_231 = tpu.sem_alloc : memref<!tpu.dma_semaphore, #tpu.memory_space<semaphore_mem>>
            %dma_start3A_232 = tpu.memref_slice %arg2[%run_scoped3A_217, %add3A_216] : memref<2x1600000xi32, #tpu.memory_space<hbm>> -> memref<1x800xi32, #tpu.memory_space<hbm>>
            %dma_start3A_233 = tpu.memref_squeeze %dma_start3A_232 : memref<1x800xi32, #tpu.memory_space<hbm>> -> memref<800xi32, #tpu.memory_space<hbm>>
            %dma_start3A_234 = tpu.memref_slice %arg2[%run_scoped3A_217, %add3A_216] : memref<2x1600000xi32, #tpu.memory_space<hbm>> -> memref<1x800xi32, #tpu.memory_space<hbm>>
            %dma_start3A_235 = tpu.memref_squeeze %dma_start3A_234 : memref<1x800xi32, #tpu.memory_space<hbm>> -> memref<800xi32, #tpu.memory_space<hbm>>
            tpu.enqueue_dma source(%dma_start3A_235 : memref<800xi32, #tpu.memory_space<hbm>>) target(%arg9 : memref<800xi32, #tpu.memory_space<vmem>>) target_semaphore(%run_scoped3A_231 : memref<!tpu.dma_semaphore, #tpu.memory_space<semaphore_mem>>)
            %dma_wait3A_236 = tpu.memref_slice %arg2[%run_scoped3A_217, %add3A_216] : memref<2x1600000xi32, #tpu.memory_space<hbm>> -> memref<1x800xi32, #tpu.memory_space<hbm>>
            %dma_wait3A_237 = tpu.memref_squeeze %dma_wait3A_236 : memref<1x800xi32, #tpu.memory_space<hbm>> -> memref<800xi32, #tpu.memory_space<hbm>>
            %dma_wait3A_238 = tpu.memref_slice %arg2[%run_scoped3A_217, %add3A_216] : memref<2x1600000xi32, #tpu.memory_space<hbm>> -> memref<1x800xi32, #tpu.memory_space<hbm>>
            %dma_wait3A_239 = tpu.memref_squeeze %dma_wait3A_238 : memref<1x800xi32, #tpu.memory_space<hbm>> -> memref<800xi32, #tpu.memory_space<hbm>>
            tpu.wait_dma2 semaphore(%run_scoped3A_231 : memref<!tpu.dma_semaphore, #tpu.memory_space<semaphore_mem>>) src(%dma_wait3A_239 : memref<800xi32, #tpu.memory_space<hbm>>) dst(%arg9 : memref<800xi32, #tpu.memory_space<vmem>>)
            tpu.yield
          }) : () -> ()
          %mul3A_218 = arith.constant 800 : i32
          %mul3A_219 = arith.muli %scan3A_172, %mul3A_218 : i32
          %add3A_220 = arith.addi %mul3A_111, %mul3A_219 : i32
          %run_scoped3A_221 = arith.constant 1 : i32
          "tpu.region"() ({
            %run_scoped3A_231 = tpu.sem_alloc : memref<!tpu.dma_semaphore, #tpu.memory_space<semaphore_mem>>
            %dma_start3A_232 = tpu.memref_slice %arg2[%run_scoped3A_221, %add3A_220] : memref<2x1600000xi32, #tpu.memory_space<hbm>> -> memref<1x800xi32, #tpu.memory_space<hbm>>
            %dma_start3A_233 = tpu.memref_squeeze %dma_start3A_232 : memref<1x800xi32, #tpu.memory_space<hbm>> -> memref<800xi32, #tpu.memory_space<hbm>>
            %dma_start3A_234 = tpu.memref_slice %arg2[%run_scoped3A_221, %add3A_220] : memref<2x1600000xi32, #tpu.memory_space<hbm>> -> memref<1x800xi32, #tpu.memory_space<hbm>>
            %dma_start3A_235 = tpu.memref_squeeze %dma_start3A_234 : memref<1x800xi32, #tpu.memory_space<hbm>> -> memref<800xi32, #tpu.memory_space<hbm>>
            tpu.enqueue_dma source(%dma_start3A_235 : memref<800xi32, #tpu.memory_space<hbm>>) target(%arg11 : memref<800xi32, #tpu.memory_space<vmem>>) target_semaphore(%run_scoped3A_231 : memref<!tpu.dma_semaphore, #tpu.memory_space<semaphore_mem>>)
            %dma_wait3A_236 = tpu.memref_slice %arg2[%run_scoped3A_221, %add3A_220] : memref<2x1600000xi32, #tpu.memory_space<hbm>> -> memref<1x800xi32, #tpu.memory_space<hbm>>
            %dma_wait3A_237 = tpu.memref_squeeze %dma_wait3A_236 : memref<1x800xi32, #tpu.memory_space<hbm>> -> memref<800xi32, #tpu.memory_space<hbm>>
            %dma_wait3A_238 = tpu.memref_slice %arg2[%run_scoped3A_221, %add3A_220] : memref<2x1600000xi32, #tpu.memory_space<hbm>> -> memref<1x800xi32, #tpu.memory_space<hbm>>
            %dma_wait3A_239 = tpu.memref_squeeze %dma_wait3A_238 : memref<1x800xi32, #tpu.memory_space<hbm>> -> memref<800xi32, #tpu.memory_space<hbm>>
            tpu.wait_dma2 semaphore(%run_scoped3A_231 : memref<!tpu.dma_semaphore, #tpu.memory_space<semaphore_mem>>) src(%dma_wait3A_239 : memref<800xi32, #tpu.memory_space<hbm>>) dst(%arg11 : memref<800xi32, #tpu.memory_space<vmem>>)
            tpu.yield
          }) : () -> ()
          %dma_start3A_222 = arith.constant 0 : i32
          %dma_start3A_223 = arith.constant 0 : i32
          %dma_start3A_224 = tpu.memref_slice %arg4[%dma_start3A_222, %dma_start3A_223] : memref<102400x16xf32, #tpu.memory_space<hbm>> -> memref<102400x16xf32, #tpu.memory_space<hbm>>
          tpu.enqueue_indirect_dma source(%dma_start3A_224 : memref<102400x16xf32, #tpu.memory_space<hbm>>) target(%arg7 : memref<800x16xf32, #tpu.memory_space<vmem>>) offsets(%arg9 : memref<800xi32, #tpu.memory_space<vmem>>) semaphore(%arg14 : memref<!tpu.dma_semaphore, #tpu.memory_space<semaphore_mem>>)
          %dma_wait3A_225 = arith.constant 0 : i32
          %dma_wait3A_226 = arith.constant 0 : i32
          %dma_wait3A_227 = tpu.memref_slice %arg4[%dma_wait3A_225, %dma_wait3A_226] : memref<102400x16xf32, #tpu.memory_space<hbm>> -> memref<102400x16xf32, #tpu.memory_space<hbm>>
          tpu.wait_indirect_dma semaphore(%arg15 : memref<!tpu.dma_semaphore, #tpu.memory_space<semaphore_mem>>) src(%dma_wait3A_227 : memref<102400x16xf32, #tpu.memory_space<hbm>>) dst(%arg8 : memref<800x16xf32, #tpu.memory_space<vmem>>)
          %dma_start3A_228 = arith.constant 0 : i32
          %dma_start3A_229 = arith.constant 0 : i32
          %dma_start3A_230 = tpu.memref_slice %arg13[%dma_start3A_228, %dma_start3A_229] : memref<100000x16xf32, #tpu.memory_space<vmem_shared>> -> memref<100000x16xf32, #tpu.memory_space<vmem_shared>>
          tpu.enqueue_indirect_dma source(%arg8 : memref<800x16xf32, #tpu.memory_space<vmem>>) target(%dma_start3A_230 : memref<100000x16xf32, #tpu.memory_space<vmem_shared>>) offsets(%arg12 : memref<800xi32, #tpu.memory_space<vmem>>) semaphore(%arg17 : memref<!tpu.dma_semaphore, #tpu.memory_space<semaphore_mem>>) {add = true}
        } else {
        }
        %jit3A_189 = arith.constant 2 : i32
        %eq3A_190 = arith.constant 0 : i32
        %eq3A_191 = arith.cmpi eq, %jit3A_189, %eq3A_190 : i32
        %jit3A_192 = arith.constant 1 : i32
        %select_n3A_193 = arith.select %eq3A_191, %jit3A_192, %jit3A_189 : i32
        %rem3A_194 = arith.remsi %scan3A_172, %select_n3A_193 : i32
        %ne3A_195 = arith.constant 0 : i32
        %ne3A_196 = arith.cmpi ne, %rem3A_194, %ne3A_195 : i32
        %lt3A_197 = arith.constant 0 : i32
        %lt3A_198 = arith.cmpi slt, %rem3A_194, %lt3A_197 : i32
        %lt3A_199 = arith.constant 0 : i32
        %lt3A_200 = arith.cmpi slt, %select_n3A_193, %lt3A_199 : i32
        %ne3A_201 = arith.xori %lt3A_198, %lt3A_200 : i1
        %and3A_202 = arith.andi %ne3A_201, %ne3A_196 : i1
        %add3A_203 = arith.addi %rem3A_194, %select_n3A_193 : i32
        %select_n3A_204 = arith.select %and3A_202, %add3A_203, %rem3A_194 : i32
        %eq3A_205 = arith.constant 1 : i32
        %eq3A_206 = arith.cmpi eq, %select_n3A_204, %eq3A_205 : i32
        %convert_element_type3A_207 = arith.extui %eq3A_206 : i1 to i32
        %cond3A_208 = arith.constant 0 : i32
        %cond3A_209 = arith.cmpi ne, %convert_element_type3A_207, %cond3A_208 : i32
        scf.if %cond3A_209 {
          %dma_wait3A_211 = arith.constant 0 : i32
          %dma_wait3A_212 = arith.constant 0 : i32
          %dma_wait3A_213 = tpu.memref_slice %arg13[%dma_wait3A_211, %dma_wait3A_212] : memref<100000x16xf32, #tpu.memory_space<vmem_shared>> -> memref<100000x16xf32, #tpu.memory_space<vmem_shared>>
          tpu.wait_indirect_dma semaphore(%arg17 : memref<!tpu.dma_semaphore, #tpu.memory_space<semaphore_mem>>) src(%arg8 : memref<800x16xf32, #tpu.memory_space<vmem>>) dst(%dma_wait3A_213 : memref<100000x16xf32, #tpu.memory_space<vmem_shared>>)
          %mul3A_214 = arith.constant 800 : i32
          %mul3A_215 = arith.muli %scan3A_172, %mul3A_214 : i32
          %add3A_216 = arith.addi %mul3A_111, %mul3A_215 : i32
          %run_scoped3A_217 = arith.constant 0 : i32
          "tpu.region"() ({
            %run_scoped3A_231 = tpu.sem_alloc : memref<!tpu.dma_semaphore, #tpu.memory_space<semaphore_mem>>
            %dma_start3A_232 = tpu.memref_slice %arg2[%run_scoped3A_217, %add3A_216] : memref<2x1600000xi32, #tpu.memory_space<hbm>> -> memref<1x800xi32, #tpu.memory_space<hbm>>
            %dma_start3A_233 = tpu.memref_squeeze %dma_start3A_232 : memref<1x800xi32, #tpu.memory_space<hbm>> -> memref<800xi32, #tpu.memory_space<hbm>>
            %dma_start3A_234 = tpu.memref_slice %arg2[%run_scoped3A_217, %add3A_216] : memref<2x1600000xi32, #tpu.memory_space<hbm>> -> memref<1x800xi32, #tpu.memory_space<hbm>>
            %dma_start3A_235 = tpu.memref_squeeze %dma_start3A_234 : memref<1x800xi32, #tpu.memory_space<hbm>> -> memref<800xi32, #tpu.memory_space<hbm>>
            tpu.enqueue_dma source(%dma_start3A_235 : memref<800xi32, #tpu.memory_space<hbm>>) target(%arg10 : memref<800xi32, #tpu.memory_space<vmem>>) target_semaphore(%run_scoped3A_231 : memref<!tpu.dma_semaphore, #tpu.memory_space<semaphore_mem>>)
            %dma_wait3A_236 = tpu.memref_slice %arg2[%run_scoped3A_217, %add3A_216] : memref<2x1600000xi32, #tpu.memory_space<hbm>> -> memref<1x800xi32, #tpu.memory_space<hbm>>
            %dma_wait3A_237 = tpu.memref_squeeze %dma_wait3A_236 : memref<1x800xi32, #tpu.memory_space<hbm>> -> memref<800xi32, #tpu.memory_space<hbm>>
            %dma_wait3A_238 = tpu.memref_slice %arg2[%run_scoped3A_217, %add3A_216] : memref<2x1600000xi32, #tpu.memory_space<hbm>> -> memref<1x800xi32, #tpu.memory_space<hbm>>
            %dma_wait3A_239 = tpu.memref_squeeze %dma_wait3A_238 : memref<1x800xi32, #tpu.memory_space<hbm>> -> memref<800xi32, #tpu.memory_space<hbm>>
            tpu.wait_dma2 semaphore(%run_scoped3A_231 : memref<!tpu.dma_semaphore, #tpu.memory_space<semaphore_mem>>) src(%dma_wait3A_239 : memref<800xi32, #tpu.memory_space<hbm>>) dst(%arg10 : memref<800xi32, #tpu.memory_space<vmem>>)
            tpu.yield
          }) : () -> ()
          %mul3A_218 = arith.constant 800 : i32
          %mul3A_219 = arith.muli %scan3A_172, %mul3A_218 : i32
          %add3A_220 = arith.addi %mul3A_111, %mul3A_219 : i32
          %run_scoped3A_221 = arith.constant 1 : i32
          "tpu.region"() ({
            %run_scoped3A_231 = tpu.sem_alloc : memref<!tpu.dma_semaphore, #tpu.memory_space<semaphore_mem>>
            %dma_start3A_232 = tpu.memref_slice %arg2[%run_scoped3A_221, %add3A_220] : memref<2x1600000xi32, #tpu.memory_space<hbm>> -> memref<1x800xi32, #tpu.memory_space<hbm>>
            %dma_start3A_233 = tpu.memref_squeeze %dma_start3A_232 : memref<1x800xi32, #tpu.memory_space<hbm>> -> memref<800xi32, #tpu.memory_space<hbm>>
            %dma_start3A_234 = tpu.memref_slice %arg2[%run_scoped3A_221, %add3A_220] : memref<2x1600000xi32, #tpu.memory_space<hbm>> -> memref<1x800xi32, #tpu.memory_space<hbm>>
            %dma_start3A_235 = tpu.memref_squeeze %dma_start3A_234 : memref<1x800xi32, #tpu.memory_space<hbm>> -> memref<800xi32, #tpu.memory_space<hbm>>
            tpu.enqueue_dma source(%dma_start3A_235 : memref<800xi32, #tpu.memory_space<hbm>>) target(%arg12 : memref<800xi32, #tpu.memory_space<vmem>>) target_semaphore(%run_scoped3A_231 : memref<!tpu.dma_semaphore, #tpu.memory_space<semaphore_mem>>)
            %dma_wait3A_236 = tpu.memref_slice %arg2[%run_scoped3A_221, %add3A_220] : memref<2x1600000xi32, #tpu.memory_space<hbm>> -> memref<1x800xi32, #tpu.memory_space<hbm>>
            %dma_wait3A_237 = tpu.memref_squeeze %dma_wait3A_236 : memref<1x800xi32, #tpu.memory_space<hbm>> -> memref<800xi32, #tpu.memory_space<hbm>>
            %dma_wait3A_238 = tpu.memref_slice %arg2[%run_scoped3A_221, %add3A_220] : memref<2x1600000xi32, #tpu.memory_space<hbm>> -> memref<1x800xi32, #tpu.memory_space<hbm>>
            %dma_wait3A_239 = tpu.memref_squeeze %dma_wait3A_238 : memref<1x800xi32, #tpu.memory_space<hbm>> -> memref<800xi32, #tpu.memory_space<hbm>>
            tpu.wait_dma2 semaphore(%run_scoped3A_231 : memref<!tpu.dma_semaphore, #tpu.memory_space<semaphore_mem>>) src(%dma_wait3A_239 : memref<800xi32, #tpu.memory_space<hbm>>) dst(%arg12 : memref<800xi32, #tpu.memory_space<vmem>>)
            tpu.yield
          }) : () -> ()
          %dma_start3A_222 = arith.constant 0 : i32
          %dma_start3A_223 = arith.constant 0 : i32
          %dma_start3A_224 = tpu.memref_slice %arg4[%dma_start3A_222, %dma_start3A_223] : memref<102400x16xf32, #tpu.memory_space<hbm>> -> memref<102400x16xf32, #tpu.memory_space<hbm>>
          tpu.enqueue_indirect_dma source(%dma_start3A_224 : memref<102400x16xf32, #tpu.memory_space<hbm>>) target(%arg8 : memref<800x16xf32, #tpu.memory_space<vmem>>) offsets(%arg10 : memref<800xi32, #tpu.memory_space<vmem>>) semaphore(%arg15 : memref<!tpu.dma_semaphore, #tpu.memory_space<semaphore_mem>>)
          %dma_wait3A_225 = arith.constant 0 : i32
          %dma_wait3A_226 = arith.constant 0 : i32
          %dma_wait3A_227 = tpu.memref_slice %arg4[%dma_wait3A_225, %dma_wait3A_226] : memref<102400x16xf32, #tpu.memory_space<hbm>> -> memref<102400x16xf32, #tpu.memory_space<hbm>>
          tpu.wait_indirect_dma semaphore(%arg14 : memref<!tpu.dma_semaphore, #tpu.memory_space<semaphore_mem>>) src(%dma_wait3A_227 : memref<102400x16xf32, #tpu.memory_space<hbm>>) dst(%arg7 : memref<800x16xf32, #tpu.memory_space<vmem>>)
          %dma_start3A_228 = arith.constant 0 : i32
          %dma_start3A_229 = arith.constant 0 : i32
          %dma_start3A_230 = tpu.memref_slice %arg13[%dma_start3A_228, %dma_start3A_229] : memref<100000x16xf32, #tpu.memory_space<vmem_shared>> -> memref<100000x16xf32, #tpu.memory_space<vmem_shared>>
          tpu.enqueue_indirect_dma source(%arg7 : memref<800x16xf32, #tpu.memory_space<vmem>>) target(%dma_start3A_230 : memref<100000x16xf32, #tpu.memory_space<vmem_shared>>) offsets(%arg11 : memref<800xi32, #tpu.memory_space<vmem>>) semaphore(%arg16 : memref<!tpu.dma_semaphore, #tpu.memory_space<semaphore_mem>>) {add = true}
        } else {
        }
        %scan3A_210 = arith.constant 0 : i32
        scf.yield %scan3A_210 : i32
      }
      %scan3A_159 = arith.constant 123 : i32
      %dma_wait3A_160 = arith.constant 0 : i32
      %dma_wait3A_161 = arith.constant 0 : i32
      %dma_wait3A_162 = tpu.memref_slice %arg13[%dma_wait3A_160, %dma_wait3A_161] : memref<100000x16xf32, #tpu.memory_space<vmem_shared>> -> memref<100000x16xf32, #tpu.memory_space<vmem_shared>>
      tpu.wait_indirect_dma semaphore(%arg17 : memref<!tpu.dma_semaphore, #tpu.memory_space<semaphore_mem>>) src(%arg8 : memref<800x16xf32, #tpu.memory_space<vmem>>) dst(%dma_wait3A_162 : memref<100000x16xf32, #tpu.memory_space<vmem_shared>>)
      %dma_wait3A_163 = arith.constant 0 : i32
      %dma_wait3A_164 = arith.constant 0 : i32
      %dma_wait3A_165 = tpu.memref_slice %arg4[%dma_wait3A_163, %dma_wait3A_164] : memref<102400x16xf32, #tpu.memory_space<hbm>> -> memref<102400x16xf32, #tpu.memory_space<hbm>>
      tpu.wait_indirect_dma semaphore(%arg14 : memref<!tpu.dma_semaphore, #tpu.memory_space<semaphore_mem>>) src(%dma_wait3A_165 : memref<102400x16xf32, #tpu.memory_space<hbm>>) dst(%arg7 : memref<800x16xf32, #tpu.memory_space<vmem>>)
      %dma_start3A_166 = arith.constant 0 : i32
      %dma_start3A_167 = arith.constant 0 : i32
      %dma_start3A_168 = tpu.memref_slice %arg13[%dma_start3A_166, %dma_start3A_167] : memref<100000x16xf32, #tpu.memory_space<vmem_shared>> -> memref<100000x16xf32, #tpu.memory_space<vmem_shared>>
      tpu.enqueue_indirect_dma source(%arg7 : memref<800x16xf32, #tpu.memory_space<vmem>>) target(%dma_start3A_168 : memref<100000x16xf32, #tpu.memory_space<vmem_shared>>) offsets(%arg11 : memref<800xi32, #tpu.memory_space<vmem>>) semaphore(%arg16 : memref<!tpu.dma_semaphore, #tpu.memory_space<semaphore_mem>>) {add = true}
      %dma_wait3A_169 = arith.constant 0 : i32
      %dma_wait3A_170 = arith.constant 0 : i32
      %dma_wait3A_171 = tpu.memref_slice %arg13[%dma_wait3A_169, %dma_wait3A_170] : memref<100000x16xf32, #tpu.memory_space<vmem_shared>> -> memref<100000x16xf32, #tpu.memory_space<vmem_shared>>
      tpu.wait_indirect_dma semaphore(%arg16 : memref<!tpu.dma_semaphore, #tpu.memory_space<semaphore_mem>>) src(%arg7 : memref<800x16xf32, #tpu.memory_space<vmem>>) dst(%dma_wait3A_171 : memref<100000x16xf32, #tpu.memory_space<vmem_shared>>)
    } else {
    }
    %barrier3A_119 = arith.constant 0 : index
    tpu.barrier barrier_id(%barrier3A_119)
    %eq3A_120 = arith.constant 0 : i32
    %eq3A_121 = arith.cmpi eq, %arg0, %eq3A_120 : i32
    %convert_element_type3A_122 = arith.extui %eq3A_121 : i1 to i32
    %cond3A_123 = arith.constant 0 : i32
    %cond3A_124 = arith.cmpi ne, %convert_element_type3A_122, %cond3A_123 : i32
    scf.if %cond3A_124 {
      %mul3A_130 = arith.constant 6250 : i32
      %mul3A_131 = arith.muli %arg1, %mul3A_130 : i32
      "tpu.region"() ({
        %run_scoped3A = tpu.sem_alloc : memref<!tpu.dma_semaphore, #tpu.memory_space<semaphore_mem>>
        %dma_start3A_132 = arith.constant 0 : i32
        %dma_start3A_133 = tpu.memref_slice %arg5[%mul3A_131, %dma_start3A_132] : memref<102400x16xf32, #tpu.memory_space<hbm>> -> memref<6250x16xf32, #tpu.memory_space<hbm>>
        %dma_start3A_134 = arith.constant 0 : i32
        %dma_start3A_135 = tpu.memref_slice %arg13[%mul3A_131, %dma_start3A_134] : memref<100000x16xf32, #tpu.memory_space<vmem_shared>> -> memref<6250x16xf32, #tpu.memory_space<vmem_shared>>
        tpu.enqueue_dma source(%dma_start3A_135 : memref<6250x16xf32, #tpu.memory_space<vmem_shared>>) target(%dma_start3A_133 : memref<6250x16xf32, #tpu.memory_space<hbm>>) target_semaphore(%run_scoped3A : memref<!tpu.dma_semaphore, #tpu.memory_space<semaphore_mem>>)
        %dma_wait3A_136 = arith.constant 0 : i32
        %dma_wait3A_137 = tpu.memref_slice %arg5[%mul3A_131, %dma_wait3A_136] : memref<102400x16xf32, #tpu.memory_space<hbm>> -> memref<6250x16xf32, #tpu.memory_space<hbm>>
        %dma_wait3A_138 = arith.constant 0 : i32
        %dma_wait3A_139 = tpu.memref_slice %arg13[%mul3A_131, %dma_wait3A_138] : memref<100000x16xf32, #tpu.memory_space<vmem_shared>> -> memref<6250x16xf32, #tpu.memory_space<vmem_shared>>
        tpu.wait_dma2 semaphore(%run_scoped3A : memref<!tpu.dma_semaphore, #tpu.memory_space<semaphore_mem>>) src(%dma_wait3A_139 : memref<6250x16xf32, #tpu.memory_space<vmem_shared>>) dst(%dma_wait3A_137 : memref<6250x16xf32, #tpu.memory_space<hbm>>)
        tpu.yield
      }) : () -> ()
    } else {
    }
    %eq3A_125 = arith.constant 1 : i32
    %eq3A_126 = arith.cmpi eq, %arg0, %eq3A_125 : i32
    %convert_element_type3A_127 = arith.extui %eq3A_126 : i1 to i32
    %cond3A_128 = arith.constant 0 : i32
    %cond3A_129 = arith.cmpi ne, %convert_element_type3A_127, %cond3A_128 : i32
    scf.if %cond3A_129 {
      %mul3A_130 = arith.constant 6250 : i32
      %mul3A_131 = arith.muli %arg1, %mul3A_130 : i32
      "tpu.region"() ({
        %run_scoped3A = tpu.sem_alloc : memref<!tpu.dma_semaphore, #tpu.memory_space<semaphore_mem>>
        %dma_start3A_132 = arith.constant 0 : i32
        %dma_start3A_133 = tpu.memref_slice %arg6[%mul3A_131, %dma_start3A_132] : memref<102400x16xf32, #tpu.memory_space<hbm>> -> memref<6250x16xf32, #tpu.memory_space<hbm>>
        %dma_start3A_134 = arith.constant 0 : i32
        %dma_start3A_135 = tpu.memref_slice %arg13[%mul3A_131, %dma_start3A_134] : memref<100000x16xf32, #tpu.memory_space<vmem_shared>> -> memref<6250x16xf32, #tpu.memory_space<vmem_shared>>
        tpu.enqueue_dma source(%dma_start3A_135 : memref<6250x16xf32, #tpu.memory_space<vmem_shared>>) target(%dma_start3A_133 : memref<6250x16xf32, #tpu.memory_space<hbm>>) target_semaphore(%run_scoped3A : memref<!tpu.dma_semaphore, #tpu.memory_space<semaphore_mem>>)
        %dma_wait3A_136 = arith.constant 0 : i32
        %dma_wait3A_137 = tpu.memref_slice %arg6[%mul3A_131, %dma_wait3A_136] : memref<102400x16xf32, #tpu.memory_space<hbm>> -> memref<6250x16xf32, #tpu.memory_space<hbm>>
        %dma_wait3A_138 = arith.constant 0 : i32
        %dma_wait3A_139 = tpu.memref_slice %arg13[%mul3A_131, %dma_wait3A_138] : memref<100000x16xf32, #tpu.memory_space<vmem_shared>> -> memref<6250x16xf32, #tpu.memory_space<vmem_shared>>
        tpu.wait_dma2 semaphore(%run_scoped3A : memref<!tpu.dma_semaphore, #tpu.memory_space<semaphore_mem>>) src(%dma_wait3A_139 : memref<6250x16xf32, #tpu.memory_space<vmem_shared>>) dst(%dma_wait3A_137 : memref<6250x16xf32, #tpu.memory_space<hbm>>)
        tpu.yield
      }) : () -> ()
    } else {
    }
    return
  }
}

#map = affine_map<(d0, d1) -> (0, 0)>
module attributes {stable_mosaic.version = 14 : i64} {
  func.func @_deg_kernel(%arg0: i32, %arg1: i32, %arg2: memref<2x1600000xi32, #tpu.memory_space<hbm>>, %arg3: memref<102400x16xf32, #tpu.memory_space<hbm>>, %arg4: memref<102400x16xf32, #tpu.memory_space<hbm>>, %arg5: memref<800x16xf32, #tpu.memory_space<vmem>>, %arg6: memref<800x16xf32, #tpu.memory_space<vmem>>, %arg7: memref<800xi32, #tpu.memory_space<vmem>>, %arg8: memref<800xi32, #tpu.memory_space<vmem>>, %arg9: memref<400xi32, #tpu.memory_space<vmem>>, %arg10: memref<100000x16xf32, #tpu.memory_space<vmem_shared>>, %arg11: memref<!tpu.dma_semaphore, #tpu.memory_space<semaphore_mem>>, %arg12: memref<!tpu.dma_semaphore, #tpu.memory_space<semaphore_mem>>) attributes {dimension_semantics = [#tpu.dimension_semantics<core_parallel>, #tpu.dimension_semantics<subcore_parallel>], iteration_bounds = array<i64: 2, 16>, scalar_prefetch = 0 : i64, scratch_operands = 8 : i64, tpu.core_type = #tpu.core_type<sc_vector_subcore>, window_params = [{transform_indices = #map}, {transform_indices = #map}, {transform_indices = #map}]} {
    %scan3A = arith.constant 0 : i32
    %scan3A_0 = arith.constant 0 : i32
    %scan3A_1 = arith.constant 800 : i32
    %scan3A_2 = arith.addi %scan3A_0, %scan3A_1 : i32
    %scan3A_3 = arith.constant 1 : i32
    %scan3A_4 = scf.for %scan3A_157 = %scan3A_0 to %scan3A_2 step %scan3A_3 iter_args(%scan3A_158 = %scan3A) -> (i32)  : i32 {
      %broadcast_in_dim3A = arith.constant 0.000000e+00 : f32
      %broadcast_in_dim3A_159 = vector.broadcast %broadcast_in_dim3A : f32 to vector<16xf32>
      %swap3A = arith.index_cast %scan3A_157 : i32 to index
      %swap3A_160 = arith.constant 0 : index
      %swap3A_161 = tpu.vector_load %arg5[%swap3A, %swap3A_160] {strides = array<i32>} : memref<800x16xf32, #tpu.memory_space<vmem>>, vector<1x16xf32>,
      %swap3A_162 = vector.shape_cast %swap3A_161 : vector<1x16xf32> to vector<16xf32>
      %swap3A_163 = vector.shape_cast %broadcast_in_dim3A_159 : vector<16xf32> to vector<1x16xf32>
      tpu.vector_store %arg5[%swap3A, %swap3A_160], %swap3A_163 {strides = array<i32>} : memref<800x16xf32, #tpu.memory_space<vmem>>, vector<1x16xf32>,
      %scan3A_164 = arith.constant 0 : i32
      scf.yield %scan3A_164 : i32
    }
    %scan3A_5 = arith.constant 800 : i32
    %scan3A_6 = arith.constant 0 : i32
    %scan3A_7 = arith.constant 0 : i32
    %scan3A_8 = arith.constant 800 : i32
    %scan3A_9 = arith.addi %scan3A_7, %scan3A_8 : i32
    %scan3A_10 = arith.constant 1 : i32
    %scan3A_11 = scf.for %scan3A_157 = %scan3A_7 to %scan3A_9 step %scan3A_10 iter_args(%scan3A_158 = %scan3A_6) -> (i32)  : i32 {
      %broadcast_in_dim3A = arith.constant 1.000000e+00 : f32
      %broadcast_in_dim3A_159 = vector.broadcast %broadcast_in_dim3A : f32 to vector<16xf32>
      %swap3A = arith.index_cast %scan3A_157 : i32 to index
      %swap3A_160 = arith.constant 0 : index
      %swap3A_161 = tpu.vector_load %arg6[%swap3A, %swap3A_160] {strides = array<i32>} : memref<800x16xf32, #tpu.memory_space<vmem>>, vector<1x16xf32>,
      %swap3A_162 = vector.shape_cast %swap3A_161 : vector<1x16xf32> to vector<16xf32>
      %swap3A_163 = vector.shape_cast %broadcast_in_dim3A_159 : vector<16xf32> to vector<1x16xf32>
      tpu.vector_store %arg6[%swap3A, %swap3A_160], %swap3A_163 {strides = array<i32>} : memref<800x16xf32, #tpu.memory_space<vmem>>, vector<1x16xf32>,
      %scan3A_164 = arith.constant 0 : i32
      scf.yield %scan3A_164 : i32
    }
    %scan3A_12 = arith.constant 800 : i32
    %mul3A = arith.constant 6250 : i32
    %mul3A_13 = arith.muli %arg1, %mul3A : i32
    %add3A = arith.constant 0 : i32
    %add3A_14 = arith.addi %mul3A_13, %add3A : i32
    %dma_start3A = arith.constant 0 : i32
    %dma_start3A_15 = tpu.memref_slice %arg10[%add3A_14, %dma_start3A] : memref<100000x16xf32, #tpu.memory_space<vmem_shared>> -> memref<800x16xf32, #tpu.memory_space<vmem_shared>>
    %dma_start3A_16 = arith.constant 0 : i32
    %dma_start3A_17 = tpu.memref_slice %arg10[%add3A_14, %dma_start3A_16] : memref<100000x16xf32, #tpu.memory_space<vmem_shared>> -> memref<800x16xf32, #tpu.memory_space<vmem_shared>>
    tpu.enqueue_dma source(%arg5 : memref<800x16xf32, #tpu.memory_space<vmem>>) target(%dma_start3A_17 : memref<800x16xf32, #tpu.memory_space<vmem_shared>>) target_semaphore(%arg11 : memref<!tpu.dma_semaphore, #tpu.memory_space<semaphore_mem>>)
    %mul3A_18 = arith.constant 6250 : i32
    %mul3A_19 = arith.muli %arg1, %mul3A_18 : i32
    %add3A_20 = arith.constant 800 : i32
    %add3A_21 = arith.addi %mul3A_19, %add3A_20 : i32
    %dma_start3A_22 = arith.constant 0 : i32
    %dma_start3A_23 = tpu.memref_slice %arg10[%add3A_21, %dma_start3A_22] : memref<100000x16xf32, #tpu.memory_space<vmem_shared>> -> memref<800x16xf32, #tpu.memory_space<vmem_shared>>
    %dma_start3A_24 = arith.constant 0 : i32
    %dma_start3A_25 = tpu.memref_slice %arg10[%add3A_21, %dma_start3A_24] : memref<100000x16xf32, #tpu.memory_space<vmem_shared>> -> memref<800x16xf32, #tpu.memory_space<vmem_shared>>
    tpu.enqueue_dma source(%arg5 : memref<800x16xf32, #tpu.memory_space<vmem>>) target(%dma_start3A_25 : memref<800x16xf32, #tpu.memory_space<vmem_shared>>) target_semaphore(%arg11 : memref<!tpu.dma_semaphore, #tpu.memory_space<semaphore_mem>>)
    %mul3A_26 = arith.constant 6250 : i32
    %mul3A_27 = arith.muli %arg1, %mul3A_26 : i32
    %add3A_28 = arith.constant 1600 : i32
    %add3A_29 = arith.addi %mul3A_27, %add3A_28 : i32
    %dma_start3A_30 = arith.constant 0 : i32
    %dma_start3A_31 = tpu.memref_slice %arg10[%add3A_29, %dma_start3A_30] : memref<100000x16xf32, #tpu.memory_space<vmem_shared>> -> memref<800x16xf32, #tpu.memory_space<vmem_shared>>
    %dma_start3A_32 = arith.constant 0 : i32
    %dma_start3A_33 = tpu.memref_slice %arg10[%add3A_29, %dma_start3A_32] : memref<100000x16xf32, #tpu.memory_space<vmem_shared>> -> memref<800x16xf32, #tpu.memory_space<vmem_shared>>
    tpu.enqueue_dma source(%arg5 : memref<800x16xf32, #tpu.memory_space<vmem>>) target(%dma_start3A_33 : memref<800x16xf32, #tpu.memory_space<vmem_shared>>) target_semaphore(%arg11 : memref<!tpu.dma_semaphore, #tpu.memory_space<semaphore_mem>>)
    %mul3A_34 = arith.constant 6250 : i32
    %mul3A_35 = arith.muli %arg1, %mul3A_34 : i32
    %add3A_36 = arith.constant 2400 : i32
    %add3A_37 = arith.addi %mul3A_35, %add3A_36 : i32
    %dma_start3A_38 = arith.constant 0 : i32
    %dma_start3A_39 = tpu.memref_slice %arg10[%add3A_37, %dma_start3A_38] : memref<100000x16xf32, #tpu.memory_space<vmem_shared>> -> memref<800x16xf32, #tpu.memory_space<vmem_shared>>
    %dma_start3A_40 = arith.constant 0 : i32
    %dma_start3A_41 = tpu.memref_slice %arg10[%add3A_37, %dma_start3A_40] : memref<100000x16xf32, #tpu.memory_space<vmem_shared>> -> memref<800x16xf32, #tpu.memory_space<vmem_shared>>
    tpu.enqueue_dma source(%arg5 : memref<800x16xf32, #tpu.memory_space<vmem>>) target(%dma_start3A_41 : memref<800x16xf32, #tpu.memory_space<vmem_shared>>) target_semaphore(%arg11 : memref<!tpu.dma_semaphore, #tpu.memory_space<semaphore_mem>>)
    %mul3A_42 = arith.constant 6250 : i32
    %mul3A_43 = arith.muli %arg1, %mul3A_42 : i32
    %add3A_44 = arith.constant 3200 : i32
    %add3A_45 = arith.addi %mul3A_43, %add3A_44 : i32
    %dma_start3A_46 = arith.constant 0 : i32
    %dma_start3A_47 = tpu.memref_slice %arg10[%add3A_45, %dma_start3A_46] : memref<100000x16xf32, #tpu.memory_space<vmem_shared>> -> memref<800x16xf32, #tpu.memory_space<vmem_shared>>
    %dma_start3A_48 = arith.constant 0 : i32
    %dma_start3A_49 = tpu.memref_slice %arg10[%add3A_45, %dma_start3A_48] : memref<100000x16xf32, #tpu.memory_space<vmem_shared>> -> memref<800x16xf32, #tpu.memory_space<vmem_shared>>
    tpu.enqueue_dma source(%arg5 : memref<800x16xf32, #tpu.memory_space<vmem>>) target(%dma_start3A_49 : memref<800x16xf32, #tpu.memory_space<vmem_shared>>) target_semaphore(%arg11 : memref<!tpu.dma_semaphore, #tpu.memory_space<semaphore_mem>>)
    %mul3A_50 = arith.constant 6250 : i32
    %mul3A_51 = arith.muli %arg1, %mul3A_50 : i32
    %add3A_52 = arith.constant 4000 : i32
    %add3A_53 = arith.addi %mul3A_51, %add3A_52 : i32
    %dma_start3A_54 = arith.constant 0 : i32
    %dma_start3A_55 = tpu.memref_slice %arg10[%add3A_53, %dma_start3A_54] : memref<100000x16xf32, #tpu.memory_space<vmem_shared>> -> memref<800x16xf32, #tpu.memory_space<vmem_shared>>
    %dma_start3A_56 = arith.constant 0 : i32
    %dma_start3A_57 = tpu.memref_slice %arg10[%add3A_53, %dma_start3A_56] : memref<100000x16xf32, #tpu.memory_space<vmem_shared>> -> memref<800x16xf32, #tpu.memory_space<vmem_shared>>
    tpu.enqueue_dma source(%arg5 : memref<800x16xf32, #tpu.memory_space<vmem>>) target(%dma_start3A_57 : memref<800x16xf32, #tpu.memory_space<vmem_shared>>) target_semaphore(%arg11 : memref<!tpu.dma_semaphore, #tpu.memory_space<semaphore_mem>>)
    %mul3A_58 = arith.constant 6250 : i32
    %mul3A_59 = arith.muli %arg1, %mul3A_58 : i32
    %add3A_60 = arith.constant 4800 : i32
    %add3A_61 = arith.addi %mul3A_59, %add3A_60 : i32
    %dma_start3A_62 = arith.constant 0 : i32
    %dma_start3A_63 = tpu.memref_slice %arg10[%add3A_61, %dma_start3A_62] : memref<100000x16xf32, #tpu.memory_space<vmem_shared>> -> memref<800x16xf32, #tpu.memory_space<vmem_shared>>
    %dma_start3A_64 = arith.constant 0 : i32
    %dma_start3A_65 = tpu.memref_slice %arg10[%add3A_61, %dma_start3A_64] : memref<100000x16xf32, #tpu.memory_space<vmem_shared>> -> memref<800x16xf32, #tpu.memory_space<vmem_shared>>
    tpu.enqueue_dma source(%arg5 : memref<800x16xf32, #tpu.memory_space<vmem>>) target(%dma_start3A_65 : memref<800x16xf32, #tpu.memory_space<vmem_shared>>) target_semaphore(%arg11 : memref<!tpu.dma_semaphore, #tpu.memory_space<semaphore_mem>>)
    %mul3A_66 = arith.constant 6250 : i32
    %mul3A_67 = arith.muli %arg1, %mul3A_66 : i32
    %add3A_68 = arith.constant 5600 : i32
    %add3A_69 = arith.addi %mul3A_67, %add3A_68 : i32
    %dma_start3A_70 = arith.constant 0 : i32
    %dma_start3A_71 = arith.constant 0 : i32
    %dma_start3A_72 = tpu.memref_slice %arg5[%dma_start3A_70, %dma_start3A_71] : memref<800x16xf32, #tpu.memory_space<vmem>> -> memref<650x16xf32, #tpu.memory_space<vmem>>
    %dma_start3A_73 = arith.constant 0 : i32
    %dma_start3A_74 = tpu.memref_slice %arg10[%add3A_69, %dma_start3A_73] : memref<100000x16xf32, #tpu.memory_space<vmem_shared>> -> memref<650x16xf32, #tpu.memory_space<vmem_shared>>
    %dma_start3A_75 = arith.constant 0 : i32
    %dma_start3A_76 = tpu.memref_slice %arg10[%add3A_69, %dma_start3A_75] : memref<100000x16xf32, #tpu.memory_space<vmem_shared>> -> memref<650x16xf32, #tpu.memory_space<vmem_shared>>
    %dma_start3A_77 = arith.constant 0 : i32
    %dma_start3A_78 = arith.constant 0 : i32
    %dma_start3A_79 = tpu.memref_slice %arg5[%dma_start3A_77, %dma_start3A_78] : memref<800x16xf32, #tpu.memory_space<vmem>> -> memref<650x16xf32, #tpu.memory_space<vmem>>
    tpu.enqueue_dma source(%dma_start3A_79 : memref<650x16xf32, #tpu.memory_space<vmem>>) target(%dma_start3A_76 : memref<650x16xf32, #tpu.memory_space<vmem_shared>>) target_semaphore(%arg11 : memref<!tpu.dma_semaphore, #tpu.memory_space<semaphore_mem>>)
    %dma_wait3A = arith.constant 0 : i32
    %dma_wait3A_80 = tpu.memref_slice %arg10[%add3A_14, %dma_wait3A] : memref<100000x16xf32, #tpu.memory_space<vmem_shared>> -> memref<800x16xf32, #tpu.memory_space<vmem_shared>>
    %dma_wait3A_81 = arith.constant 0 : i32
    %dma_wait3A_82 = tpu.memref_slice %arg10[%add3A_14, %dma_wait3A_81] : memref<100000x16xf32, #tpu.memory_space<vmem_shared>> -> memref<800x16xf32, #tpu.memory_space<vmem_shared>>
    tpu.wait_dma2 semaphore(%arg11 : memref<!tpu.dma_semaphore, #tpu.memory_space<semaphore_mem>>) src(%arg5 : memref<800x16xf32, #tpu.memory_space<vmem>>) dst(%dma_wait3A_82 : memref<800x16xf32, #tpu.memory_space<vmem_shared>>)
    %dma_wait3A_83 = arith.constant 0 : i32
    %dma_wait3A_84 = tpu.memref_slice %arg10[%add3A_21, %dma_wait3A_83] : memref<100000x16xf32, #tpu.memory_space<vmem_shared>> -> memref<800x16xf32, #tpu.memory_space<vmem_shared>>
    %dma_wait3A_85 = arith.constant 0 : i32
    %dma_wait3A_86 = tpu.memref_slice %arg10[%add3A_21, %dma_wait3A_85] : memref<100000x16xf32, #tpu.memory_space<vmem_shared>> -> memref<800x16xf32, #tpu.memory_space<vmem_shared>>
    tpu.wait_dma2 semaphore(%arg11 : memref<!tpu.dma_semaphore, #tpu.memory_space<semaphore_mem>>) src(%arg5 : memref<800x16xf32, #tpu.memory_space<vmem>>) dst(%dma_wait3A_86 : memref<800x16xf32, #tpu.memory_space<vmem_shared>>)
    %dma_wait3A_87 = arith.constant 0 : i32
    %dma_wait3A_88 = tpu.memref_slice %arg10[%add3A_29, %dma_wait3A_87] : memref<100000x16xf32, #tpu.memory_space<vmem_shared>> -> memref<800x16xf32, #tpu.memory_space<vmem_shared>>
    %dma_wait3A_89 = arith.constant 0 : i32
    %dma_wait3A_90 = tpu.memref_slice %arg10[%add3A_29, %dma_wait3A_89] : memref<100000x16xf32, #tpu.memory_space<vmem_shared>> -> memref<800x16xf32, #tpu.memory_space<vmem_shared>>
    tpu.wait_dma2 semaphore(%arg11 : memref<!tpu.dma_semaphore, #tpu.memory_space<semaphore_mem>>) src(%arg5 : memref<800x16xf32, #tpu.memory_space<vmem>>) dst(%dma_wait3A_90 : memref<800x16xf32, #tpu.memory_space<vmem_shared>>)
    %dma_wait3A_91 = arith.constant 0 : i32
    %dma_wait3A_92 = tpu.memref_slice %arg10[%add3A_37, %dma_wait3A_91] : memref<100000x16xf32, #tpu.memory_space<vmem_shared>> -> memref<800x16xf32, #tpu.memory_space<vmem_shared>>
    %dma_wait3A_93 = arith.constant 0 : i32
    %dma_wait3A_94 = tpu.memref_slice %arg10[%add3A_37, %dma_wait3A_93] : memref<100000x16xf32, #tpu.memory_space<vmem_shared>> -> memref<800x16xf32, #tpu.memory_space<vmem_shared>>
    tpu.wait_dma2 semaphore(%arg11 : memref<!tpu.dma_semaphore, #tpu.memory_space<semaphore_mem>>) src(%arg5 : memref<800x16xf32, #tpu.memory_space<vmem>>) dst(%dma_wait3A_94 : memref<800x16xf32, #tpu.memory_space<vmem_shared>>)
    %dma_wait3A_95 = arith.constant 0 : i32
    %dma_wait3A_96 = tpu.memref_slice %arg10[%add3A_45, %dma_wait3A_95] : memref<100000x16xf32, #tpu.memory_space<vmem_shared>> -> memref<800x16xf32, #tpu.memory_space<vmem_shared>>
    %dma_wait3A_97 = arith.constant 0 : i32
    %dma_wait3A_98 = tpu.memref_slice %arg10[%add3A_45, %dma_wait3A_97] : memref<100000x16xf32, #tpu.memory_space<vmem_shared>> -> memref<800x16xf32, #tpu.memory_space<vmem_shared>>
    tpu.wait_dma2 semaphore(%arg11 : memref<!tpu.dma_semaphore, #tpu.memory_space<semaphore_mem>>) src(%arg5 : memref<800x16xf32, #tpu.memory_space<vmem>>) dst(%dma_wait3A_98 : memref<800x16xf32, #tpu.memory_space<vmem_shared>>)
    %dma_wait3A_99 = arith.constant 0 : i32
    %dma_wait3A_100 = tpu.memref_slice %arg10[%add3A_53, %dma_wait3A_99] : memref<100000x16xf32, #tpu.memory_space<vmem_shared>> -> memref<800x16xf32, #tpu.memory_space<vmem_shared>>
    %dma_wait3A_101 = arith.constant 0 : i32
    %dma_wait3A_102 = tpu.memref_slice %arg10[%add3A_53, %dma_wait3A_101] : memref<100000x16xf32, #tpu.memory_space<vmem_shared>> -> memref<800x16xf32, #tpu.memory_space<vmem_shared>>
    tpu.wait_dma2 semaphore(%arg11 : memref<!tpu.dma_semaphore, #tpu.memory_space<semaphore_mem>>) src(%arg5 : memref<800x16xf32, #tpu.memory_space<vmem>>) dst(%dma_wait3A_102 : memref<800x16xf32, #tpu.memory_space<vmem_shared>>)
    %dma_wait3A_103 = arith.constant 0 : i32
    %dma_wait3A_104 = tpu.memref_slice %arg10[%add3A_61, %dma_wait3A_103] : memref<100000x16xf32, #tpu.memory_space<vmem_shared>> -> memref<800x16xf32, #tpu.memory_space<vmem_shared>>
    %dma_wait3A_105 = arith.constant 0 : i32
    %dma_wait3A_106 = tpu.memref_slice %arg10[%add3A_61, %dma_wait3A_105] : memref<100000x16xf32, #tpu.memory_space<vmem_shared>> -> memref<800x16xf32, #tpu.memory_space<vmem_shared>>
    tpu.wait_dma2 semaphore(%arg11 : memref<!tpu.dma_semaphore, #tpu.memory_space<semaphore_mem>>) src(%arg5 : memref<800x16xf32, #tpu.memory_space<vmem>>) dst(%dma_wait3A_106 : memref<800x16xf32, #tpu.memory_space<vmem_shared>>)
    %dma_wait3A_107 = arith.constant 0 : i32
    %dma_wait3A_108 = arith.constant 0 : i32
    %dma_wait3A_109 = tpu.memref_slice %arg5[%dma_wait3A_107, %dma_wait3A_108] : memref<800x16xf32, #tpu.memory_space<vmem>> -> memref<650x16xf32, #tpu.memory_space<vmem>>
    %dma_wait3A_110 = arith.constant 0 : i32
    %dma_wait3A_111 = tpu.memref_slice %arg10[%add3A_69, %dma_wait3A_110] : memref<100000x16xf32, #tpu.memory_space<vmem_shared>> -> memref<650x16xf32, #tpu.memory_space<vmem_shared>>
    %dma_wait3A_112 = arith.constant 0 : i32
    %dma_wait3A_113 = tpu.memref_slice %arg10[%add3A_69, %dma_wait3A_112] : memref<100000x16xf32, #tpu.memory_space<vmem_shared>> -> memref<650x16xf32, #tpu.memory_space<vmem_shared>>
    %dma_wait3A_114 = arith.constant 0 : i32
    %dma_wait3A_115 = arith.constant 0 : i32
    %dma_wait3A_116 = tpu.memref_slice %arg5[%dma_wait3A_114, %dma_wait3A_115] : memref<800x16xf32, #tpu.memory_space<vmem>> -> memref<650x16xf32, #tpu.memory_space<vmem>>
    tpu.wait_dma2 semaphore(%arg11 : memref<!tpu.dma_semaphore, #tpu.memory_space<semaphore_mem>>) src(%dma_wait3A_116 : memref<650x16xf32, #tpu.memory_space<vmem>>) dst(%dma_wait3A_113 : memref<650x16xf32, #tpu.memory_space<vmem_shared>>)
    %barrier3A = arith.constant 0 : index
    tpu.barrier barrier_id(%barrier3A)
    %mul3A_117 = arith.constant 800000 : i32
    %mul3A_118 = arith.muli %arg0, %mul3A_117 : i32
    %mul3A_119 = arith.constant 50000 : i32
    %mul3A_120 = arith.muli %arg1, %mul3A_119 : i32
    %add3A_121 = arith.addi %mul3A_118, %mul3A_120 : i32
    %add3A_122 = arith.constant 0 : i32
    %add3A_123 = arith.addi %add3A_121, %add3A_122 : i32
    %run_scoped3A = arith.constant 1 : i32
    "tpu.region"() ({
      %run_scoped3A_157 = tpu.sem_alloc : memref<!tpu.dma_semaphore, #tpu.memory_space<semaphore_mem>>
      %dma_start3A_158 = tpu.memref_slice %arg2[%run_scoped3A, %add3A_123] : memref<2x1600000xi32, #tpu.memory_space<hbm>> -> memref<1x800xi32, #tpu.memory_space<hbm>>
      %dma_start3A_159 = tpu.memref_squeeze %dma_start3A_158 : memref<1x800xi32, #tpu.memory_space<hbm>> -> memref<800xi32, #tpu.memory_space<hbm>>
      %dma_start3A_160 = tpu.memref_slice %arg2[%run_scoped3A, %add3A_123] : memref<2x1600000xi32, #tpu.memory_space<hbm>> -> memref<1x800xi32, #tpu.memory_space<hbm>>
      %dma_start3A_161 = tpu.memref_squeeze %dma_start3A_160 : memref<1x800xi32, #tpu.memory_space<hbm>> -> memref<800xi32, #tpu.memory_space<hbm>>
      tpu.enqueue_dma source(%dma_start3A_161 : memref<800xi32, #tpu.memory_space<hbm>>) target(%arg7 : memref<800xi32, #tpu.memory_space<vmem>>) target_semaphore(%run_scoped3A_157 : memref<!tpu.dma_semaphore, #tpu.memory_space<semaphore_mem>>)
      %dma_wait3A_162 = tpu.memref_slice %arg2[%run_scoped3A, %add3A_123] : memref<2x1600000xi32, #tpu.memory_space<hbm>> -> memref<1x800xi32, #tpu.memory_space<hbm>>
      %dma_wait3A_163 = tpu.memref_squeeze %dma_wait3A_162 : memref<1x800xi32, #tpu.memory_space<hbm>> -> memref<800xi32, #tpu.memory_space<hbm>>
      %dma_wait3A_164 = tpu.memref_slice %arg2[%run_scoped3A, %add3A_123] : memref<2x1600000xi32, #tpu.memory_space<hbm>> -> memref<1x800xi32, #tpu.memory_space<hbm>>
      %dma_wait3A_165 = tpu.memref_squeeze %dma_wait3A_164 : memref<1x800xi32, #tpu.memory_space<hbm>> -> memref<800xi32, #tpu.memory_space<hbm>>
      tpu.wait_dma2 semaphore(%run_scoped3A_157 : memref<!tpu.dma_semaphore, #tpu.memory_space<semaphore_mem>>) src(%dma_wait3A_165 : memref<800xi32, #tpu.memory_space<hbm>>) dst(%arg7 : memref<800xi32, #tpu.memory_space<vmem>>)
      tpu.yield
    }) : () -> ()
    %dma_start3A_124 = arith.constant 0 : i32
    %dma_start3A_125 = arith.constant 0 : i32
    %dma_start3A_126 = tpu.memref_slice %arg10[%dma_start3A_124, %dma_start3A_125] : memref<100000x16xf32, #tpu.memory_space<vmem_shared>> -> memref<100000x16xf32, #tpu.memory_space<vmem_shared>>
    tpu.enqueue_indirect_dma source(%arg6 : memref<800x16xf32, #tpu.memory_space<vmem>>) target(%dma_start3A_126 : memref<100000x16xf32, #tpu.memory_space<vmem_shared>>) offsets(%arg7 : memref<800xi32, #tpu.memory_space<vmem>>) semaphore(%arg11 : memref<!tpu.dma_semaphore, #tpu.memory_space<semaphore_mem>>) {add = true}
    %add3A_127 = arith.constant 800 : i32
    %add3A_128 = arith.addi %add3A_121, %add3A_127 : i32
    %run_scoped3A_129 = arith.constant 1 : i32
    "tpu.region"() ({
      %run_scoped3A_157 = tpu.sem_alloc : memref<!tpu.dma_semaphore, #tpu.memory_space<semaphore_mem>>
      %dma_start3A_158 = tpu.memref_slice %arg2[%run_scoped3A_129, %add3A_128] : memref<2x1600000xi32, #tpu.memory_space<hbm>> -> memref<1x800xi32, #tpu.memory_space<hbm>>
      %dma_start3A_159 = tpu.memref_squeeze %dma_start3A_158 : memref<1x800xi32, #tpu.memory_space<hbm>> -> memref<800xi32, #tpu.memory_space<hbm>>
      %dma_start3A_160 = tpu.memref_slice %arg2[%run_scoped3A_129, %add3A_128] : memref<2x1600000xi32, #tpu.memory_space<hbm>> -> memref<1x800xi32, #tpu.memory_space<hbm>>
      %dma_start3A_161 = tpu.memref_squeeze %dma_start3A_160 : memref<1x800xi32, #tpu.memory_space<hbm>> -> memref<800xi32, #tpu.memory_space<hbm>>
      tpu.enqueue_dma source(%dma_start3A_161 : memref<800xi32, #tpu.memory_space<hbm>>) target(%arg8 : memref<800xi32, #tpu.memory_space<vmem>>) target_semaphore(%run_scoped3A_157 : memref<!tpu.dma_semaphore, #tpu.memory_space<semaphore_mem>>)
      %dma_wait3A_162 = tpu.memref_slice %arg2[%run_scoped3A_129, %add3A_128] : memref<2x1600000xi32, #tpu.memory_space<hbm>> -> memref<1x800xi32, #tpu.memory_space<hbm>>
      %dma_wait3A_163 = tpu.memref_squeeze %dma_wait3A_162 : memref<1x800xi32, #tpu.memory_space<hbm>> -> memref<800xi32, #tpu.memory_space<hbm>>
      %dma_wait3A_164 = tpu.memref_slice %arg2[%run_scoped3A_129, %add3A_128] : memref<2x1600000xi32, #tpu.memory_space<hbm>> -> memref<1x800xi32, #tpu.memory_space<hbm>>
      %dma_wait3A_165 = tpu.memref_squeeze %dma_wait3A_164 : memref<1x800xi32, #tpu.memory_space<hbm>> -> memref<800xi32, #tpu.memory_space<hbm>>
      tpu.wait_dma2 semaphore(%run_scoped3A_157 : memref<!tpu.dma_semaphore, #tpu.memory_space<semaphore_mem>>) src(%dma_wait3A_165 : memref<800xi32, #tpu.memory_space<hbm>>) dst(%arg8 : memref<800xi32, #tpu.memory_space<vmem>>)
      tpu.yield
    }) : () -> ()
    %dma_start3A_130 = arith.constant 0 : i32
    %dma_start3A_131 = arith.constant 0 : i32
    %dma_start3A_132 = tpu.memref_slice %arg10[%dma_start3A_130, %dma_start3A_131] : memref<100000x16xf32, #tpu.memory_space<vmem_shared>> -> memref<100000x16xf32, #tpu.memory_space<vmem_shared>>
    tpu.enqueue_indirect_dma source(%arg6 : memref<800x16xf32, #tpu.memory_space<vmem>>) target(%dma_start3A_132 : memref<100000x16xf32, #tpu.memory_space<vmem_shared>>) offsets(%arg8 : memref<800xi32, #tpu.memory_space<vmem>>) semaphore(%arg12 : memref<!tpu.dma_semaphore, #tpu.memory_space<semaphore_mem>>) {add = true}
    %scan3A_133 = arith.constant 0 : i32
    %scan3A_134 = arith.constant 2 : i32
    %scan3A_135 = arith.constant 60 : i32
    %scan3A_136 = arith.addi %scan3A_134, %scan3A_135 : i32
    %scan3A_137 = arith.constant 1 : i32
    %scan3A_138 = scf.for %scan3A_157 = %scan3A_134 to %scan3A_136 step %scan3A_137 iter_args(%scan3A_158 = %scan3A_133) -> (i32)  : i32 {
      %jit3A = arith.constant 2 : i32
      %eq3A_159 = arith.constant 0 : i32
      %eq3A_160 = arith.cmpi eq, %jit3A, %eq3A_159 : i32
      %jit3A_161 = arith.constant 1 : i32
      %select_n3A = arith.select %eq3A_160, %jit3A_161, %jit3A : i32
      %rem3A = arith.remsi %scan3A_157, %select_n3A : i32
      %ne3A = arith.constant 0 : i32
      %ne3A_162 = arith.cmpi ne, %rem3A, %ne3A : i32
      %lt3A = arith.constant 0 : i32
      %lt3A_163 = arith.cmpi slt, %rem3A, %lt3A : i32
      %lt3A_164 = arith.constant 0 : i32
      %lt3A_165 = arith.cmpi slt, %select_n3A, %lt3A_164 : i32
      %ne3A_166 = arith.xori %lt3A_163, %lt3A_165 : i1
      %and3A = arith.andi %ne3A_166, %ne3A_162 : i1
      %add3A_167 = arith.addi %rem3A, %select_n3A : i32
      %select_n3A_168 = arith.select %and3A, %add3A_167, %rem3A : i32
      %eq3A_169 = arith.constant 0 : i32
      %eq3A_170 = arith.cmpi eq, %select_n3A_168, %eq3A_169 : i32
      %convert_element_type3A_171 = arith.extui %eq3A_170 : i1 to i32
      %cond3A_172 = arith.constant 0 : i32
      %cond3A_173 = arith.cmpi ne, %convert_element_type3A_171, %cond3A_172 : i32
      scf.if %cond3A_173 {
        %dma_wait3A_196 = arith.constant 0 : i32
        %dma_wait3A_197 = arith.constant 0 : i32
        %dma_wait3A_198 = tpu.memref_slice %arg10[%dma_wait3A_196, %dma_wait3A_197] : memref<100000x16xf32, #tpu.memory_space<vmem_shared>> -> memref<100000x16xf32, #tpu.memory_space<vmem_shared>>
        tpu.wait_indirect_dma semaphore(%arg11 : memref<!tpu.dma_semaphore, #tpu.memory_space<semaphore_mem>>) src(%arg6 : memref<800x16xf32, #tpu.memory_space<vmem>>) dst(%dma_wait3A_198 : memref<100000x16xf32, #tpu.memory_space<vmem_shared>>)
        %mul3A_199 = arith.constant 800 : i32
        %mul3A_200 = arith.muli %scan3A_157, %mul3A_199 : i32
        %add3A_201 = arith.addi %add3A_121, %mul3A_200 : i32
        %run_scoped3A_202 = arith.constant 1 : i32
        "tpu.region"() ({
          %run_scoped3A_206 = tpu.sem_alloc : memref<!tpu.dma_semaphore, #tpu.memory_space<semaphore_mem>>
          %dma_start3A_207 = tpu.memref_slice %arg2[%run_scoped3A_202, %add3A_201] : memref<2x1600000xi32, #tpu.memory_space<hbm>> -> memref<1x800xi32, #tpu.memory_space<hbm>>
          %dma_start3A_208 = tpu.memref_squeeze %dma_start3A_207 : memref<1x800xi32, #tpu.memory_space<hbm>> -> memref<800xi32, #tpu.memory_space<hbm>>
          %dma_start3A_209 = tpu.memref_slice %arg2[%run_scoped3A_202, %add3A_201] : memref<2x1600000xi32, #tpu.memory_space<hbm>> -> memref<1x800xi32, #tpu.memory_space<hbm>>
          %dma_start3A_210 = tpu.memref_squeeze %dma_start3A_209 : memref<1x800xi32, #tpu.memory_space<hbm>> -> memref<800xi32, #tpu.memory_space<hbm>>
          tpu.enqueue_dma source(%dma_start3A_210 : memref<800xi32, #tpu.memory_space<hbm>>) target(%arg7 : memref<800xi32, #tpu.memory_space<vmem>>) target_semaphore(%run_scoped3A_206 : memref<!tpu.dma_semaphore, #tpu.memory_space<semaphore_mem>>)
          %dma_wait3A_211 = tpu.memref_slice %arg2[%run_scoped3A_202, %add3A_201] : memref<2x1600000xi32, #tpu.memory_space<hbm>> -> memref<1x800xi32, #tpu.memory_space<hbm>>
          %dma_wait3A_212 = tpu.memref_squeeze %dma_wait3A_211 : memref<1x800xi32, #tpu.memory_space<hbm>> -> memref<800xi32, #tpu.memory_space<hbm>>
          %dma_wait3A_213 = tpu.memref_slice %arg2[%run_scoped3A_202, %add3A_201] : memref<2x1600000xi32, #tpu.memory_space<hbm>> -> memref<1x800xi32, #tpu.memory_space<hbm>>
          %dma_wait3A_214 = tpu.memref_squeeze %dma_wait3A_213 : memref<1x800xi32, #tpu.memory_space<hbm>> -> memref<800xi32, #tpu.memory_space<hbm>>
          tpu.wait_dma2 semaphore(%run_scoped3A_206 : memref<!tpu.dma_semaphore, #tpu.memory_space<semaphore_mem>>) src(%dma_wait3A_214 : memref<800xi32, #tpu.memory_space<hbm>>) dst(%arg7 : memref<800xi32, #tpu.memory_space<vmem>>)
          tpu.yield
        }) : () -> ()
        %dma_start3A_203 = arith.constant 0 : i32
        %dma_start3A_204 = arith.constant 0 : i32
        %dma_start3A_205 = tpu.memref_slice %arg10[%dma_start3A_203, %dma_start3A_204] : memref<100000x16xf32, #tpu.memory_space<vmem_shared>> -> memref<100000x16xf32, #tpu.memory_space<vmem_shared>>
        tpu.enqueue_indirect_dma source(%arg6 : memref<800x16xf32, #tpu.memory_space<vmem>>) target(%dma_start3A_205 : memref<100000x16xf32, #tpu.memory_space<vmem_shared>>) offsets(%arg7 : memref<800xi32, #tpu.memory_space<vmem>>) semaphore(%arg11 : memref<!tpu.dma_semaphore, #tpu.memory_space<semaphore_mem>>) {add = true}
      } else {
      }
      %jit3A_174 = arith.constant 2 : i32
      %eq3A_175 = arith.constant 0 : i32
      %eq3A_176 = arith.cmpi eq, %jit3A_174, %eq3A_175 : i32
      %jit3A_177 = arith.constant 1 : i32
      %select_n3A_178 = arith.select %eq3A_176, %jit3A_177, %jit3A_174 : i32
      %rem3A_179 = arith.remsi %scan3A_157, %select_n3A_178 : i32
      %ne3A_180 = arith.constant 0 : i32
      %ne3A_181 = arith.cmpi ne, %rem3A_179, %ne3A_180 : i32
      %lt3A_182 = arith.constant 0 : i32
      %lt3A_183 = arith.cmpi slt, %rem3A_179, %lt3A_182 : i32
      %lt3A_184 = arith.constant 0 : i32
      %lt3A_185 = arith.cmpi slt, %select_n3A_178, %lt3A_184 : i32
      %ne3A_186 = arith.xori %lt3A_183, %lt3A_185 : i1
      %and3A_187 = arith.andi %ne3A_186, %ne3A_181 : i1
      %add3A_188 = arith.addi %rem3A_179, %select_n3A_178 : i32
      %select_n3A_189 = arith.select %and3A_187, %add3A_188, %rem3A_179 : i32
      %eq3A_190 = arith.constant 1 : i32
      %eq3A_191 = arith.cmpi eq, %select_n3A_189, %eq3A_190 : i32
      %convert_element_type3A_192 = arith.extui %eq3A_191 : i1 to i32
      %cond3A_193 = arith.constant 0 : i32
      %cond3A_194 = arith.cmpi ne, %convert_element_type3A_192, %cond3A_193 : i32
      scf.if %cond3A_194 {
        %dma_wait3A_196 = arith.constant 0 : i32
        %dma_wait3A_197 = arith.constant 0 : i32
        %dma_wait3A_198 = tpu.memref_slice %arg10[%dma_wait3A_196, %dma_wait3A_197] : memref<100000x16xf32, #tpu.memory_space<vmem_shared>> -> memref<100000x16xf32, #tpu.memory_space<vmem_shared>>
        tpu.wait_indirect_dma semaphore(%arg12 : memref<!tpu.dma_semaphore, #tpu.memory_space<semaphore_mem>>) src(%arg6 : memref<800x16xf32, #tpu.memory_space<vmem>>) dst(%dma_wait3A_198 : memref<100000x16xf32, #tpu.memory_space<vmem_shared>>)
        %mul3A_199 = arith.constant 800 : i32
        %mul3A_200 = arith.muli %scan3A_157, %mul3A_199 : i32
        %add3A_201 = arith.addi %add3A_121, %mul3A_200 : i32
        %run_scoped3A_202 = arith.constant 1 : i32
        "tpu.region"() ({
          %run_scoped3A_206 = tpu.sem_alloc : memref<!tpu.dma_semaphore, #tpu.memory_space<semaphore_mem>>
          %dma_start3A_207 = tpu.memref_slice %arg2[%run_scoped3A_202, %add3A_201] : memref<2x1600000xi32, #tpu.memory_space<hbm>> -> memref<1x800xi32, #tpu.memory_space<hbm>>
          %dma_start3A_208 = tpu.memref_squeeze %dma_start3A_207 : memref<1x800xi32, #tpu.memory_space<hbm>> -> memref<800xi32, #tpu.memory_space<hbm>>
          %dma_start3A_209 = tpu.memref_slice %arg2[%run_scoped3A_202, %add3A_201] : memref<2x1600000xi32, #tpu.memory_space<hbm>> -> memref<1x800xi32, #tpu.memory_space<hbm>>
          %dma_start3A_210 = tpu.memref_squeeze %dma_start3A_209 : memref<1x800xi32, #tpu.memory_space<hbm>> -> memref<800xi32, #tpu.memory_space<hbm>>
          tpu.enqueue_dma source(%dma_start3A_210 : memref<800xi32, #tpu.memory_space<hbm>>) target(%arg8 : memref<800xi32, #tpu.memory_space<vmem>>) target_semaphore(%run_scoped3A_206 : memref<!tpu.dma_semaphore, #tpu.memory_space<semaphore_mem>>)
          %dma_wait3A_211 = tpu.memref_slice %arg2[%run_scoped3A_202, %add3A_201] : memref<2x1600000xi32, #tpu.memory_space<hbm>> -> memref<1x800xi32, #tpu.memory_space<hbm>>
          %dma_wait3A_212 = tpu.memref_squeeze %dma_wait3A_211 : memref<1x800xi32, #tpu.memory_space<hbm>> -> memref<800xi32, #tpu.memory_space<hbm>>
          %dma_wait3A_213 = tpu.memref_slice %arg2[%run_scoped3A_202, %add3A_201] : memref<2x1600000xi32, #tpu.memory_space<hbm>> -> memref<1x800xi32, #tpu.memory_space<hbm>>
          %dma_wait3A_214 = tpu.memref_squeeze %dma_wait3A_213 : memref<1x800xi32, #tpu.memory_space<hbm>> -> memref<800xi32, #tpu.memory_space<hbm>>
          tpu.wait_dma2 semaphore(%run_scoped3A_206 : memref<!tpu.dma_semaphore, #tpu.memory_space<semaphore_mem>>) src(%dma_wait3A_214 : memref<800xi32, #tpu.memory_space<hbm>>) dst(%arg8 : memref<800xi32, #tpu.memory_space<vmem>>)
          tpu.yield
        }) : () -> ()
        %dma_start3A_203 = arith.constant 0 : i32
        %dma_start3A_204 = arith.constant 0 : i32
        %dma_start3A_205 = tpu.memref_slice %arg10[%dma_start3A_203, %dma_start3A_204] : memref<100000x16xf32, #tpu.memory_space<vmem_shared>> -> memref<100000x16xf32, #tpu.memory_space<vmem_shared>>
        tpu.enqueue_indirect_dma source(%arg6 : memref<800x16xf32, #tpu.memory_space<vmem>>) target(%dma_start3A_205 : memref<100000x16xf32, #tpu.memory_space<vmem_shared>>) offsets(%arg8 : memref<800xi32, #tpu.memory_space<vmem>>) semaphore(%arg12 : memref<!tpu.dma_semaphore, #tpu.memory_space<semaphore_mem>>) {add = true}
      } else {
      }
      %scan3A_195 = arith.constant 0 : i32
      scf.yield %scan3A_195 : i32
    }
    %scan3A_139 = arith.constant 60 : i32
    %dma_wait3A_140 = arith.constant 0 : i32
    %dma_wait3A_141 = arith.constant 0 : i32
    %dma_wait3A_142 = tpu.memref_slice %arg10[%dma_wait3A_140, %dma_wait3A_141] : memref<100000x16xf32, #tpu.memory_space<vmem_shared>> -> memref<100000x16xf32, #tpu.memory_space<vmem_shared>>
    tpu.wait_indirect_dma semaphore(%arg11 : memref<!tpu.dma_semaphore, #tpu.memory_space<semaphore_mem>>) src(%arg6 : memref<800x16xf32, #tpu.memory_space<vmem>>) dst(%dma_wait3A_142 : memref<100000x16xf32, #tpu.memory_space<vmem_shared>>)
    %dma_wait3A_143 = arith.constant 0 : i32
    %dma_wait3A_144 = arith.constant 0 : i32
    %dma_wait3A_145 = tpu.memref_slice %arg10[%dma_wait3A_143, %dma_wait3A_144] : memref<100000x16xf32, #tpu.memory_space<vmem_shared>> -> memref<100000x16xf32, #tpu.memory_space<vmem_shared>>
    tpu.wait_indirect_dma semaphore(%arg12 : memref<!tpu.dma_semaphore, #tpu.memory_space<semaphore_mem>>) src(%arg6 : memref<800x16xf32, #tpu.memory_space<vmem>>) dst(%dma_wait3A_145 : memref<100000x16xf32, #tpu.memory_space<vmem_shared>>)
    %add3A_146 = arith.constant 49600 : i32
    %add3A_147 = arith.addi %add3A_121, %add3A_146 : i32
    %run_scoped3A_148 = arith.constant 1 : i32
    "tpu.region"() ({
      %run_scoped3A_157 = tpu.sem_alloc : memref<!tpu.dma_semaphore, #tpu.memory_space<semaphore_mem>>
      %dma_start3A_158 = tpu.memref_slice %arg2[%run_scoped3A_148, %add3A_147] : memref<2x1600000xi32, #tpu.memory_space<hbm>> -> memref<1x400xi32, #tpu.memory_space<hbm>>
      %dma_start3A_159 = tpu.memref_squeeze %dma_start3A_158 : memref<1x400xi32, #tpu.memory_space<hbm>> -> memref<400xi32, #tpu.memory_space<hbm>>
      %dma_start3A_160 = tpu.memref_slice %arg2[%run_scoped3A_148, %add3A_147] : memref<2x1600000xi32, #tpu.memory_space<hbm>> -> memref<1x400xi32, #tpu.memory_space<hbm>>
      %dma_start3A_161 = tpu.memref_squeeze %dma_start3A_160 : memref<1x400xi32, #tpu.memory_space<hbm>> -> memref<400xi32, #tpu.memory_space<hbm>>
      tpu.enqueue_dma source(%dma_start3A_161 : memref<400xi32, #tpu.memory_space<hbm>>) target(%arg9 : memref<400xi32, #tpu.memory_space<vmem>>) target_semaphore(%run_scoped3A_157 : memref<!tpu.dma_semaphore, #tpu.memory_space<semaphore_mem>>)
      %dma_wait3A_162 = tpu.memref_slice %arg2[%run_scoped3A_148, %add3A_147] : memref<2x1600000xi32, #tpu.memory_space<hbm>> -> memref<1x400xi32, #tpu.memory_space<hbm>>
      %dma_wait3A_163 = tpu.memref_squeeze %dma_wait3A_162 : memref<1x400xi32, #tpu.memory_space<hbm>> -> memref<400xi32, #tpu.memory_space<hbm>>
      %dma_wait3A_164 = tpu.memref_slice %arg2[%run_scoped3A_148, %add3A_147] : memref<2x1600000xi32, #tpu.memory_space<hbm>> -> memref<1x400xi32, #tpu.memory_space<hbm>>
      %dma_wait3A_165 = tpu.memref_squeeze %dma_wait3A_164 : memref<1x400xi32, #tpu.memory_space<hbm>> -> memref<400xi32, #tpu.memory_space<hbm>>
      tpu.wait_dma2 semaphore(%run_scoped3A_157 : memref<!tpu.dma_semaphore, #tpu.memory_space<semaphore_mem>>) src(%dma_wait3A_165 : memref<400xi32, #tpu.memory_space<hbm>>) dst(%arg9 : memref<400xi32, #tpu.memory_space<vmem>>)
      tpu.yield
    }) : () -> ()
    "tpu.region"() ({
      %run_scoped3A_157 = tpu.sem_alloc : memref<!tpu.dma_semaphore, #tpu.memory_space<semaphore_mem>>
      %dma_start3A_158 = arith.constant 0 : i32
      %dma_start3A_159 = arith.constant 0 : i32
      %dma_start3A_160 = tpu.memref_slice %arg6[%dma_start3A_158, %dma_start3A_159] : memref<800x16xf32, #tpu.memory_space<vmem>> -> memref<400x16xf32, #tpu.memory_space<vmem>>
      %dma_start3A_161 = arith.constant 0 : i32
      %dma_start3A_162 = arith.constant 0 : i32
      %dma_start3A_163 = tpu.memref_slice %arg10[%dma_start3A_161, %dma_start3A_162] : memref<100000x16xf32, #tpu.memory_space<vmem_shared>> -> memref<100000x16xf32, #tpu.memory_space<vmem_shared>>
      tpu.enqueue_indirect_dma source(%dma_start3A_160 : memref<400x16xf32, #tpu.memory_space<vmem>>) target(%dma_start3A_163 : memref<100000x16xf32, #tpu.memory_space<vmem_shared>>) offsets(%arg9 : memref<400xi32, #tpu.memory_space<vmem>>) semaphore(%run_scoped3A_157 : memref<!tpu.dma_semaphore, #tpu.memory_space<semaphore_mem>>) {add = true}
      %dma_wait3A_164 = arith.constant 0 : i32
      %dma_wait3A_165 = arith.constant 0 : i32
      %dma_wait3A_166 = tpu.memref_slice %arg6[%dma_wait3A_164, %dma_wait3A_165] : memref<800x16xf32, #tpu.memory_space<vmem>> -> memref<400x16xf32, #tpu.memory_space<vmem>>
      %dma_wait3A_167 = arith.constant 0 : i32
      %dma_wait3A_168 = arith.constant 0 : i32
      %dma_wait3A_169 = tpu.memref_slice %arg10[%dma_wait3A_167, %dma_wait3A_168] : memref<100000x16xf32, #tpu.memory_space<vmem_shared>> -> memref<100000x16xf32, #tpu.memory_space<vmem_shared>>
      tpu.wait_indirect_dma semaphore(%run_scoped3A_157 : memref<!tpu.dma_semaphore, #tpu.memory_space<semaphore_mem>>) src(%dma_wait3A_166 : memref<400x16xf32, #tpu.memory_space<vmem>>) dst(%dma_wait3A_169 : memref<100000x16xf32, #tpu.memory_space<vmem_shared>>)
      tpu.yield
    }) : () -> ()
    %barrier3A_149 = arith.constant 0 : index
    tpu.barrier barrier_id(%barrier3A_149)
    %eq3A = arith.constant 0 : i32
    %eq3A_150 = arith.cmpi eq, %arg0, %eq3A : i32
    %convert_element_type3A = arith.extui %eq3A_150 : i1 to i32
    %cond3A = arith.constant 0 : i32
    %cond3A_151 = arith.cmpi ne, %convert_element_type3A, %cond3A : i32
    scf.if %cond3A_151 {
      %mul3A_157 = arith.constant 6250 : i32
      %mul3A_158 = arith.muli %arg1, %mul3A_157 : i32
      "tpu.region"() ({
        %run_scoped3A_159 = tpu.sem_alloc : memref<!tpu.dma_semaphore, #tpu.memory_space<semaphore_mem>>
        %dma_start3A_160 = arith.constant 0 : i32
        %dma_start3A_161 = tpu.memref_slice %arg3[%mul3A_158, %dma_start3A_160] : memref<102400x16xf32, #tpu.memory_space<hbm>> -> memref<6250x16xf32, #tpu.memory_space<hbm>>
        %dma_start3A_162 = arith.constant 0 : i32
        %dma_start3A_163 = tpu.memref_slice %arg10[%mul3A_158, %dma_start3A_162] : memref<100000x16xf32, #tpu.memory_space<vmem_shared>> -> memref<6250x16xf32, #tpu.memory_space<vmem_shared>>
        tpu.enqueue_dma source(%dma_start3A_163 : memref<6250x16xf32, #tpu.memory_space<vmem_shared>>) target(%dma_start3A_161 : memref<6250x16xf32, #tpu.memory_space<hbm>>) target_semaphore(%run_scoped3A_159 : memref<!tpu.dma_semaphore, #tpu.memory_space<semaphore_mem>>)
        %dma_wait3A_164 = arith.constant 0 : i32
        %dma_wait3A_165 = tpu.memref_slice %arg3[%mul3A_158, %dma_wait3A_164] : memref<102400x16xf32, #tpu.memory_space<hbm>> -> memref<6250x16xf32, #tpu.memory_space<hbm>>
        %dma_wait3A_166 = arith.constant 0 : i32
        %dma_wait3A_167 = tpu.memref_slice %arg10[%mul3A_158, %dma_wait3A_166] : memref<100000x16xf32, #tpu.memory_space<vmem_shared>> -> memref<6250x16xf32, #tpu.memory_space<vmem_shared>>
        tpu.wait_dma2 semaphore(%run_scoped3A_159 : memref<!tpu.dma_semaphore, #tpu.memory_space<semaphore_mem>>) src(%dma_wait3A_167 : memref<6250x16xf32, #tpu.memory_space<vmem_shared>>) dst(%dma_wait3A_165 : memref<6250x16xf32, #tpu.memory_space<hbm>>)
        tpu.yield
      }) : () -> ()
    } else {
    }
    %eq3A_152 = arith.constant 1 : i32
    %eq3A_153 = arith.cmpi eq, %arg0, %eq3A_152 : i32
    %convert_element_type3A_154 = arith.extui %eq3A_153 : i1 to i32
    %cond3A_155 = arith.constant 0 : i32
    %cond3A_156 = arith.cmpi ne, %convert_element_type3A_154, %cond3A_155 : i32
    scf.if %cond3A_156 {
      %mul3A_157 = arith.constant 6250 : i32
      %mul3A_158 = arith.muli %arg1, %mul3A_157 : i32
      "tpu.region"() ({
        %run_scoped3A_159 = tpu.sem_alloc : memref<!tpu.dma_semaphore, #tpu.memory_space<semaphore_mem>>
        %dma_start3A_160 = arith.constant 0 : i32
        %dma_start3A_161 = tpu.memref_slice %arg4[%mul3A_158, %dma_start3A_160] : memref<102400x16xf32, #tpu.memory_space<hbm>> -> memref<6250x16xf32, #tpu.memory_space<hbm>>
        %dma_start3A_162 = arith.constant 0 : i32
        %dma_start3A_163 = tpu.memref_slice %arg10[%mul3A_158, %dma_start3A_162] : memref<100000x16xf32, #tpu.memory_space<vmem_shared>> -> memref<6250x16xf32, #tpu.memory_space<vmem_shared>>
        tpu.enqueue_dma source(%dma_start3A_163 : memref<6250x16xf32, #tpu.memory_space<vmem_shared>>) target(%dma_start3A_161 : memref<6250x16xf32, #tpu.memory_space<hbm>>) target_semaphore(%run_scoped3A_159 : memref<!tpu.dma_semaphore, #tpu.memory_space<semaphore_mem>>)
        %dma_wait3A_164 = arith.constant 0 : i32
        %dma_wait3A_165 = tpu.memref_slice %arg4[%mul3A_158, %dma_wait3A_164] : memref<102400x16xf32, #tpu.memory_space<hbm>> -> memref<6250x16xf32, #tpu.memory_space<hbm>>
        %dma_wait3A_166 = arith.constant 0 : i32
        %dma_wait3A_167 = tpu.memref_slice %arg10[%mul3A_158, %dma_wait3A_166] : memref<100000x16xf32, #tpu.memory_space<vmem_shared>> -> memref<6250x16xf32, #tpu.memory_space<vmem_shared>>
        tpu.wait_dma2 semaphore(%run_scoped3A_159 : memref<!tpu.dma_semaphore, #tpu.memory_space<semaphore_mem>>) src(%dma_wait3A_167 : memref<6250x16xf32, #tpu.memory_space<vmem_shared>>) dst(%dma_wait3A_165 : memref<6250x16xf32, #tpu.memory_space<hbm>>)
        tpu.yield
      }) : () -> ()
    } else {
    }
    return
  }
}

module attributes {stable_mosaic.version = 14 : i64} {
  func.func @_tc_a_body(%arg0: i32, %arg1: memref<1600x128xf32, #tpu.memory_space<vmem>>, %arg2: memref<1600x128xf32, #tpu.memory_space<vmem>>, %arg3: memref<1600x128xf32, #tpu.memory_space<vmem>>, %arg4: memref<128x128xf32, #tpu.memory_space<vmem>>, %arg5: memref<128x128xf32, #tpu.memory_space<vmem>>, %arg6: memref<1600x128xf32, #tpu.memory_space<vmem>>, %arg7: memref<1600x128xf32, #tpu.memory_space<vmem>>, %arg8: memref<1600x128xf32, #tpu.memory_space<vmem>>) attributes {dimension_semantics = [#tpu.dimension_semantics<arbitrary>], iteration_bounds = array<i64: 8>, scalar_prefetch = 0 : i64, scratch_operands = 0 : i64, tpu.core_type = #tpu.core_type<tc>, window_params = [{transform_indices = @transform_0, window_bounds = array<i64: 1600, 128>}, {transform_indices = @transform_1, window_bounds = array<i64: 1600, 128>}, {transform_indices = @transform_2, window_bounds = array<i64: 1600, 128>}, {pipeline_mode = #tpu.pipeline_mode<synchronous>, transform_indices = @transform_3, window_bounds = array<i64: 128, 128>}, {pipeline_mode = #tpu.pipeline_mode<synchronous>, transform_indices = @transform_4, window_bounds = array<i64: 128, 128>}, {transform_indices = @transform_5, window_bounds = array<i64: 1600, 128>}, {transform_indices = @transform_6, window_bounds = array<i64: 1600, 128>}, {transform_indices = @transform_7, window_bounds = array<i64: 1600, 128>}]} {
    %get3A = arith.constant 0 : index
    %get3A_0 = arith.constant 0 : index
    %get3A_1 = vector.load %arg1[%get3A, %get3A_0] : memref<1600x128xf32, #tpu.memory_space<vmem>>, vector<1600x128xf32>
    %get3A_2 = arith.constant 0 : index
    %get3A_3 = arith.constant 0 : index
    %get3A_4 = vector.load %arg2[%get3A_2, %get3A_3] : memref<1600x128xf32, #tpu.memory_space<vmem>>, vector<1600x128xf32>
    %add3A = arith.addf %get3A_1, %get3A_4 : vector<1600x128xf32>
    %add3A_5 = arith.constant 1.000000e+00 : f32
    %add3A_6 = vector.broadcast %add3A_5 : f32 to vector<1600x128xf32>
    %add3A_7 = arith.addf %add3A, %add3A_6 : vector<1600x128xf32>
    %rsqrt3A = math.rsqrt %add3A_7 : vector<1600x128xf32>
    %swap3A = arith.constant 0 : index
    %swap3A_8 = arith.constant 0 : index
    %swap3A_9 = vector.load %arg6[%swap3A, %swap3A_8] : memref<1600x128xf32, #tpu.memory_space<vmem>>, vector<1600x128xf32>
    tpu.vector_store %arg6[%swap3A, %swap3A_8], %rsqrt3A {strides = array<i32>} : memref<1600x128xf32, #tpu.memory_space<vmem>>, vector<1600x128xf32>,
    %get3A_10 = arith.constant 0 : index
    %get3A_11 = arith.constant 0 : index
    %get3A_12 = vector.load %arg3[%get3A_10, %get3A_11] : memref<1600x128xf32, #tpu.memory_space<vmem>>, vector<1600x128xf32>
    %get3A_13 = arith.constant 0 : index
    %get3A_14 = arith.constant 0 : index
    %get3A_15 = vector.load %arg4[%get3A_13, %get3A_14] : memref<128x128xf32, #tpu.memory_space<vmem>>, vector<128x128xf32>
    %dot_general3A = arith.constant dense<0.000000e+00> : vector<1600x128xf32>
    %dot_general3A_16 = tpu.matmul %get3A_12, %get3A_15, %dot_general3A {dimension_numbers = #tpu.dot_dimension_numbers<[1], [0], [0], [1], [0, 0, 1, 1], [], []>, transpose_lhs_hint = false} : vector<1600x128xf32>, vector<128x128xf32>, vector<1600x128xf32> -> vector<1600x128xf32>
    %mul3A = arith.mulf %dot_general3A_16, %rsqrt3A : vector<1600x128xf32>
    %swap3A_17 = arith.constant 0 : index
    %swap3A_18 = arith.constant 0 : index
    %swap3A_19 = vector.load %arg7[%swap3A_17, %swap3A_18] : memref<1600x128xf32, #tpu.memory_space<vmem>>, vector<1600x128xf32>
    tpu.vector_store %arg7[%swap3A_17, %swap3A_18], %mul3A {strides = array<i32>} : memref<1600x128xf32, #tpu.memory_space<vmem>>, vector<1600x128xf32>,
    %get3A_20 = arith.constant 0 : index
    %get3A_21 = arith.constant 0 : index
    %get3A_22 = vector.load %arg5[%get3A_20, %get3A_21] : memref<128x128xf32, #tpu.memory_space<vmem>>, vector<128x128xf32>
    %dot_general3A_23 = arith.constant dense<0.000000e+00> : vector<1600x128xf32>
    %dot_general3A_24 = tpu.matmul %get3A_12, %get3A_22, %dot_general3A_23 {dimension_numbers = #tpu.dot_dimension_numbers<[1], [0], [0], [1], [0, 0, 1, 1], [], []>, transpose_lhs_hint = false} : vector<1600x128xf32>, vector<128x128xf32>, vector<1600x128xf32> -> vector<1600x128xf32>
    %mul3A_25 = arith.mulf %dot_general3A_24, %rsqrt3A : vector<1600x128xf32>
    %swap3A_26 = arith.constant 0 : index
    %swap3A_27 = arith.constant 0 : index
    %swap3A_28 = vector.load %arg8[%swap3A_26, %swap3A_27] : memref<1600x128xf32, #tpu.memory_space<vmem>>, vector<1600x128xf32>
    tpu.vector_store %arg8[%swap3A_26, %swap3A_27], %mul3A_25 {strides = array<i32>} : memref<1600x128xf32, #tpu.memory_space<vmem>>, vector<1600x128xf32>,
    return
  }
  func.func @transform_0(%arg0: i32) -> (i32, i32) {
    %c0_i32 = arith.constant 0 : i32
    %c0_i32_0 = arith.constant 0 : i32
    return %arg0, %c0_i32 : i32, i32
  }
  func.func @transform_1(%arg0: i32) -> (i32, i32) {
    %c0_i32 = arith.constant 0 : i32
    %c0_i32_0 = arith.constant 0 : i32
    return %arg0, %c0_i32 : i32, i32
  }
  func.func @transform_2(%arg0: i32) -> (i32, i32) {
    %c0_i32 = arith.constant 0 : i32
    %c0_i32_0 = arith.constant 0 : i32
    return %arg0, %c0_i32 : i32, i32
  }
  func.func @transform_3(%arg0: i32) -> (i32, i32) {
    %c0_i32 = arith.constant 0 : i32
    %c0_i32_0 = arith.constant 0 : i32
    %c0_i32_1 = arith.constant 0 : i32
    return %c0_i32, %c0_i32_0 : i32, i32
  }
  func.func @transform_4(%arg0: i32) -> (i32, i32) {
    %c0_i32 = arith.constant 0 : i32
    %c0_i32_0 = arith.constant 0 : i32
    %c0_i32_1 = arith.constant 0 : i32
    return %c0_i32, %c0_i32_0 : i32, i32
  }
  func.func @transform_5(%arg0: i32) -> (i32, i32) {
    %c0_i32 = arith.constant 0 : i32
    %c0_i32_0 = arith.constant 0 : i32
    return %arg0, %c0_i32 : i32, i32
  }
  func.func @transform_6(%arg0: i32) -> (i32, i32) {
    %c0_i32 = arith.constant 0 : i32
    %c0_i32_0 = arith.constant 0 : i32
    return %arg0, %c0_i32 : i32, i32
  }
  func.func @transform_7(%arg0: i32) -> (i32, i32) {
    %c0_i32 = arith.constant 0 : i32
    %c0_i32_0 = arith.constant 0 : i32
    return %arg0, %c0_i32 : i32, i32
  }
}

module attributes {stable_mosaic.version = 14 : i64} {
  func.func @_tc_b_body(%arg0: i32, %arg1: memref<1600x128xf32, #tpu.memory_space<vmem>>, %arg2: memref<1600x128xf32, #tpu.memory_space<vmem>>, %arg3: memref<1600x128xf32, #tpu.memory_space<vmem>>, %arg4: memref<1600x128xf32, #tpu.memory_space<vmem>>, %arg5: memref<1600x128xf32, #tpu.memory_space<vmem>>, %arg6: memref<128x128xf32, #tpu.memory_space<vmem>>, %arg7: memref<128x128xf32, #tpu.memory_space<vmem>>, %arg8: memref<128xf32, #tpu.memory_space<vmem>>, %arg9: memref<128xf32, #tpu.memory_space<vmem>>, %arg10: memref<1600x128xf32, #tpu.memory_space<vmem>>) attributes {dimension_semantics = [#tpu.dimension_semantics<arbitrary>], iteration_bounds = array<i64: 8>, scalar_prefetch = 0 : i64, scratch_operands = 0 : i64, tpu.core_type = #tpu.core_type<tc>, window_params = [{transform_indices = @transform_0, window_bounds = array<i64: 1600, 128>}, {transform_indices = @transform_1, window_bounds = array<i64: 1600, 128>}, {transform_indices = @transform_2, window_bounds = array<i64: 1600, 128>}, {transform_indices = @transform_3, window_bounds = array<i64: 1600, 128>}, {transform_indices = @transform_4, window_bounds = array<i64: 1600, 128>}, {pipeline_mode = #tpu.pipeline_mode<synchronous>, transform_indices = @transform_5, window_bounds = array<i64: 128, 128>}, {pipeline_mode = #tpu.pipeline_mode<synchronous>, transform_indices = @transform_6, window_bounds = array<i64: 128, 128>}, {pipeline_mode = #tpu.pipeline_mode<synchronous>, transform_indices = @transform_7, window_bounds = array<i64: 128>}, {pipeline_mode = #tpu.pipeline_mode<synchronous>, transform_indices = @transform_8, window_bounds = array<i64: 128>}, {transform_indices = @transform_9, window_bounds = array<i64: 1600, 128>}]} {
    %get3A = arith.constant 0 : index
    %get3A_0 = arith.constant 0 : index
    %get3A_1 = vector.load %arg1[%get3A, %get3A_0] : memref<1600x128xf32, #tpu.memory_space<vmem>>, vector<1600x128xf32>
    %get3A_2 = arith.constant 0 : index
    %get3A_3 = arith.constant 0 : index
    %get3A_4 = vector.load %arg2[%get3A_2, %get3A_3] : memref<1600x128xf32, #tpu.memory_space<vmem>>, vector<1600x128xf32>
    %get3A_5 = arith.constant 0 : index
    %get3A_6 = arith.constant 0 : index
    %get3A_7 = vector.load %arg4[%get3A_5, %get3A_6] : memref<1600x128xf32, #tpu.memory_space<vmem>>, vector<1600x128xf32>
    %add3A = arith.addf %get3A_4, %get3A_7 : vector<1600x128xf32>
    %mul3A = arith.mulf %get3A_1, %add3A : vector<1600x128xf32>
    %get3A_8 = arith.constant 0 : index
    %get3A_9 = vector.load %arg8[%get3A_8] : memref<128xf32, #tpu.memory_space<vmem>>, vector<128xf32>
    %broadcast_in_dim3A = vector.shape_cast %get3A_9 : vector<128xf32> to vector<1x128xf32>
    %add3A_10 = vector.broadcast %broadcast_in_dim3A : vector<1x128xf32> to vector<1600x128xf32>
    %add3A_11 = arith.addf %mul3A, %add3A_10 : vector<1600x128xf32>
    %max3A = arith.constant 0.000000e+00 : f32
    %max3A_12 = vector.broadcast %max3A : f32 to vector<1600x128xf32>
    %max3A_13 = arith.maximumf %add3A_11, %max3A_12 : vector<1600x128xf32>
    %get3A_14 = arith.constant 0 : index
    %get3A_15 = arith.constant 0 : index
    %get3A_16 = vector.load %arg3[%get3A_14, %get3A_15] : memref<1600x128xf32, #tpu.memory_space<vmem>>, vector<1600x128xf32>
    %get3A_17 = arith.constant 0 : index
    %get3A_18 = arith.constant 0 : index
    %get3A_19 = vector.load %arg5[%get3A_17, %get3A_18] : memref<1600x128xf32, #tpu.memory_space<vmem>>, vector<1600x128xf32>
    %add3A_20 = arith.addf %get3A_16, %get3A_19 : vector<1600x128xf32>
    %mul3A_21 = arith.mulf %get3A_1, %add3A_20 : vector<1600x128xf32>
    %get3A_22 = arith.constant 0 : index
    %get3A_23 = vector.load %arg9[%get3A_22] : memref<128xf32, #tpu.memory_space<vmem>>, vector<128xf32>
    %broadcast_in_dim3A_24 = vector.shape_cast %get3A_23 : vector<128xf32> to vector<1x128xf32>
    %add3A_25 = vector.broadcast %broadcast_in_dim3A_24 : vector<1x128xf32> to vector<1600x128xf32>
    %add3A_26 = arith.addf %mul3A_21, %add3A_25 : vector<1600x128xf32>
    %max3A_27 = arith.constant 0.000000e+00 : f32
    %max3A_28 = vector.broadcast %max3A_27 : f32 to vector<1600x128xf32>
    %max3A_29 = arith.maximumf %add3A_26, %max3A_28 : vector<1600x128xf32>
    %get3A_30 = arith.constant 0 : index
    %get3A_31 = arith.constant 0 : index
    %get3A_32 = vector.load %arg6[%get3A_30, %get3A_31] : memref<128x128xf32, #tpu.memory_space<vmem>>, vector<128x128xf32>
    %dot_general3A = arith.constant dense<0.000000e+00> : vector<1600x128xf32>
    %dot_general3A_33 = tpu.matmul %max3A_13, %get3A_32, %dot_general3A {dimension_numbers = #tpu.dot_dimension_numbers<[1], [0], [0], [1], [0, 0, 1, 1], [], []>, transpose_lhs_hint = false} : vector<1600x128xf32>, vector<128x128xf32>, vector<1600x128xf32> -> vector<1600x128xf32>
    %get3A_34 = arith.constant 0 : index
    %get3A_35 = arith.constant 0 : index
    %get3A_36 = vector.load %arg7[%get3A_34, %get3A_35] : memref<128x128xf32, #tpu.memory_space<vmem>>, vector<128x128xf32>
    %dot_general3A_37 = arith.constant dense<0.000000e+00> : vector<1600x128xf32>
    %dot_general3A_38 = tpu.matmul %max3A_29, %get3A_36, %dot_general3A_37 {dimension_numbers = #tpu.dot_dimension_numbers<[1], [0], [0], [1], [0, 0, 1, 1], [], []>, transpose_lhs_hint = false} : vector<1600x128xf32>, vector<128x128xf32>, vector<1600x128xf32> -> vector<1600x128xf32>
    %add3A_39 = arith.addf %dot_general3A_33, %dot_general3A_38 : vector<1600x128xf32>
    %mul3A_40 = arith.mulf %add3A_39, %get3A_1 : vector<1600x128xf32>
    %swap3A = arith.constant 0 : index
    %swap3A_41 = arith.constant 0 : index
    %swap3A_42 = vector.load %arg10[%swap3A, %swap3A_41] : memref<1600x128xf32, #tpu.memory_space<vmem>>, vector<1600x128xf32>
    tpu.vector_store %arg10[%swap3A, %swap3A_41], %mul3A_40 {strides = array<i32>} : memref<1600x128xf32, #tpu.memory_space<vmem>>, vector<1600x128xf32>,
    return
  }
  func.func @transform_0(%arg0: i32) -> (i32, i32) {
    %c0_i32 = arith.constant 0 : i32
    %c0_i32_0 = arith.constant 0 : i32
    return %arg0, %c0_i32 : i32, i32
  }
  func.func @transform_1(%arg0: i32) -> (i32, i32) {
    %c0_i32 = arith.constant 0 : i32
    %c0_i32_0 = arith.constant 0 : i32
    return %arg0, %c0_i32 : i32, i32
  }
  func.func @transform_2(%arg0: i32) -> (i32, i32) {
    %c0_i32 = arith.constant 0 : i32
    %c0_i32_0 = arith.constant 0 : i32
    return %arg0, %c0_i32 : i32, i32
  }
  func.func @transform_3(%arg0: i32) -> (i32, i32) {
    %c0_i32 = arith.constant 0 : i32
    %c0_i32_0 = arith.constant 0 : i32
    return %arg0, %c0_i32 : i32, i32
  }
  func.func @transform_4(%arg0: i32) -> (i32, i32) {
    %c0_i32 = arith.constant 0 : i32
    %c0_i32_0 = arith.constant 0 : i32
    return %arg0, %c0_i32 : i32, i32
  }
  func.func @transform_5(%arg0: i32) -> (i32, i32) {
    %c0_i32 = arith.constant 0 : i32
    %c0_i32_0 = arith.constant 0 : i32
    %c0_i32_1 = arith.constant 0 : i32
    return %c0_i32, %c0_i32_0 : i32, i32
  }
  func.func @transform_6(%arg0: i32) -> (i32, i32) {
    %c0_i32 = arith.constant 0 : i32
    %c0_i32_0 = arith.constant 0 : i32
    %c0_i32_1 = arith.constant 0 : i32
    return %c0_i32, %c0_i32_0 : i32, i32
  }
  func.func @transform_7(%arg0: i32) -> i32 {
    %c0_i32 = arith.constant 0 : i32
    %c0_i32_0 = arith.constant 0 : i32
    return %c0_i32 : i32
  }
  func.func @transform_8(%arg0: i32) -> i32 {
    %c0_i32 = arith.constant 0 : i32
    %c0_i32_0 = arith.constant 0 : i32
    return %c0_i32 : i32
  }
  func.func @transform_9(%arg0: i32) -> (i32, i32) {
    %c0_i32 = arith.constant 0 : i32
    %c0_i32_0 = arith.constant 0 : i32
    return %arg0, %c0_i32 : i32, i32
  }
}

module attributes {stable_mosaic.version = 14 : i64} {
  func.func @_tc_c_body(%arg0: i32, %arg1: memref<1600x128xf32, #tpu.memory_space<vmem>>, %arg2: memref<1600x128xf32, #tpu.memory_space<vmem>>, %arg3: memref<1600x128xf32, #tpu.memory_space<vmem>>, %arg4: memref<1600x128xf32, #tpu.memory_space<vmem>>, %arg5: memref<128xf32, #tpu.memory_space<vmem>>, %arg6: memref<16x12800xf32, #tpu.memory_space<vmem>>) attributes {dimension_semantics = [#tpu.dimension_semantics<arbitrary>], iteration_bounds = array<i64: 8>, scalar_prefetch = 0 : i64, scratch_operands = 0 : i64, tpu.core_type = #tpu.core_type<tc>, window_params = [{transform_indices = @transform_0, window_bounds = array<i64: 1600, 128>}, {transform_indices = @transform_1, window_bounds = array<i64: 1600, 128>}, {transform_indices = @transform_2, window_bounds = array<i64: 1600, 128>}, {transform_indices = @transform_3, window_bounds = array<i64: 1600, 128>}, {pipeline_mode = #tpu.pipeline_mode<synchronous>, transform_indices = @transform_4, window_bounds = array<i64: 128>}, {transform_indices = @transform_5, window_bounds = array<i64: 16, 12800>}]} {
    %get3A = arith.constant 0 : index
    %get3A_0 = arith.constant 0 : index
    %get3A_1 = vector.load %arg1[%get3A, %get3A_0] : memref<1600x128xf32, #tpu.memory_space<vmem>>, vector<1600x128xf32>
    %get3A_2 = arith.constant 0 : index
    %get3A_3 = arith.constant 0 : index
    %get3A_4 = vector.load %arg2[%get3A_2, %get3A_3] : memref<1600x128xf32, #tpu.memory_space<vmem>>, vector<1600x128xf32>
    %get3A_5 = arith.constant 0 : index
    %get3A_6 = arith.constant 0 : index
    %get3A_7 = vector.load %arg3[%get3A_5, %get3A_6] : memref<1600x128xf32, #tpu.memory_space<vmem>>, vector<1600x128xf32>
    %add3A = arith.addf %get3A_4, %get3A_7 : vector<1600x128xf32>
    %get3A_8 = arith.constant 0 : index
    %get3A_9 = arith.constant 0 : index
    %get3A_10 = vector.load %arg4[%get3A_8, %get3A_9] : memref<1600x128xf32, #tpu.memory_space<vmem>>, vector<1600x128xf32>
    %add3A_11 = arith.addf %add3A, %get3A_10 : vector<1600x128xf32>
    %mul3A = arith.mulf %get3A_1, %add3A_11 : vector<1600x128xf32>
    %get3A_12 = arith.constant 0 : index
    %get3A_13 = vector.load %arg5[%get3A_12] : memref<128xf32, #tpu.memory_space<vmem>>, vector<128xf32>
    %broadcast_in_dim3A = vector.shape_cast %get3A_13 : vector<128xf32> to vector<1x128xf32>
    %add3A_14 = vector.broadcast %broadcast_in_dim3A : vector<1x128xf32> to vector<1600x128xf32>
    %add3A_15 = arith.addf %mul3A, %add3A_14 : vector<1600x128xf32>
    %reshape3A = vector.shape_cast %add3A_15 : vector<1600x128xf32> to vector<1600x8x16xf32>
    %transpose3A = tpu.transpose %reshape3A, [2, 0, 1] : vector<1600x8x16xf32> -> vector<16x1600x8xf32>
    %reshape3A_16 = vector.shape_cast %transpose3A : vector<16x1600x8xf32> to vector<16x12800xf32>
    %swap3A = arith.constant 0 : index
    %swap3A_17 = arith.constant 0 : index
    %swap3A_18 = vector.load %arg6[%swap3A, %swap3A_17] : memref<16x12800xf32, #tpu.memory_space<vmem>>, vector<16x12800xf32>
    tpu.vector_store %arg6[%swap3A, %swap3A_17], %reshape3A_16 {strides = array<i32>} : memref<16x12800xf32, #tpu.memory_space<vmem>>, vector<16x12800xf32>,
    return
  }
  func.func @transform_0(%arg0: i32) -> (i32, i32) {
    %c0_i32 = arith.constant 0 : i32
    %c0_i32_0 = arith.constant 0 : i32
    return %arg0, %c0_i32 : i32, i32
  }
  func.func @transform_1(%arg0: i32) -> (i32, i32) {
    %c0_i32 = arith.constant 0 : i32
    %c0_i32_0 = arith.constant 0 : i32
    return %arg0, %c0_i32 : i32, i32
  }
  func.func @transform_2(%arg0: i32) -> (i32, i32) {
    %c0_i32 = arith.constant 0 : i32
    %c0_i32_0 = arith.constant 0 : i32
    return %arg0, %c0_i32 : i32, i32
  }
  func.func @transform_3(%arg0: i32) -> (i32, i32) {
    %c0_i32 = arith.constant 0 : i32
    %c0_i32_0 = arith.constant 0 : i32
    return %arg0, %c0_i32 : i32, i32
  }
  func.func @transform_4(%arg0: i32) -> i32 {
    %c0_i32 = arith.constant 0 : i32
    %c0_i32_0 = arith.constant 0 : i32
    return %c0_i32 : i32
  }
  func.func @transform_5(%arg0: i32) -> (i32, i32) {
    %c0_i32 = arith.constant 0 : i32
    %c0_i32_0 = arith.constant 0 : i32
    return %c0_i32, %arg0 : i32, i32
  }
}

</mosaic_0001>

<sc_bundles>
// kernel: kernel.11.cloned.1.call-start
scs
__scs_entry_jumppad:
0x0: {  	(pc) =	sbr.rel $0x88, $3  }
0x1: {  	(tag) =	ssettag $0x0;
	lr =	simm.s32 $0x1  }
0x2: {  	[smem:$0x3F9B] =	sst lr;
	_ =	strace $0xD0000000  }
0x3: {  	_ = 	snop  }
0x4: {  	_ = 	snop  }
0x5: {  	_ = 	snop  }
0x6: {  	_ = 	snop  }
0x7: {  	_ = 	snop  }
__scs_overlays_trampoline_lowered:
0x8: {  	[smem:$0x3FAA] =	sst s0  }
0x9: {  	[smem:$0x3FAB] =	sst s1  }
0xa: {  	[smem:$0x3FAC] =	sst s2  }
0xb: {  	[smem:$0x3FAD] =	sst s3  }
0xc: {  	[smem:$0x3FAE] =	sst s4  }
0xd: {  	[smem:$0x3FAF] =	sst s5  }
0xe: {  	[smem:$0x3FB0] =	sst s6  }
0xf: {  	[smem:$0x3FB1] =	sst s7  }
0x10: {  	[smem:$0x3FB2] =	sst s8  }
0x11: {  	[smem:$0x3FB3] =	sst s9;
	s0 =	simm.s32 @!p0 $0x0  }
0x12: {  	s1 =	sld [smem:$0x3F99];
	s0 =	simm.s32 @p0 $0x1  }
0x13: {  	[smem:$0x3FB4] =	sst s0;
	s0 =	simm.s32 @!p1 $0x0  }
0x14: {  	s2 =	sld [smem:$0x3F98];
	s0 =	simm.s32 @p1 $0x1  }
0x15: {  	[smem:$0x3FB5] =	sst s0;
	s0 =	simm.s32 @!p2 $0x0  }
0x16: {  	s3 =	sld [smem:$0x3FDB];
	s0 =	simm.s32 @p2 $0x1  }
0x17: {  	s4 =	simm.s32 $0x1BF5;
	[smem:$0x3FB7] =	sst s0  }
0x18: {  	s0 =	sld [smem:$0x3F9A];
	_ =	swait.ge [sflag:s4], $0x0  }
0x19: {  	s7 =	sld [smem:$0x3F9B]  }
0x1a: {  	s8 =	sadd.s32 $0xFFFFE003, lr  }
0x1b: {  	s9 =	sadd.s32 $0xFFFFFEF7, lr;
	s5 =	simm.s32 $0xFFFFFFFF;
	p2 =	slt.u32 s8, $0xFFFFF086  }
0x1c: {  	p1 =	slt.u32 s9, $0xF7A;
	s5 =	simm.s32 @!p2 $0x0  }
0x1d: {  	s5 =	simm.s32 @p1 $0x1;
	p0 =	seq.s32 s7, s2  }
0x1e: {  	s7 =	smul.u32 @!p0 $0xF7A, s2;
	p2 =	seq.s32 @!p0 s5, $0x0  }
0x1f: {  	s9 =	smul.u32 $0xF7A, s1;
	s8 =	simm.s32 @!p0 $0x1BF5;
	p2 =	por !p2, p0  }
0x20: {  	[sflag:s8] =	ssyncset.s32 @!p0 $0xFFFFF086;
	s6 =	sadd.s32 @!p0 s3, s7;
	s7 =	simm.s32 @!p0 $0x108  }
0x21: {  	s3 =	sadd.s32 s3, s9;
	s6 =	sadd.s32 @!p0 $0x88, s6;
	s7 =	simm.s32 @p2 $0x1082  }
0x22: {  	[simem:s7], [sflag:s8] =	dma.local @!p0 [hbm:s6], $0xF7A  }
0x23: {  	s9 =	sor.u32 $0xD0000000, s2;
	s6 =	simm.s32 $0x108;
	_ =	swait.ge @!p0 [sflag:s8], $0x0  }
0x24: {  	s3 =	sadd.s32 $0x88, s3;
	s6 =	simm.s32 @!p1 $0x1082;
	[sflag:s4] =	ssyncset.s32 $0xFFFFF086  }
0x25: {  	[simem:s6], [sflag:s4] =	dma.local [hbm:s3], $0xF7A  }
0x26: {  	[smem:$0x3F9B] =	sst s1;
	(tag) =	ssettag s2;
	_ =	strace s9  }
0x27: {  	s1 =	sld [smem:$0x3FAB]  }
0x28: {  	s2 =	sld [smem:$0x3FAC]  }
0x29: {  	s4 =	sld [smem:$0x3FAE]  }
0x2a: {  	p0 =	seq.s32 s5, $0x0;
	s5 =	sld [smem:$0x3FAF]  }
0x2b: {  	s6 =	sld [smem:$0x3FB0]  }
0x2c: {  	s7 =	sld [smem:$0x3FB1]  }
0x2d: {  	s3 =	simm.s32 $0x108;
	s8 =	sld [smem:$0x3FB2]  }
0x2e: {  	s3 =	simm.s32 @!p0 $0x1082;
	s9 =	sld [smem:$0x3FB3]  }
0x2f: {  	lr =	sadd.s32 s0, s3;
	s0 =	sld [smem:$0x3FAA]  }
0x30: {  	s3 =	sld [smem:$0x3FAD]  }
0x31: {  	[smem:$0x3FB6] =	sst s10  }
0x32: {  	s10 =	sld [smem:$0x3FB4];
	_ =	sdelay $0x3  }
0x33: {  	p0 =	seq.s32 s10, $0x1;
	s10 =	sld [smem:$0x3FB6];
	_ =	sdelay $0x3  }
0x34: {  	[smem:$0x3FB6] =	sst s10  }
0x35: {  	s10 =	sld [smem:$0x3FB5];
	_ =	sdelay $0x3  }
0x36: {  	p1 =	seq.s32 s10, $0x1;
	s10 =	sld [smem:$0x3FB6];
	_ =	sdelay $0x3  }
0x37: {  	[smem:$0x3FB6] =	sst s10  }
0x38: {  	s10 =	sld [smem:$0x3FB7]  }
0x39: {  	_ = 	snop;
	(pc) =	sbr.ind lr, $3  }
0x3a: {  	_ = 	snop  }
0x3b: {  	_ = 	snop  }
0x3c: {  	p2 =	seq.s32 s10, $0x1;
	s10 =	sld [smem:$0x3FB6]  }
0x3d: {  	_ =	shalt  }
0x3e: {  	_ =	shalt  }
0x3f: {  	_ =	shalt  }
0x40: {  	_ =	shalt  }
0x41: {  	_ =	shalt  }
0x42: {  	_ =	shalt  }
0x43: {  	_ =	shalt  }
0x44: {  	_ =	shalt  }
0x45: {  	_ =	shalt  }
0x46: {  	_ =	shalt  }
0x47: {  	_ =	shalt  }
0x48: {  	_ =	shalt  }
0x49: {  	_ =	shalt  }
0x4a: {  	_ =	shalt  }
0x4b: {  	_ =	shalt  }
0x4c: {  	_ =	shalt  }
0x4d: {  	_ =	shalt  }
0x4e: {  	_ =	shalt  }
0x4f: {  	_ =	shalt  }
0x50: {  	_ =	shalt  }
0x51: {  	_ =	shalt  }
0x52: {  	_ =	shalt  }
0x53: {  	_ =	shalt  }
0x54: {  	_ =	shalt  }
0x55: {  	_ =	shalt  }
0x56: {  	_ =	shalt  }
0x57: {  	_ =	shalt  }
0x58: {  	_ =	shalt  }
0x59: {  	_ =	shalt  }
0x5a: {  	_ =	shalt  }
0x5b: {  	_ =	shalt  }
0x5c: {  	_ =	shalt  }
0x5d: {  	_ =	shalt  }
0x5e: {  	_ =	shalt  }
0x5f: {  	_ =	shalt  }
0x60: {  	_ =	shalt  }
0x61: {  	_ =	shalt  }
0x62: {  	_ =	shalt  }
0x63: {  	_ =	shalt  }
0x64: {  	_ =	shalt  }
0x65: {  	_ =	shalt  }
0x66: {  	_ =	shalt  }
0x67: {  	_ =	shalt  }
0x68: {  	_ =	shalt  }
0x69: {  	_ =	shalt  }
0x6a: {  	_ =	shalt  }
0x6b: {  	_ =	shalt  }
0x6c: {  	_ =	shalt  }
0x6d: {  	_ =	shalt  }
0x6e: {  	_ =	shalt  }
0x6f: {  	_ =	shalt  }
0x70: {  	_ =	shalt  }
0x71: {  	_ =	shalt  }
0x72: {  	_ =	shalt  }
0x73: {  	_ =	shalt  }
0x74: {  	_ =	shalt  }
0x75: {  	_ =	shalt  }
0x76: {  	_ =	shalt  }
0x77: {  	_ =	shalt  }
0x78: {  	_ =	shalt  }
0x79: {  	_ =	shalt  }
0x7a: {  	_ =	shalt  }
0x7b: {  	_ =	shalt  }
0x7c: {  	_ =	shalt  }
0x7d: {  	_ =	shalt  }
0x7e: {  	_ =	shalt  }
0x7f: {  	_ =	shalt  }
0x80: {  	_ =	shalt  }
0x81: {  	_ =	shalt  }
0x82: {  	_ =	shalt  }
0x83: {  	_ =	shalt  }
0x84: {  	_ =	shalt  }
0x85: {  	_ =	shalt  }
0x86: {  	_ =	shalt  }
0x87: {  	_ =	shalt  }
.Lfunc_end0:
.L_simem_size_0:
called_computation.1_lowered:
.L_overlay_start_0:
0x88: {  	s2 =	sld [smem:$0x3FD9]  }
0x89: {  	s3 =	sld [smem:$0x3FFE];
	_ =	sdelay $0x1  }
0x8a: {  	s1 =	srdreg.scid  }
0x8b: {  	s0 =	sand.u32 $0x1, s1  }
0x8c: {  	s16 =	sshll.u32 s0, $0xA;
	s2 =	sadd.s32 s3, s2  }
0x8d: {  	s2 =	sadd.s32 s2, s16  }
0x8e: {  	[smem:$0x3FC2] =	sst s2  }
0x8f: {  	_ = 	snop  }
0x90: {  	(tm) =	ssettm $0x1  }
0x91: {  	s17 =	sld [smem:$0x3FFB];
	_ =	sdelay $0x3  }
0x92: {  	_ =	strace s17  }
0x93: {  	s2 =	sld [smem:$0x3FFC];
	_ =	sdelay $0x3  }
0x94: {  	_ =	strace s2  }
0x95: {  	s2 =	sld [smem:$0x3FFD];
	_ =	sdelay $0x3  }
0x96: {  	_ =	strace s2  }
0x97: {  	_ =	strace $0x8FFFFFFF  }
0x98: {  	s18 =	sld [smem:$0x3FDB];
	_ =	sdelay $0x1  }
0x99: {  	s19 =	simm.s32 $_scs_section_size  }
0x9a: {  	s4 =	simm.s32 $_size__tile_overlayer_lowered;
	s5 =	simm.s32 $_tile_overlayer_lowered  }
0x9b: {  	s22 =	simm.s32 $0x1BFF;
	s21 =	sshll.u32 s5, $0x1;
	s2 =	sadd.s32 s19, s18  }
0x9c: {  	s6 =	simm.s32 $0x0;
	s20 =	sshll.u32 s4, $0x1;
	s4 =	sadd.s32 s21, s2  }
0x9d: {  	[timem:s6], [sflag:s22] =	dma.local [hbm:s4], s20  }
0x9e: {  	_ =	swait.ge [sflag:s22], s20  }
0x9f: {  	s3 =	ssub.s32 $0x0, s20;
	[sflag:s22] =	ssyncset.done $0x0  }
0xa0: {  	[sflag:s22] =	ssyncadd.s32 s3;
	_ =	sdelay $0x1  }
0xa1: {  	s23 =	simm.s32 $0x1B8B  }
0xa2: {  	_ =	swait.ge [sflag:s23], $0x1  }
0xa3: {  	[sflag:s23] =	ssyncset.done $0x0  }
0xa4: {  	s25 =	simm.s32 $0x1B8E;
	s24 =	sld [smem:$0x3FFE];
	[sflag:s23] =	ssyncadd.s32 $0xFFFFFFFF  }
0xa5: {  	s26 =	simm.s32 $execute0_lowered;
	[smem:$0x3FD2] =	sst s25  }
0xa6: {  	s4 =	sshll.u32 s26, $0x1;
	_ =	strace $0x80000049;
	[dreg:$0x1] =	wrdreg $0xFFFFFFFF  }
0xa7: {  	s28 =	simm.s32 $_size_execute0_lowered;
	s2 =	sadd.s32 s2, s4;
	[dreg:$0x0] =	wrdreg $0x0  }
0xa8: {  	s4 =	sshll.u32 s28, $0x1;
	[dreg:$0x2] =	wrdreg s2  }
0xa9: {  	[dreg:$0x3] =	wrdreg s4  }
0xaa: {  	[dreg:$0x4] =	wrdreg $0xC0  }
0xab: {  	_ =	task [dreg:s6], $0x5FFFF  }
0xac: {  	[dreg:$0x1] =	wrdreg $0xFFFFFFFF  }
0xad: {  	[dreg:$0x0] =	wrdreg $0x60  }
0xae: {  	[dreg:$0x2] =	wrdreg s24  }
0xaf: {  	[dreg:$0x3] =	wrdreg $0x70800  }
0xb0: {  	[dreg:$0x4] =	wrdreg $0x9  }
0xb1: {  	_ =	task.clear_ibuf [dreg:s6], $0x5FFFF;
	_ =	strace $0x90000049  }
0xb2: {  	s29 =	simm.s32 $0x9;
	_ =	strace $0x8000004B  }
0xb3: {  	_ =	swait.ge [sflag:s29], $0x1  }
0xb4: {  	[sflag:s29] =	ssyncadd.s32 $0xFFFFFFFF  }
0xb5: {  	_ =	strace $0x9000004B  }
0xb6: {  	_ =	sfence  }
0xb7: {  	s30 =	sld [smem:$0x0];
	_ =	sdelay $0x2  }
0xb8: {  	s31 =	sshll.u32 s1, $0xD;
	s1 =	sshrl.u32 s1, $0x2  }
0xb9: {  	s3 =	sand.u32 $0x4000, s31;
	s1 =	sadd.s32 s1, s30  }
0xba: {  	s0 =	sor.u32 s3, s0;
	s1 =	sshll.u32 s1, $0x11  }
0xbb: {  	s0 =	sor.u32 s1, s0  }
0xbc: {  	s0 =	sadd.s32 $0x8F2B, s0  }
0xbd: {  	[sflag:s0] =	ssyncadd.remote.s32 $0x1  }
0xbe: {  	_ =	sfence.sel $0xFFFF  }
0xbf: {  	[dreg:$0x0] =	wrdreg $0xFFFFFFFF;
	(pc) =	sbr.abs _section_cstart, $3  }
0xc0: {  	[dreg:$0x1] =	wrdreg $0xFFFFFFFF  }
0xc1: {  	_ =	task.clear_ibuf [dreg:s6], $0x2FFFF;
	_ =	strace $0x9FFFFFFF  }
0xc2: {  	(tm) =	ssettm $0x7FFFFFFF  }
0xc3: {  	_ =	shalt  }
tec
execute0_lowered:
.L_overlay_start_1:
0x0: {  	(tag) =	ssettag $0x1  }
0x1: {  	s0 =	rddreg [dreg:$0x0]  }
0x2: {  	s1 =	rddreg [dreg:$0x1];
	s3 =	simm.s32 $0x0;
	s10 =	stileid.u32  }
0x3: {  	s6 =	srdreg.scid;
	s28 =	simm.s32 $0x320;
	s29 =	simm.s32 $0x6720  }
0x4: {  	[smem:$0x7FF] =	sst s3;
	s2 =	sadd.s32 $0x3C00, s0;
	s4 =	sadd.s32 $0x65800, s0  }
0x5: {  	s7 =	smul.u32 $0x61A80, s10;
	s5 =	sadd.s32 $0x97800, s0;
	s8 =	sadd.s32 $0xC9800, s0  }
0x6: {  	s6 =	sand.u32 $0x1, s6;
	s9 =	smul.u32 $0x186A0, s10;
	s0 =	sadd.s32 $0xFB800, s0  }
0x7: {  	s31 =	smul.u32 $0x30D4, s10;
	_ =	strace $0x8000004A;
	[dreg:$0x3] =	wrdreg s8  }
0x8: {  	s22 =	ssub.s32 $0x2, s6;
	[dreg:$0x4] =	wrdreg s0;
	p0 =	sne.s32 s6, $0x0  }
0x9: {  	s6 =	simm.s32 $0x3;
	s7 =	sshrl.u32 s7, $0x2;
	s23 =	sshrl.u32 s22, $0x1  }
0xa: {  	s8 =	sadd.s32 s9, s1;
	s14 =	sshrl.u32 s9, $0x3;
	s7 =	sadd.s32 s7, s1  }
0xb: {  	s0 =	ssub.s32 s22, s23;
	s17 =	sadd.s32 s2, s14;
	s2 =	sadd.s32 s31, s2  }
0xc: {  	s23 =	simm.s32 $0x1;
	s11 =	sadd.s32 $0x3200, s7;
	s24 =	sadd.s32 $0x6400, s7  }
0xd: {  	s25 =	sadd.s32 $0x9600, s7;
	s26 =	sadd.s32 $0xC800, s7;
	s30 =	sadd.s32 $0xFA00, s7  }
0xe: {  	s15 =	sadd.s32 $0x12C00, s7;
	s16 =	sadd.s32 $0x15E00, s7;
	[dreg:$0x5] =	wrdreg s11  }
.Ltmp0:
0xf: {  	s18 =	sadd.s32 $0x30D40, s17;
	[dreg:$0x6] =	wrdreg s24;
	(pc) =	sbr.rel .LBB2_1-.Ltmp0, $4  }
0x10: {  	s19 =	sadd.s32 $0x64, s17;
	s20 =	sadd.s32 $0x30DA4, s17;
	[dreg:$0x7] =	wrdreg s25  }
0x11: {  	s21 =	smax.u32 s0, $0x1;
	s22 =	sadd.s32 $0x30E08, s2;
	[dreg:$0x8] =	wrdreg s26  }
0x12: {  	s0 =	simm.s32 $0x4;
	s7 =	simm.s32 $0x0;
	[dreg:$0x9] =	wrdreg s30  }
0x13: {  	v0 =	vimm.f32 $0.0e+00;
	s24 =	simm.s32 $0x6400;
	s25 =	simm.s32 $0x5;
	s26 =	simm.s32 $0x6A40  }
.LBB2_9:
0x14: {  	s2 =	simm.s32 @p3 $0x4;
	[sflag:s10] =	ssyncadd.s32 @!p1 $0xFFFFCE00  }
0x15: {  	[spmem:s1] =	stream.indirect.scatter.add.f32 @!p1 [tilespmem:s11], [sflag:$0x4], $0x10, s12, s9, $0xb8;
	[tilespmem:$0x1F720] =	vst v63  }
0x16: {  	p1 =	por p3, p3;
	_ =	swait.ge @p3 [sflag:s2], $0x3200  }
0x17: {  	s9 =	simm.s32 @p1 $0x6720;
	s10 =	simm.s32 @p1 $0x5;
	[sflag:s2] =	ssyncset.done @p1 $0x0  }
0x18: {  	s11 =	sadd.s32 @p1 $0xFFFCF2C0, s30;
	[sflag:s2] =	ssyncadd.s32 @p1 $0xFFFFCE00;
	s2 =	simm.s32 @p1 $0x0  }
0x19: {  	[tilespmem:s9], [sflag:$0x5] =	stream.linear.gather @p1 [hbm4b:s11+s2], $0x320, $0x38;
	[tilespmem:$0x1F720] =	vst v63  }
0x1a: {  	_ =	swait.ge @p1 [sflag:s10], $0x320  }
0x1b: {  	[sflag:s10] =	ssyncset.done @p1 $0x0  }
0x1c: {  	s11 =	simm.s32 @p1 $0x6D60;
	[sflag:s10] =	ssyncadd.s32 @p1 $0xFFFFFCE0  }
0x1d: {  	[tilespmem:s11], [sflag:$0x5] =	stream.linear.gather @p1 [hbm4b:s30+s2], $0x320, $0x38;
	[tilespmem:$0x1F720] =	vst v63  }
0x1e: {  	_ =	swait.ge @p1 [sflag:s10], $0x320  }
0x1f: {  	s12 =	simm.s32 @p1 $0x3200;
	[sflag:s10] =	ssyncset.done @p1 $0x0  }
0x20: {  	s11 =	simm.s32 @p1 $0x1;
	[sflag:s10] =	ssyncadd.s32 @p1 $0xFFFFFCE0;
	s10 =	simm.s32 @p1 $0x320  }
0x21: {  	[tilespmem:s12], [sflag:$0x2] =	stream.indirect.gather @p1 [hbm4b:s5+s10], $0x10, s9, s10, $0xb8;
	[tilespmem:$0x1F720] =	vst v63  }
0x22: {  	_ =	swait.ge @p1 [sflag:s11], $0x3200  }
0x23: {  	[sflag:s11] =	ssyncset.done @p1 $0x0  }
0x24: {  	s9 =	simm.s32 @p1 $0x6A40;
	[sflag:s11] =	ssyncadd.s32 @p1 $0xFFFFCE00;
	s11 =	simm.s32 @!p1 $0x3  }
0x25: {  	[spmem:s1] =	stream.indirect.scatter.add.f32 @p1 [tilespmem:s2], [sflag:$0x3], $0x10, s9, s10, $0xb8;
	[tilespmem:$0x1F720] =	vst v63  }
0x26: {  	_ =	swait.ge @!p1 [sflag:s11], $0x3200  }
0x27: {  	s2 =	simm.s32 @!p1 $0x6400;
	s9 =	simm.s32 @!p1 $0x5;
	[sflag:s11] =	ssyncset.done @!p1 $0x0  }
0x28: {  	s10 =	sadd.s32 @!p1 $0xFFFCF2C0, s30;
	[sflag:s11] =	ssyncadd.s32 @!p1 $0xFFFFCE00;
	s11 =	simm.s32 @!p1 $0x0  }
0x29: {  	[tilespmem:s2], [sflag:$0x5] =	stream.linear.gather @!p1 [hbm4b:s10+s11], $0x320, $0x38;
	[tilespmem:$0x1F720] =	vst v63  }
0x2a: {  	_ =	swait.ge @!p1 [sflag:s9], $0x320  }
0x2b: {  	[sflag:s9] =	ssyncset.done @!p1 $0x0  }
0x2c: {  	s10 =	simm.s32 @!p1 $0x6A40;
	[sflag:s9] =	ssyncadd.s32 @!p1 $0xFFFFFCE0  }
0x2d: {  	[tilespmem:s10], [sflag:$0x5] =	stream.linear.gather @!p1 [hbm4b:s30+s11], $0x320, $0x38;
	[tilespmem:$0x1F720] =	vst v63  }
0x2e: {  	_ =	swait.ge @!p1 [sflag:s9], $0x320  }
0x2f: {  	[sflag:s9] =	ssyncset.done @!p1 $0x0  }
0x30: {  	s10 =	simm.s32 @!p1 $0x2;
	[sflag:s9] =	ssyncadd.s32 @!p1 $0xFFFFFCE0;
	s9 =	simm.s32 @!p1 $0x320  }
0x31: {  	[tilespmem:s11], [sflag:$0x1] =	stream.indirect.gather @!p1 [hbm4b:s5+s9], $0x10, s2, s9, $0xb8;
	[tilespmem:$0x1F720] =	vst v63  }
0x32: {  	_ =	swait.ge @!p1 [sflag:s10], $0x3200  }
0x33: {  	[sflag:s10] =	ssyncset.done @!p1 $0x0  }
0x34: {  	s2 =	simm.s32 @!p1 $0x3200;
	s11 =	simm.s32 @!p1 $0x6D60;
	[sflag:s10] =	ssyncadd.s32 @!p1 $0xFFFFCE00  }
0x35: {  	[spmem:s1] =	stream.indirect.scatter.add.f32 @!p1 [tilespmem:s2], [sflag:$0x4], $0x10, s11, s9, $0xb8;
	[tilespmem:$0x1F720] =	vst v63  }
0x36: {  	s2 =	rddreg [dreg:$0x4]  }
.LBB2_10:
0x37: {  	_ =	swait.ge [sflag:s0], $0x3200  }
0x38: {  	[sflag:s0] =	ssyncset.done $0x0  }
0x39: {  	[sflag:s0] =	ssyncadd.s32 $0xFFFFCE00  }
0x3a: {  	_ =	swait.ge [sflag:s23], $0x3200  }
0x3b: {  	[sflag:s23] =	ssyncset.done $0x0  }
0x3c: {  	[sflag:s23] =	ssyncadd.s32 $0xFFFFCE00  }
0x3d: {  	[spmem:s1] =	stream.indirect.scatter.add.f32 [tilespmem:s3], [sflag:$0x3], $0x10, s26, s28, $0xb8;
	[tilespmem:$0x1F720] =	vst v63  }
0x3e: {  	s2 =	sadd.s32 s2, s14;
	s9 =	stileid.u32;
	_ =	swait.ge [sflag:s6], $0x3200  }
0x3f: {  	s10 =	sshrl.u32 s8, $0x3;
	s7 =	sadd.s32 $0x1, s7;
	[sflag:s6] =	ssyncset.done $0x0  }
0x40: {  	s9 =	sshll.u32 s9, $0x6;
	p1 =	sne.s32 s7, s21;
	[sflag:s6] =	ssyncadd.s32 $0xFFFFCE00  }
.Ltmp1:
0x41: {  	s9 =	sor.u32 $0x1C05, s9;
	[bflag:$0x0] =	sbarrier.arrive $0xFFFF;
	(pc) =	sbr.rel @!p1 .LBB2_11-.Ltmp1, $4  }
0x42: {  	[hbm:s2], [sflag:s9] =	dma.local [spmem:s10], $0x30D4  }
0x43: {  	_ =	swait.ge [sflag:s25], $0x30D4  }
0x44: {  	[sflag:s25] =	ssyncset.done $0x0  }
0x45: {  	[sflag:s25] =	ssyncadd.s32 $0xFFFFCF2C  }
.LBB2_1:
0x46: {  	s2 =	simm.s32 $0x40;
	s9 =	simm.s32 $0x0  }
.LBB2_2:
0x47: {  	p1 =	sne.s32 s2, $0xC7C0;
	[tilespmem:s9+$0x0] =	vst v0;
	s9 =	smov.u32 s2;
	s2 =	sadd.s32 $0x40, s2  }
.Ltmp2:
0x48: {  	(pc) =	sbr.rel @p1 .LBB2_2-.Ltmp2, $2  }
0x49: {  	_ =	sdelay $0x2  }
0x4a: {  	s9 =	sshra.s32 s9, $0x2  }
0x4b: {  	[tilespmem:s9+$0x0] =	vst v0  }
0x4c: {  	[spmem:s8] =	stream.linear.scatter [tilespmem:s3], [sflag:$0x1], $0x3200, $0x38;
	[tilespmem:$0x1F720] =	vst v63  }
0x4d: {  	s2 =	rddreg [dreg:$0x5]  }
0x4e: {  	[spmem:s2] =	stream.linear.scatter [tilespmem:s3], [sflag:$0x1], $0x3200, $0x38;
	[tilespmem:$0x1F720] =	vst v63  }
0x4f: {  	s12 =	rddreg [dreg:$0x6]  }
0x50: {  	[spmem:s12] =	stream.linear.scatter [tilespmem:s3], [sflag:$0x1], $0x3200, $0x38;
	[tilespmem:$0x1F720] =	vst v63  }
0x51: {  	s13 =	rddreg [dreg:$0x7]  }
0x52: {  	[spmem:s13] =	stream.linear.scatter [tilespmem:s3], [sflag:$0x1], $0x3200, $0x38;
	[tilespmem:$0x1F720] =	vst v63  }
0x53: {  	s30 =	rddreg [dreg:$0x8]  }
0x54: {  	[spmem:s30] =	stream.linear.scatter [tilespmem:s3], [sflag:$0x1], $0x3200, $0x38;
	[tilespmem:$0x1F720] =	vst v63  }
0x55: {  	s31 =	rddreg [dreg:$0x9]  }
0x56: {  	[spmem:s31] =	stream.linear.scatter [tilespmem:s3], [sflag:$0x1], $0x3200, $0x38;
	[tilespmem:$0x1F720] =	vst v63  }
0x57: {  	_ = 	snop  }
0x58: {  	[spmem:s15] =	stream.linear.scatter [tilespmem:s3], [sflag:$0x1], $0x3200, $0x38;
	[tilespmem:$0x1F720] =	vst v63  }
0x59: {  	_ = 	snop  }
0x5a: {  	[spmem:s16] =	stream.linear.scatter [tilespmem:s3], [sflag:$0x1], $0x28A0, $0x38;
	[tilespmem:$0x1F720] =	vst v63  }
0x5b: {  	_ =	swait.ge [sflag:s23], $0x3200  }
0x5c: {  	[sflag:s23] =	ssyncset.done $0x0  }
0x5d: {  	[sflag:s23] =	ssyncadd.s32 $0xFFFFCE00  }
0x5e: {  	_ =	swait.ge [sflag:s23], $0x3200  }
0x5f: {  	[sflag:s23] =	ssyncset.done $0x0  }
0x60: {  	[sflag:s23] =	ssyncadd.s32 $0xFFFFCE00  }
0x61: {  	_ =	swait.ge [sflag:s23], $0x3200  }
0x62: {  	[sflag:s23] =	ssyncset.done $0x0  }
0x63: {  	[sflag:s23] =	ssyncadd.s32 $0xFFFFCE00  }
0x64: {  	_ =	swait.ge [sflag:s23], $0x3200  }
0x65: {  	[sflag:s23] =	ssyncset.done $0x0  }
0x66: {  	[sflag:s23] =	ssyncadd.s32 $0xFFFFCE00  }
0x67: {  	_ =	swait.ge [sflag:s23], $0x3200  }
0x68: {  	[sflag:s23] =	ssyncset.done $0x0  }
0x69: {  	[sflag:s23] =	ssyncadd.s32 $0xFFFFCE00  }
0x6a: {  	_ =	swait.ge [sflag:s23], $0x3200  }
0x6b: {  	[sflag:s23] =	ssyncset.done $0x0  }
0x6c: {  	[sflag:s23] =	ssyncadd.s32 $0xFFFFCE00  }
0x6d: {  	_ =	swait.ge [sflag:s23], $0x3200  }
0x6e: {  	[sflag:s23] =	ssyncset.done $0x0  }
0x6f: {  	[sflag:s23] =	ssyncadd.s32 $0xFFFFCE00  }
0x70: {  	_ =	swait.ge [sflag:s23], $0x28A0  }
0x71: {  	[sflag:s23] =	ssyncset.done $0x0  }
0x72: {  	[sflag:s23] =	ssyncadd.s32 $0xFFFFD760  }
0x73: {  	[bflag:$0x0] =	sbarrier.arrive $0xFFFF  }
0x74: {  	[tilespmem:s24], [sflag:$0x5] =	stream.linear.gather [hbm4b:s17+s3], $0x320, $0x38;
	[tilespmem:$0x1F720] =	vst v63  }
0x75: {  	_ =	swait.ge [sflag:s25], $0x320  }
0x76: {  	[sflag:s25] =	ssyncset.done $0x0  }
.Ltmp3:
0x77: {  	[sflag:s25] =	ssyncadd.s32 $0xFFFFFCE0;
	(pc) =	sbr.rel @p0 .LBB2_7-.Ltmp3, $4  }
0x78: {  	[tilespmem:s26], [sflag:$0x5] =	stream.linear.gather [hbm4b:s18+s3], $0x320, $0x38;
	[tilespmem:$0x1F720] =	vst v63  }
0x79: {  	_ =	swait.ge [sflag:s25], $0x320  }
0x7a: {  	[sflag:s25] =	ssyncset.done $0x0  }
0x7b: {  	[sflag:s25] =	ssyncadd.s32 $0xFFFFFCE0  }
0x7c: {  	[tilespmem:s3], [sflag:$0x1] =	stream.indirect.gather [hbm4b:s4+s28], $0x10, s24, s28, $0xb8;
	[tilespmem:$0x1F720] =	vst v63  }
0x7d: {  	_ = 	snop  }
0x7e: {  	[tilespmem:s29], [sflag:$0x5] =	stream.linear.gather [hbm4b:s19+s3], $0x320, $0x38;
	[tilespmem:$0x1F720] =	vst v63  }
0x7f: {  	_ =	swait.ge [sflag:s25], $0x320  }
0x80: {  	[sflag:s25] =	ssyncset.done $0x0  }
0x81: {  	s2 =	simm.s32 $0x6D60;
	[sflag:s25] =	ssyncadd.s32 $0xFFFFFCE0  }
0x82: {  	[tilespmem:s2], [sflag:$0x5] =	stream.linear.gather [hbm4b:s20+s3], $0x320, $0x38;
	[tilespmem:$0x1F720] =	vst v63  }
0x83: {  	_ =	swait.ge [sflag:s25], $0x320  }
0x84: {  	[sflag:s25] =	ssyncset.done $0x0  }
0x85: {  	s11 =	simm.s32 $0x3200;
	s12 =	simm.s32 $0x2;
	[sflag:s25] =	ssyncadd.s32 $0xFFFFFCE0  }
0x86: {  	[tilespmem:s11], [sflag:$0x2] =	stream.indirect.gather [hbm4b:s4+s28], $0x10, s29, s28, $0xb8;
	[tilespmem:$0x1F720] =	vst v63  }
0x87: {  	s2 =	sand.u32 $0x1, s12;
	_ =	swait.ge [sflag:s23], $0x3200  }
0x88: {  	p1 =	seq.s32 s2, $0x1;
	[sflag:s23] =	ssyncset.done $0x0  }
0x89: {  	s2 =	simm.s32 @p1 $0x4;
	[sflag:s23] =	ssyncadd.s32 $0xFFFFCE00  }
0x8a: {  	[spmem:s1] =	stream.indirect.scatter.add.f32 [tilespmem:s3], [sflag:$0x3], $0x10, s26, s28, $0xb8;
	[tilespmem:$0x1F720] =	vst v63  }
0x8b: {  	_ =	swait.ge @p1 [sflag:s2], $0x3200;
	p1 =	por p1, p1  }
0x8c: {  	[sflag:s2] =	ssyncset.done @p1 $0x0;
	s9 =	simm.s32 @p1 $0x6720;
	s10 =	simm.s32 @p1 $0x5  }
0x8d: {  	s11 =	sadd.s32 @p1 $0xFFFCF2C0, s22;
	[sflag:s2] =	ssyncadd.s32 @p1 $0xFFFFCE00;
	s2 =	simm.s32 @p1 $0x0  }
0x8e: {  	[tilespmem:s9], [sflag:$0x5] =	stream.linear.gather @p1 [hbm4b:s11+s2], $0x320, $0x38;
	[tilespmem:$0x1F720] =	vst v63  }
0x8f: {  	_ =	swait.ge @p1 [sflag:s10], $0x320  }
0x90: {  	[sflag:s10] =	ssyncset.done @p1 $0x0  }
0x91: {  	s11 =	simm.s32 @p1 $0x6D60;
	[sflag:s10] =	ssyncadd.s32 @p1 $0xFFFFFCE0  }
0x92: {  	[tilespmem:s11], [sflag:$0x5] =	stream.linear.gather @p1 [hbm4b:s22+s2], $0x320, $0x38;
	[tilespmem:$0x1F720] =	vst v63  }
0x93: {  	_ =	swait.ge @p1 [sflag:s10], $0x320  }
0x94: {  	s12 =	simm.s32 @p1 $0x3200;
	[sflag:s10] =	ssyncset.done @p1 $0x0  }
0x95: {  	s11 =	simm.s32 @p1 $0x1;
	[sflag:s10] =	ssyncadd.s32 @p1 $0xFFFFFCE0;
	s10 =	simm.s32 @p1 $0x320  }
0x96: {  	[tilespmem:s12], [sflag:$0x2] =	stream.indirect.gather @p1 [hbm4b:s4+s10], $0x10, s9, s10, $0xb8;
	[tilespmem:$0x1F720] =	vst v63  }
0x97: {  	_ =	swait.ge @p1 [sflag:s11], $0x3200  }
0x98: {  	[sflag:s11] =	ssyncset.done @p1 $0x0  }
0x99: {  	s9 =	simm.s32 @p1 $0x6A40;
	[sflag:s11] =	ssyncadd.s32 @p1 $0xFFFFCE00;
	s11 =	simm.s32 @!p1 $0x3  }
0x9a: {  	[spmem:s1] =	stream.indirect.scatter.add.f32 @p1 [tilespmem:s2], [sflag:$0x3], $0x10, s9, s10, $0xb8;
	[tilespmem:$0x1F720] =	vst v63  }
0x9b: {  	_ =	swait.ge @!p1 [sflag:s11], $0x3200  }
0x9c: {  	s2 =	simm.s32 @!p1 $0x6400;
	s9 =	simm.s32 @!p1 $0x5;
	[sflag:s11] =	ssyncset.done @!p1 $0x0  }
0x9d: {  	s10 =	sadd.s32 @!p1 $0xFFFCF2C0, s22;
	[sflag:s11] =	ssyncadd.s32 @!p1 $0xFFFFCE00;
	s11 =	simm.s32 @!p1 $0x0  }
0x9e: {  	[tilespmem:s2], [sflag:$0x5] =	stream.linear.gather @!p1 [hbm4b:s10+s11], $0x320, $0x38;
	[tilespmem:$0x1F720] =	vst v63  }
0x9f: {  	_ =	swait.ge @!p1 [sflag:s9], $0x320  }
0xa0: {  	[sflag:s9] =	ssyncset.done @!p1 $0x0  }
0xa1: {  	s10 =	simm.s32 @!p1 $0x6A40;
	[sflag:s9] =	ssyncadd.s32 @!p1 $0xFFFFFCE0  }
0xa2: {  	[tilespmem:s10], [sflag:$0x5] =	stream.linear.gather @!p1 [hbm4b:s22+s11], $0x320, $0x38;
	[tilespmem:$0x1F720] =	vst v63  }
0xa3: {  	s13 =	simm.s32 $0x3;
	_ =	swait.ge @!p1 [sflag:s9], $0x320  }
0xa4: {  	s31 =	simm.s32 $0x4;
	s13 =	sand.u32 $0x1, s13;
	[sflag:s9] =	ssyncset.done @!p1 $0x0  }
0xa5: {  	s10 =	simm.s32 @!p1 $0x2;
	[sflag:s9] =	ssyncadd.s32 @!p1 $0xFFFFFCE0;
	s9 =	simm.s32 @!p1 $0x320  }
0xa6: {  	[tilespmem:s11], [sflag:$0x1] =	stream.indirect.gather @!p1 [hbm4b:s4+s9], $0x10, s2, s9, $0xb8;
	[tilespmem:$0x1F720] =	vst v63  }
0xa7: {  	s30 =	sadd.s32 $0x64, s22;
	p3 =	seq.s32 s13, $0x1;
	_ =	swait.ge @!p1 [sflag:s10], $0x3200  }
0xa8: {  	s12 =	simm.s32 @!p1 $0x6D60;
	s11 =	simm.s32 @!p1 $0x3200;
	[sflag:s10] =	ssyncset.done @!p1 $0x0  }
.LBB2_5:
0xa9: {  	s13 =	simm.s32 @p3 $0x4  }
0xaa: {  	[sflag:s10] =	ssyncadd.s32 @!p1 $0xFFFFCE00;
	s2 =	smov.u32 s31;
	s31 =	sadd.s32 $0x1, s31  }
0xab: {  	[spmem:s1] =	stream.indirect.scatter.add.f32 @!p1 [tilespmem:s11], [sflag:$0x4], $0x10, s12, s9, $0xb8;
	[tilespmem:$0x1F720] =	vst v63  }
0xac: {  	p2 =	seq.s32 s31, $0x7D;
	p1 =	por p3, p3;
	_ =	swait.ge @p3 [sflag:s13], $0x3200  }
0xad: {  	s9 =	simm.s32 @p1 $0x6720;
	s10 =	simm.s32 @p1 $0x5;
	[sflag:s13] =	ssyncset.done @p1 $0x0  }
0xae: {  	s11 =	sadd.s32 @p1 $0xFFFCF2C0, s30;
	s12 =	simm.s32 @p1 $0x0;
	[sflag:s13] =	ssyncadd.s32 @p1 $0xFFFFCE00  }
0xaf: {  	[tilespmem:s9], [sflag:$0x5] =	stream.linear.gather @p1 [hbm4b:s11+s12], $0x320, $0x38;
	[tilespmem:$0x1F720] =	vst v63  }
0xb0: {  	_ =	swait.ge @p1 [sflag:s10], $0x320  }
0xb1: {  	[sflag:s10] =	ssyncset.done @p1 $0x0  }
0xb2: {  	s11 =	simm.s32 @p1 $0x6D60;
	[sflag:s10] =	ssyncadd.s32 @p1 $0xFFFFFCE0  }
0xb3: {  	[tilespmem:s11], [sflag:$0x5] =	stream.linear.gather @p1 [hbm4b:s30+s12], $0x320, $0x38;
	[tilespmem:$0x1F720] =	vst v63  }
0xb4: {  	_ =	swait.ge @p1 [sflag:s10], $0x320  }
0xb5: {  	s11 =	simm.s32 @p1 $0x1;
	[sflag:s10] =	ssyncset.done @p1 $0x0  }
0xb6: {  	s13 =	simm.s32 @p1 $0x3200;
	[sflag:s10] =	ssyncadd.s32 @p1 $0xFFFFFCE0;
	s10 =	simm.s32 @p1 $0x320  }
0xb7: {  	[tilespmem:s13], [sflag:$0x2] =	stream.indirect.gather @p1 [hbm4b:s4+s10], $0x10, s9, s10, $0xb8;
	[tilespmem:$0x1F720] =	vst v63  }
0xb8: {  	_ =	swait.ge @p1 [sflag:s11], $0x3200  }
0xb9: {  	[sflag:s11] =	ssyncset.done @p1 $0x0  }
0xba: {  	s9 =	simm.s32 @p1 $0x6A40;
	[sflag:s11] =	ssyncadd.s32 @p1 $0xFFFFCE00;
	s11 =	simm.s32 @!p1 $0x3  }
0xbb: {  	[spmem:s1] =	stream.indirect.scatter.add.f32 @p1 [tilespmem:s12], [sflag:$0x3], $0x10, s9, s10, $0xb8;
	[tilespmem:$0x1F720] =	vst v63  }
0xbc: {  	_ =	swait.ge @!p1 [sflag:s11], $0x3200  }
0xbd: {  	s12 =	simm.s32 @!p1 $0x6400;
	s9 =	simm.s32 @!p1 $0x5;
	[sflag:s11] =	ssyncset.done @!p1 $0x0  }
0xbe: {  	s10 =	sadd.s32 @!p1 $0xFFFCF2C0, s30;
	[sflag:s11] =	ssyncadd.s32 @!p1 $0xFFFFCE00;
	s11 =	simm.s32 @!p1 $0x0  }
0xbf: {  	[tilespmem:s12], [sflag:$0x5] =	stream.linear.gather @!p1 [hbm4b:s10+s11], $0x320, $0x38;
	[tilespmem:$0x1F720] =	vst v63  }
0xc0: {  	_ =	swait.ge @!p1 [sflag:s9], $0x320  }
0xc1: {  	[sflag:s9] =	ssyncset.done @!p1 $0x0  }
0xc2: {  	s10 =	simm.s32 @!p1 $0x6A40;
	[sflag:s9] =	ssyncadd.s32 @!p1 $0xFFFFFCE0  }
0xc3: {  	[tilespmem:s10], [sflag:$0x5] =	stream.linear.gather @!p1 [hbm4b:s30+s11], $0x320, $0x38;
	[tilespmem:$0x1F720] =	vst v63  }
0xc4: {  	_ =	swait.ge @!p1 [sflag:s9], $0x320  }
.Ltmp4:
0xc5: {  	s30 =	sadd.s32 $0x64, s30;
	[sflag:s9] =	ssyncset.done @!p1 $0x0;
	(pc) =	sbr.rel @!p2 .LBB2_5-.Ltmp4, $4  }
0xc6: {  	s10 =	simm.s32 @!p1 $0x2;
	[sflag:s9] =	ssyncadd.s32 @!p1 $0xFFFFFCE0;
	s9 =	simm.s32 @!p1 $0x320  }
0xc7: {  	[tilespmem:s11], [sflag:$0x1] =	stream.indirect.gather @!p1 [hbm4b:s4+s9], $0x10, s12, s9, $0xb8;
	[tilespmem:$0x1F720] =	vst v63  }
0xc8: {  	s2 =	sand.u32 $0x1, s2;
	s11 =	simm.s32 @!p1 $0x3200;
	_ =	swait.ge @!p1 [sflag:s10], $0x3200  }
0xc9: {  	p3 =	seq.s32 s2, $0x1;
	s12 =	simm.s32 @!p1 $0x6D60;
	[sflag:s10] =	ssyncset.done @!p1 $0x0  }
0xca: {  	s2 =	simm.s32 @p3 $0x4;
	[sflag:s10] =	ssyncadd.s32 @!p1 $0xFFFFCE00  }
0xcb: {  	[spmem:s1] =	stream.indirect.scatter.add.f32 @!p1 [tilespmem:s11], [sflag:$0x4], $0x10, s12, s9, $0xb8;
	[tilespmem:$0x1F720] =	vst v63  }
0xcc: {  	p1 =	por p3, p3;
	_ =	swait.ge @p3 [sflag:s2], $0x3200  }
0xcd: {  	s9 =	simm.s32 @p1 $0x6720;
	s10 =	simm.s32 @p1 $0x5;
	[sflag:s2] =	ssyncset.done @p1 $0x0  }
0xce: {  	s11 =	sadd.s32 @p1 $0xFFFCF2C0, s30;
	[sflag:s2] =	ssyncadd.s32 @p1 $0xFFFFCE00;
	s2 =	simm.s32 @p1 $0x0  }
0xcf: {  	[tilespmem:s9], [sflag:$0x5] =	stream.linear.gather @p1 [hbm4b:s11+s2], $0x320, $0x38;
	[tilespmem:$0x1F720] =	vst v63  }
0xd0: {  	_ =	swait.ge @p1 [sflag:s10], $0x320  }
0xd1: {  	[sflag:s10] =	ssyncset.done @p1 $0x0  }
0xd2: {  	s11 =	simm.s32 @p1 $0x6D60;
	[sflag:s10] =	ssyncadd.s32 @p1 $0xFFFFFCE0  }
0xd3: {  	[tilespmem:s11], [sflag:$0x5] =	stream.linear.gather @p1 [hbm4b:s30+s2], $0x320, $0x38;
	[tilespmem:$0x1F720] =	vst v63  }
0xd4: {  	_ =	swait.ge @p1 [sflag:s10], $0x320  }
0xd5: {  	s12 =	simm.s32 @p1 $0x3200;
	[sflag:s10] =	ssyncset.done @p1 $0x0  }
0xd6: {  	s11 =	simm.s32 @p1 $0x1;
	[sflag:s10] =	ssyncadd.s32 @p1 $0xFFFFFCE0;
	s10 =	simm.s32 @p1 $0x320  }
0xd7: {  	[tilespmem:s12], [sflag:$0x2] =	stream.indirect.gather @p1 [hbm4b:s4+s10], $0x10, s9, s10, $0xb8;
	[tilespmem:$0x1F720] =	vst v63  }
0xd8: {  	_ =	swait.ge @p1 [sflag:s11], $0x3200  }
0xd9: {  	[sflag:s11] =	ssyncset.done @p1 $0x0  }
0xda: {  	s9 =	simm.s32 @p1 $0x6A40;
	[sflag:s11] =	ssyncadd.s32 @p1 $0xFFFFCE00;
	s11 =	simm.s32 @!p1 $0x3  }
0xdb: {  	[spmem:s1] =	stream.indirect.scatter.add.f32 @p1 [tilespmem:s2], [sflag:$0x3], $0x10, s9, s10, $0xb8;
	[tilespmem:$0x1F720] =	vst v63  }
0xdc: {  	_ =	swait.ge @!p1 [sflag:s11], $0x3200  }
0xdd: {  	s2 =	simm.s32 @!p1 $0x6400;
	s9 =	simm.s32 @!p1 $0x5;
	[sflag:s11] =	ssyncset.done @!p1 $0x0  }
0xde: {  	s10 =	sadd.s32 @!p1 $0xFFFCF2C0, s30;
	[sflag:s11] =	ssyncadd.s32 @!p1 $0xFFFFCE00;
	s11 =	simm.s32 @!p1 $0x0  }
0xdf: {  	[tilespmem:s2], [sflag:$0x5] =	stream.linear.gather @!p1 [hbm4b:s10+s11], $0x320, $0x38;
	[tilespmem:$0x1F720] =	vst v63  }
0xe0: {  	_ =	swait.ge @!p1 [sflag:s9], $0x320  }
0xe1: {  	[sflag:s9] =	ssyncset.done @!p1 $0x0  }
0xe2: {  	s10 =	simm.s32 @!p1 $0x6A40;
	[sflag:s9] =	ssyncadd.s32 @!p1 $0xFFFFFCE0  }
0xe3: {  	[tilespmem:s10], [sflag:$0x5] =	stream.linear.gather @!p1 [hbm4b:s30+s11], $0x320, $0x38;
	[tilespmem:$0x1F720] =	vst v63  }
0xe4: {  	_ =	swait.ge @!p1 [sflag:s9], $0x320  }
0xe5: {  	[sflag:s9] =	ssyncset.done @!p1 $0x0  }
0xe6: {  	s10 =	simm.s32 @!p1 $0x2;
	[sflag:s9] =	ssyncadd.s32 @!p1 $0xFFFFFCE0;
	s9 =	simm.s32 @!p1 $0x320  }
0xe7: {  	[tilespmem:s11], [sflag:$0x1] =	stream.indirect.gather @!p1 [hbm4b:s4+s9], $0x10, s2, s9, $0xb8;
	[tilespmem:$0x1F720] =	vst v63  }
.Ltmp5:
0xe8: {  	_ =	swait.ge @!p1 [sflag:s10], $0x3200;
	(pc) =	sbr.rel .LBB2_10-.Ltmp5, $4  }
0xe9: {  	[sflag:s10] =	ssyncset.done @!p1 $0x0  }
0xea: {  	s2 =	simm.s32 @!p1 $0x3200;
	s11 =	simm.s32 @!p1 $0x6D60;
	[sflag:s10] =	ssyncadd.s32 @!p1 $0xFFFFCE00  }
0xeb: {  	[spmem:s1] =	stream.indirect.scatter.add.f32 @!p1 [tilespmem:s2], [sflag:$0x4], $0x10, s11, s9, $0xb8;
	[tilespmem:$0x1F720] =	vst v63  }
0xec: {  	s2 =	rddreg [dreg:$0x3]  }
.LBB2_7:
0xed: {  	[tilespmem:s3], [sflag:$0x1] =	stream.indirect.gather [hbm4b:s5+s28], $0x10, s24, s28, $0xb8;
	[tilespmem:$0x1F720] =	vst v63  }
0xee: {  	_ = 	snop  }
0xef: {  	[tilespmem:s29], [sflag:$0x5] =	stream.linear.gather [hbm4b:s19+s3], $0x320, $0x38;
	[tilespmem:$0x1F720] =	vst v63  }
0xf0: {  	_ =	swait.ge [sflag:s25], $0x320  }
0xf1: {  	[sflag:s25] =	ssyncset.done $0x0  }
0xf2: {  	s2 =	simm.s32 $0x6D60;
	[sflag:s25] =	ssyncadd.s32 $0xFFFFFCE0  }
0xf3: {  	[tilespmem:s2], [sflag:$0x5] =	stream.linear.gather [hbm4b:s20+s3], $0x320, $0x38;
	[tilespmem:$0x1F720] =	vst v63  }
0xf4: {  	_ =	swait.ge [sflag:s25], $0x320  }
0xf5: {  	[sflag:s25] =	ssyncset.done $0x0  }
0xf6: {  	s11 =	simm.s32 $0x3200;
	s12 =	simm.s32 $0x2;
	[sflag:s25] =	ssyncadd.s32 $0xFFFFFCE0  }
0xf7: {  	[tilespmem:s11], [sflag:$0x2] =	stream.indirect.gather [hbm4b:s5+s28], $0x10, s29, s28, $0xb8;
	[tilespmem:$0x1F720] =	vst v63  }
0xf8: {  	s2 =	sand.u32 $0x1, s12;
	_ =	swait.ge [sflag:s23], $0x3200  }
0xf9: {  	p1 =	seq.s32 s2, $0x1;
	[sflag:s23] =	ssyncset.done $0x0  }
0xfa: {  	s2 =	simm.s32 @p1 $0x4;
	[sflag:s23] =	ssyncadd.s32 $0xFFFFCE00  }
0xfb: {  	[spmem:s1] =	stream.indirect.scatter.add.f32 [tilespmem:s3], [sflag:$0x3], $0x10, s26, s28, $0xb8;
	[tilespmem:$0x1F720] =	vst v63  }
0xfc: {  	_ =	swait.ge @p1 [sflag:s2], $0x3200;
	p1 =	por p1, p1  }
0xfd: {  	[sflag:s2] =	ssyncset.done @p1 $0x0;
	s9 =	simm.s32 @p1 $0x6720;
	s10 =	simm.s32 @p1 $0x5  }
0xfe: {  	s11 =	sadd.s32 @p1 $0xFFFCF2C0, s22;
	[sflag:s2] =	ssyncadd.s32 @p1 $0xFFFFCE00;
	s2 =	simm.s32 @p1 $0x0  }
0xff: {  	[tilespmem:s9], [sflag:$0x5] =	stream.linear.gather @p1 [hbm4b:s11+s2], $0x320, $0x38;
	[tilespmem:$0x1F720] =	vst v63  }
0x100: {  	_ =	swait.ge @p1 [sflag:s10], $0x320  }
0x101: {  	[sflag:s10] =	ssyncset.done @p1 $0x0  }
0x102: {  	s11 =	simm.s32 @p1 $0x6D60;
	[sflag:s10] =	ssyncadd.s32 @p1 $0xFFFFFCE0  }
0x103: {  	[tilespmem:s11], [sflag:$0x5] =	stream.linear.gather @p1 [hbm4b:s22+s2], $0x320, $0x38;
	[tilespmem:$0x1F720] =	vst v63  }
0x104: {  	_ =	swait.ge @p1 [sflag:s10], $0x320  }
0x105: {  	s12 =	simm.s32 @p1 $0x3200;
	[sflag:s10] =	ssyncset.done @p1 $0x0  }
0x106: {  	s11 =	simm.s32 @p1 $0x1;
	[sflag:s10] =	ssyncadd.s32 @p1 $0xFFFFFCE0;
	s10 =	simm.s32 @p1 $0x320  }
0x107: {  	[tilespmem:s12], [sflag:$0x2] =	stream.indirect.gather @p1 [hbm4b:s5+s10], $0x10, s9, s10, $0xb8;
	[tilespmem:$0x1F720] =	vst v63  }
0x108: {  	_ =	swait.ge @p1 [sflag:s11], $0x3200  }
0x109: {  	[sflag:s11] =	ssyncset.done @p1 $0x0  }
0x10a: {  	s9 =	simm.s32 @p1 $0x6A40;
	[sflag:s11] =	ssyncadd.s32 @p1 $0xFFFFCE00;
	s11 =	simm.s32 @!p1 $0x3  }
0x10b: {  	[spmem:s1] =	stream.indirect.scatter.add.f32 @p1 [tilespmem:s2], [sflag:$0x3], $0x10, s9, s10, $0xb8;
	[tilespmem:$0x1F720] =	vst v63  }
0x10c: {  	_ =	swait.ge @!p1 [sflag:s11], $0x3200  }
0x10d: {  	s2 =	simm.s32 @!p1 $0x6400;
	s9 =	simm.s32 @!p1 $0x5;
	[sflag:s11] =	ssyncset.done @!p1 $0x0  }
0x10e: {  	s10 =	sadd.s32 @!p1 $0xFFFCF2C0, s22;
	[sflag:s11] =	ssyncadd.s32 @!p1 $0xFFFFCE00;
	s11 =	simm.s32 @!p1 $0x0  }
0x10f: {  	[tilespmem:s2], [sflag:$0x5] =	stream.linear.gather @!p1 [hbm4b:s10+s11], $0x320, $0x38;
	[tilespmem:$0x1F720] =	vst v63  }
0x110: {  	_ =	swait.ge @!p1 [sflag:s9], $0x320  }
0x111: {  	[sflag:s9] =	ssyncset.done @!p1 $0x0  }
0x112: {  	s10 =	simm.s32 @!p1 $0x6A40;
	[sflag:s9] =	ssyncadd.s32 @!p1 $0xFFFFFCE0  }
0x113: {  	[tilespmem:s10], [sflag:$0x5] =	stream.linear.gather @!p1 [hbm4b:s22+s11], $0x320, $0x38;
	[tilespmem:$0x1F720] =	vst v63  }
0x114: {  	s13 =	simm.s32 $0x3;
	_ =	swait.ge @!p1 [sflag:s9], $0x320  }
0x115: {  	s31 =	simm.s32 $0x4;
	s13 =	sand.u32 $0x1, s13;
	[sflag:s9] =	ssyncset.done @!p1 $0x0  }
0x116: {  	s10 =	simm.s32 @!p1 $0x2;
	[sflag:s9] =	ssyncadd.s32 @!p1 $0xFFFFFCE0;
	s9 =	simm.s32 @!p1 $0x320  }
0x117: {  	[tilespmem:s11], [sflag:$0x1] =	stream.indirect.gather @!p1 [hbm4b:s5+s9], $0x10, s2, s9, $0xb8;
	[tilespmem:$0x1F720] =	vst v63  }
0x118: {  	s30 =	sadd.s32 $0x64, s22;
	p3 =	seq.s32 s13, $0x1;
	_ =	swait.ge @!p1 [sflag:s10], $0x3200  }
0x119: {  	s12 =	simm.s32 @!p1 $0x6D60;
	s11 =	simm.s32 @!p1 $0x3200;
	[sflag:s10] =	ssyncset.done @!p1 $0x0  }
.LBB2_8:
0x11a: {  	s13 =	simm.s32 @p3 $0x4  }
0x11b: {  	[sflag:s10] =	ssyncadd.s32 @!p1 $0xFFFFCE00;
	s2 =	smov.u32 s31;
	s31 =	sadd.s32 $0x1, s31  }
0x11c: {  	[spmem:s1] =	stream.indirect.scatter.add.f32 @!p1 [tilespmem:s11], [sflag:$0x4], $0x10, s12, s9, $0xb8;
	[tilespmem:$0x1F720] =	vst v63  }
0x11d: {  	p2 =	sne.s32 s31, $0x7D;
	p1 =	por p3, p3;
	_ =	swait.ge @p3 [sflag:s13], $0x3200  }
0x11e: {  	s9 =	simm.s32 @p1 $0x6720;
	s10 =	simm.s32 @p1 $0x5;
	[sflag:s13] =	ssyncset.done @p1 $0x0  }
0x11f: {  	s11 =	sadd.s32 @p1 $0xFFFCF2C0, s30;
	s12 =	simm.s32 @p1 $0x0;
	[sflag:s13] =	ssyncadd.s32 @p1 $0xFFFFCE00  }
0x120: {  	[tilespmem:s9], [sflag:$0x5] =	stream.linear.gather @p1 [hbm4b:s11+s12], $0x320, $0x38;
	[tilespmem:$0x1F720] =	vst v63  }
0x121: {  	_ =	swait.ge @p1 [sflag:s10], $0x320  }
0x122: {  	[sflag:s10] =	ssyncset.done @p1 $0x0  }
0x123: {  	s11 =	simm.s32 @p1 $0x6D60;
	[sflag:s10] =	ssyncadd.s32 @p1 $0xFFFFFCE0  }
0x124: {  	[tilespmem:s11], [sflag:$0x5] =	stream.linear.gather @p1 [hbm4b:s30+s12], $0x320, $0x38;
	[tilespmem:$0x1F720] =	vst v63  }
0x125: {  	_ =	swait.ge @p1 [sflag:s10], $0x320  }
0x126: {  	s11 =	simm.s32 @p1 $0x1;
	[sflag:s10] =	ssyncset.done @p1 $0x0  }
0x127: {  	s13 =	simm.s32 @p1 $0x3200;
	[sflag:s10] =	ssyncadd.s32 @p1 $0xFFFFFCE0;
	s10 =	simm.s32 @p1 $0x320  }
0x128: {  	[tilespmem:s13], [sflag:$0x2] =	stream.indirect.gather @p1 [hbm4b:s5+s10], $0x10, s9, s10, $0xb8;
	[tilespmem:$0x1F720] =	vst v63  }
0x129: {  	_ =	swait.ge @p1 [sflag:s11], $0x3200  }
0x12a: {  	[sflag:s11] =	ssyncset.done @p1 $0x0  }
0x12b: {  	s9 =	simm.s32 @p1 $0x6A40;
	[sflag:s11] =	ssyncadd.s32 @p1 $0xFFFFCE00;
	s11 =	simm.s32 @!p1 $0x3  }
0x12c: {  	[spmem:s1] =	stream.indirect.scatter.add.f32 @p1 [tilespmem:s12], [sflag:$0x3], $0x10, s9, s10, $0xb8;
	[tilespmem:$0x1F720] =	vst v63  }
0x12d: {  	_ =	swait.ge @!p1 [sflag:s11], $0x3200  }
0x12e: {  	s12 =	simm.s32 @!p1 $0x6400;
	s9 =	simm.s32 @!p1 $0x5;
	[sflag:s11] =	ssyncset.done @!p1 $0x0  }
0x12f: {  	s10 =	sadd.s32 @!p1 $0xFFFCF2C0, s30;
	[sflag:s11] =	ssyncadd.s32 @!p1 $0xFFFFCE00;
	s11 =	simm.s32 @!p1 $0x0  }
0x130: {  	[tilespmem:s12], [sflag:$0x5] =	stream.linear.gather @!p1 [hbm4b:s10+s11], $0x320, $0x38;
	[tilespmem:$0x1F720] =	vst v63  }
0x131: {  	_ =	swait.ge @!p1 [sflag:s9], $0x320  }
0x132: {  	[sflag:s9] =	ssyncset.done @!p1 $0x0  }
0x133: {  	s10 =	simm.s32 @!p1 $0x6A40;
	[sflag:s9] =	ssyncadd.s32 @!p1 $0xFFFFFCE0  }
0x134: {  	[tilespmem:s10], [sflag:$0x5] =	stream.linear.gather @!p1 [hbm4b:s30+s11], $0x320, $0x38;
	[tilespmem:$0x1F720] =	vst v63  }
0x135: {  	_ =	swait.ge @!p1 [sflag:s9], $0x320  }
.Ltmp6:
0x136: {  	s30 =	sadd.s32 $0x64, s30;
	[sflag:s9] =	ssyncset.done @!p1 $0x0;
	(pc) =	sbr.rel @p2 .LBB2_8-.Ltmp6, $4  }
0x137: {  	s10 =	simm.s32 @!p1 $0x2;
	[sflag:s9] =	ssyncadd.s32 @!p1 $0xFFFFFCE0;
	s9 =	simm.s32 @!p1 $0x320  }
0x138: {  	[tilespmem:s11], [sflag:$0x1] =	stream.indirect.gather @!p1 [hbm4b:s5+s9], $0x10, s12, s9, $0xb8;
	[tilespmem:$0x1F720] =	vst v63  }
0x139: {  	s2 =	sand.u32 $0x1, s2;
	s11 =	simm.s32 @!p1 $0x3200;
	_ =	swait.ge @!p1 [sflag:s10], $0x3200  }
0x13a: {  	p3 =	seq.s32 s2, $0x1;
	s12 =	simm.s32 @!p1 $0x6D60;
	[sflag:s10] =	ssyncset.done @!p1 $0x0  }
.Ltmp7:
0x13b: {  	_ = 	snop;
	(pc) =	sbr.rel .LBB2_9-.Ltmp7, $1  }
0x13c: {  	_ =	sdelay $0x3  }
.LBB2_11:
0x13d: {  	_ =	sfence.sel $0x180000  }
0x13e: {  	[bflag:$0x0] =	sbarrier.arrive $0xFFFF  }
0x13f: {  	_ =	strace $0x9000004A  }
0x140: {  	s0 =	stileid.u32;
	[bflag:$0x2] =	sbarrier.arrive $0xFFFF  }
0x141: {  	p0 =	sne.s32 s0, $0x0;
	s0 =	rddreg [dreg:$0x2]  }
0x142: {  	s0 =	sadd.s32 @!p0 $0x100000, s0  }
0x143: {  	[sflag:s0] =	ssyncadd.tile.s32 @!p0 $0x1;
	_ =	shalt  }
.Lfunc_end2:
_tile_overlayer_lowered:
.L_overlay_start_2:
0x144: {  	(tag) =	ssettag $0x2  }
0x145: {  	s0 =	rddreg [dreg:$0x0];
	s2 =	stileid.u32  }
0x146: {  	s1 =	rddreg [dreg:$0x1];
	p0 =	sne.s32 s2, $0x0  }
0x147: {  	s3 =	rddreg [dreg:$0x2];
	[bflag:$0x3] =	sbarrier.arrive $0xFFFF;
	s2 =	simm.s32 @!p0 $0x1C05  }
0x148: {  	[timem:s3], [sflag:s2] =	dma.local @!p0 [hbm:s0], s1  }
0x149: {  	s0 =	simm.s32 @!p0 $0x5  }
0x14a: {  	_ =	swait.ge @!p0 [sflag:s0], s1  }
0x14b: {  	s1 =	ssub.s32 @!p0 $0x0, s1;
	[sflag:s0] =	ssyncset.done @!p0 $0x0  }
0x14c: {  	[sflag:s0] =	ssyncadd.s32 @!p0 s1  }
0x14d: {  	[bflag:$0x3] =	sbarrier.arrive $0xFFFF  }
0x14e: {  	_ =	shalt  }

// kernel: kernel.14.cloned.1.call-start
scs
__scs_entry_jumppad:
0x0: {  	(pc) =	sbr.rel $0x88, $3  }
0x1: {  	(tag) =	ssettag $0x0;
	lr =	simm.s32 $0x1  }
0x2: {  	[smem:$0x3F9B] =	sst lr;
	_ =	strace $0xD0000000  }
0x3: {  	_ = 	snop  }
0x4: {  	_ = 	snop  }
0x5: {  	_ = 	snop  }
0x6: {  	_ = 	snop  }
0x7: {  	_ = 	snop  }
__scs_overlays_trampoline_lowered:
0x8: {  	[smem:$0x3FAA] =	sst s0  }
0x9: {  	[smem:$0x3FAB] =	sst s1  }
0xa: {  	[smem:$0x3FAC] =	sst s2  }
0xb: {  	[smem:$0x3FAD] =	sst s3  }
0xc: {  	[smem:$0x3FAE] =	sst s4  }
0xd: {  	[smem:$0x3FAF] =	sst s5  }
0xe: {  	[smem:$0x3FB0] =	sst s6  }
0xf: {  	[smem:$0x3FB1] =	sst s7  }
0x10: {  	[smem:$0x3FB2] =	sst s8  }
0x11: {  	[smem:$0x3FB3] =	sst s9;
	s0 =	simm.s32 @!p0 $0x0  }
0x12: {  	s1 =	sld [smem:$0x3F99];
	s0 =	simm.s32 @p0 $0x1  }
0x13: {  	[smem:$0x3FB4] =	sst s0;
	s0 =	simm.s32 @!p1 $0x0  }
0x14: {  	s2 =	sld [smem:$0x3F98];
	s0 =	simm.s32 @p1 $0x1  }
0x15: {  	[smem:$0x3FB5] =	sst s0;
	s0 =	simm.s32 @!p2 $0x0  }
0x16: {  	s3 =	sld [smem:$0x3FDB];
	s0 =	simm.s32 @p2 $0x1  }
0x17: {  	s4 =	simm.s32 $0x1BF5;
	[smem:$0x3FB7] =	sst s0  }
0x18: {  	s0 =	sld [smem:$0x3F9A];
	_ =	swait.ge [sflag:s4], $0x0  }
0x19: {  	s7 =	sld [smem:$0x3F9B]  }
0x1a: {  	s8 =	sadd.s32 $0xFFFFE003, lr  }
0x1b: {  	s9 =	sadd.s32 $0xFFFFFEF7, lr;
	s5 =	simm.s32 $0xFFFFFFFF;
	p2 =	slt.u32 s8, $0xFFFFF086  }
0x1c: {  	p1 =	slt.u32 s9, $0xF7A;
	s5 =	simm.s32 @!p2 $0x0  }
0x1d: {  	s5 =	simm.s32 @p1 $0x1;
	p0 =	seq.s32 s7, s2  }
0x1e: {  	s7 =	smul.u32 @!p0 $0xF7A, s2;
	p2 =	seq.s32 @!p0 s5, $0x0  }
0x1f: {  	s9 =	smul.u32 $0xF7A, s1;
	s8 =	simm.s32 @!p0 $0x1BF5;
	p2 =	por !p2, p0  }
0x20: {  	[sflag:s8] =	ssyncset.s32 @!p0 $0xFFFFF086;
	s6 =	sadd.s32 @!p0 s3, s7;
	s7 =	simm.s32 @!p0 $0x108  }
0x21: {  	s3 =	sadd.s32 s3, s9;
	s6 =	sadd.s32 @!p0 $0x88, s6;
	s7 =	simm.s32 @p2 $0x1082  }
0x22: {  	[simem:s7], [sflag:s8] =	dma.local @!p0 [hbm:s6], $0xF7A  }
0x23: {  	s9 =	sor.u32 $0xD0000000, s2;
	s6 =	simm.s32 $0x108;
	_ =	swait.ge @!p0 [sflag:s8], $0x0  }
0x24: {  	s3 =	sadd.s32 $0x88, s3;
	s6 =	simm.s32 @!p1 $0x1082;
	[sflag:s4] =	ssyncset.s32 $0xFFFFF086  }
0x25: {  	[simem:s6], [sflag:s4] =	dma.local [hbm:s3], $0xF7A  }
0x26: {  	[smem:$0x3F9B] =	sst s1;
	(tag) =	ssettag s2;
	_ =	strace s9  }
0x27: {  	s1 =	sld [smem:$0x3FAB]  }
0x28: {  	s2 =	sld [smem:$0x3FAC]  }
0x29: {  	s4 =	sld [smem:$0x3FAE]  }
0x2a: {  	p0 =	seq.s32 s5, $0x0;
	s5 =	sld [smem:$0x3FAF]  }
0x2b: {  	s6 =	sld [smem:$0x3FB0]  }
0x2c: {  	s7 =	sld [smem:$0x3FB1]  }
0x2d: {  	s3 =	simm.s32 $0x108;
	s8 =	sld [smem:$0x3FB2]  }
0x2e: {  	s3 =	simm.s32 @!p0 $0x1082;
	s9 =	sld [smem:$0x3FB3]  }
0x2f: {  	lr =	sadd.s32 s0, s3;
	s0 =	sld [smem:$0x3FAA]  }
0x30: {  	s3 =	sld [smem:$0x3FAD]  }
0x31: {  	[smem:$0x3FB6] =	sst s10  }
0x32: {  	s10 =	sld [smem:$0x3FB4];
	_ =	sdelay $0x3  }
0x33: {  	p0 =	seq.s32 s10, $0x1;
	s10 =	sld [smem:$0x3FB6];
	_ =	sdelay $0x3  }
0x34: {  	[smem:$0x3FB6] =	sst s10  }
0x35: {  	s10 =	sld [smem:$0x3FB5];
	_ =	sdelay $0x3  }
0x36: {  	p1 =	seq.s32 s10, $0x1;
	s10 =	sld [smem:$0x3FB6];
	_ =	sdelay $0x3  }
0x37: {  	[smem:$0x3FB6] =	sst s10  }
0x38: {  	s10 =	sld [smem:$0x3FB7]  }
0x39: {  	_ = 	snop;
	(pc) =	sbr.ind lr, $3  }
0x3a: {  	_ = 	snop  }
0x3b: {  	_ = 	snop  }
0x3c: {  	p2 =	seq.s32 s10, $0x1;
	s10 =	sld [smem:$0x3FB6]  }
0x3d: {  	_ =	shalt  }
0x3e: {  	_ =	shalt  }
0x3f: {  	_ =	shalt  }
0x40: {  	_ =	shalt  }
0x41: {  	_ =	shalt  }
0x42: {  	_ =	shalt  }
0x43: {  	_ =	shalt  }
0x44: {  	_ =	shalt  }
0x45: {  	_ =	shalt  }
0x46: {  	_ =	shalt  }
0x47: {  	_ =	shalt  }
0x48: {  	_ =	shalt  }
0x49: {  	_ =	shalt  }
0x4a: {  	_ =	shalt  }
0x4b: {  	_ =	shalt  }
0x4c: {  	_ =	shalt  }
0x4d: {  	_ =	shalt  }
0x4e: {  	_ =	shalt  }
0x4f: {  	_ =	shalt  }
0x50: {  	_ =	shalt  }
0x51: {  	_ =	shalt  }
0x52: {  	_ =	shalt  }
0x53: {  	_ =	shalt  }
0x54: {  	_ =	shalt  }
0x55: {  	_ =	shalt  }
0x56: {  	_ =	shalt  }
0x57: {  	_ =	shalt  }
0x58: {  	_ =	shalt  }
0x59: {  	_ =	shalt  }
0x5a: {  	_ =	shalt  }
0x5b: {  	_ =	shalt  }
0x5c: {  	_ =	shalt  }
0x5d: {  	_ =	shalt  }
0x5e: {  	_ =	shalt  }
0x5f: {  	_ =	shalt  }
0x60: {  	_ =	shalt  }
0x61: {  	_ =	shalt  }
0x62: {  	_ =	shalt  }
0x63: {  	_ =	shalt  }
0x64: {  	_ =	shalt  }
0x65: {  	_ =	shalt  }
0x66: {  	_ =	shalt  }
0x67: {  	_ =	shalt  }
0x68: {  	_ =	shalt  }
0x69: {  	_ =	shalt  }
0x6a: {  	_ =	shalt  }
0x6b: {  	_ =	shalt  }
0x6c: {  	_ =	shalt  }
0x6d: {  	_ =	shalt  }
0x6e: {  	_ =	shalt  }
0x6f: {  	_ =	shalt  }
0x70: {  	_ =	shalt  }
0x71: {  	_ =	shalt  }
0x72: {  	_ =	shalt  }
0x73: {  	_ =	shalt  }
0x74: {  	_ =	shalt  }
0x75: {  	_ =	shalt  }
0x76: {  	_ =	shalt  }
0x77: {  	_ =	shalt  }
0x78: {  	_ =	shalt  }
0x79: {  	_ =	shalt  }
0x7a: {  	_ =	shalt  }
0x7b: {  	_ =	shalt  }
0x7c: {  	_ =	shalt  }
0x7d: {  	_ =	shalt  }
0x7e: {  	_ =	shalt  }
0x7f: {  	_ =	shalt  }
0x80: {  	_ =	shalt  }
0x81: {  	_ =	shalt  }
0x82: {  	_ =	shalt  }
0x83: {  	_ =	shalt  }
0x84: {  	_ =	shalt  }
0x85: {  	_ =	shalt  }
0x86: {  	_ =	shalt  }
0x87: {  	_ =	shalt  }
.Lfunc_end0:
.L_simem_size_0:
called_computation.2_lowered:
.L_overlay_start_0:
0x88: {  	s2 =	sld [smem:$0x3FD9]  }
0x89: {  	s3 =	sld [smem:$0x3FFE];
	_ =	sdelay $0x1  }
0x8a: {  	s1 =	srdreg.scid  }
0x8b: {  	s0 =	sand.u32 $0x1, s1  }
0x8c: {  	s16 =	sshll.u32 s0, $0xA;
	s2 =	sadd.s32 s3, s2  }
0x8d: {  	s2 =	sadd.s32 s2, s16  }
0x8e: {  	[smem:$0x3FC2] =	sst s2  }
0x8f: {  	_ = 	snop  }
0x90: {  	(tm) =	ssettm $0x1  }
0x91: {  	s17 =	sld [smem:$0x3FFB];
	_ =	sdelay $0x3  }
0x92: {  	_ =	strace s17  }
0x93: {  	s2 =	sld [smem:$0x3FFC];
	_ =	sdelay $0x3  }
0x94: {  	_ =	strace s2  }
0x95: {  	s2 =	sld [smem:$0x3FFD];
	_ =	sdelay $0x3  }
0x96: {  	_ =	strace s2  }
0x97: {  	_ =	strace $0x8FFFFFFF  }
0x98: {  	s18 =	sld [smem:$0x3FDB];
	_ =	sdelay $0x1  }
0x99: {  	s19 =	simm.s32 $_scs_section_size  }
0x9a: {  	s4 =	simm.s32 $_size__tile_overlayer_lowered;
	s5 =	simm.s32 $_tile_overlayer_lowered  }
0x9b: {  	s22 =	simm.s32 $0x1BFF;
	s21 =	sshll.u32 s5, $0x1;
	s2 =	sadd.s32 s19, s18  }
0x9c: {  	s6 =	simm.s32 $0x0;
	s20 =	sshll.u32 s4, $0x1;
	s4 =	sadd.s32 s21, s2  }
0x9d: {  	[timem:s6], [sflag:s22] =	dma.local [hbm:s4], s20  }
0x9e: {  	_ =	swait.ge [sflag:s22], s20  }
0x9f: {  	s3 =	ssub.s32 $0x0, s20;
	[sflag:s22] =	ssyncset.done $0x0  }
0xa0: {  	[sflag:s22] =	ssyncadd.s32 s3;
	_ =	sdelay $0x1  }
0xa1: {  	s23 =	simm.s32 $0x1B8B  }
0xa2: {  	_ =	swait.ge [sflag:s23], $0x1  }
0xa3: {  	[sflag:s23] =	ssyncset.done $0x0  }
0xa4: {  	s25 =	simm.s32 $0x1B8E;
	s24 =	sld [smem:$0x3FFE];
	[sflag:s23] =	ssyncadd.s32 $0xFFFFFFFF  }
0xa5: {  	s26 =	simm.s32 $execute0_lowered;
	[smem:$0x3FD2] =	sst s25  }
0xa6: {  	s4 =	sshll.u32 s26, $0x1;
	_ =	strace $0x8000004C;
	[dreg:$0x1] =	wrdreg $0xFFFFFFFF  }
0xa7: {  	s28 =	simm.s32 $_size_execute0_lowered;
	s2 =	sadd.s32 s2, s4;
	[dreg:$0x0] =	wrdreg $0x0  }
0xa8: {  	s4 =	sshll.u32 s28, $0x1;
	[dreg:$0x2] =	wrdreg s2  }
0xa9: {  	[dreg:$0x3] =	wrdreg s4  }
0xaa: {  	[dreg:$0x4] =	wrdreg $0xC0  }
0xab: {  	_ =	task [dreg:s6], $0x5FFFF  }
0xac: {  	[dreg:$0x1] =	wrdreg $0xFFFFFFFF  }
0xad: {  	[dreg:$0x0] =	wrdreg $0x60  }
0xae: {  	[dreg:$0x2] =	wrdreg s24  }
0xaf: {  	[dreg:$0x3] =	wrdreg $0x73A00  }
0xb0: {  	[dreg:$0x4] =	wrdreg $0x9  }
0xb1: {  	_ =	task.clear_ibuf [dreg:s6], $0x5FFFF;
	_ =	strace $0x9000004C  }
0xb2: {  	s29 =	simm.s32 $0x9;
	_ =	strace $0x8000004E  }
0xb3: {  	_ =	swait.ge [sflag:s29], $0x1  }
0xb4: {  	[sflag:s29] =	ssyncadd.s32 $0xFFFFFFFF  }
0xb5: {  	_ =	strace $0x9000004E  }
0xb6: {  	_ =	sfence  }
0xb7: {  	s30 =	sld [smem:$0x0];
	_ =	sdelay $0x2  }
0xb8: {  	s31 =	sshll.u32 s1, $0xD;
	s1 =	sshrl.u32 s1, $0x2  }
0xb9: {  	s3 =	sand.u32 $0x4000, s31;
	s1 =	sadd.s32 s1, s30  }
0xba: {  	s0 =	sor.u32 s3, s0;
	s1 =	sshll.u32 s1, $0x11  }
0xbb: {  	s0 =	sor.u32 s1, s0  }
0xbc: {  	s0 =	sadd.s32 $0x8F2B, s0  }
0xbd: {  	[sflag:s0] =	ssyncadd.remote.s32 $0x1  }
0xbe: {  	_ =	sfence.sel $0xFFFF  }
0xbf: {  	[dreg:$0x0] =	wrdreg $0xFFFFFFFF;
	(pc) =	sbr.abs _section_cstart, $3  }
0xc0: {  	[dreg:$0x1] =	wrdreg $0xFFFFFFFF  }
0xc1: {  	_ =	task.clear_ibuf [dreg:s6], $0x2FFFF;
	_ =	strace $0x9FFFFFFF  }
0xc2: {  	(tm) =	ssettm $0x7FFFFFFF  }
0xc3: {  	_ =	shalt  }
tec
execute0_lowered:
.L_overlay_start_1:
0x0: {  	(tag) =	ssettag $0x1  }
0x1: {  	s0 =	rddreg [dreg:$0x0]  }
0x2: {  	s1 =	rddreg [dreg:$0x1];
	s3 =	simm.s32 $0x0  }
0x3: {  	s11 =	stileid.u32;
	s5 =	srdreg.scid;
	s28 =	simm.s32 $0x320  }
0x4: {  	s29 =	simm.s32 $0x6720;
	s30 =	simm.s32 $0x6D60;
	s31 =	simm.s32 $0x3200  }
0x5: {  	[smem:$0x7FF] =	sst s3;
	s2 =	sadd.s32 $0x3C00, s0;
	s6 =	smul.u32 $0x61A80, s11  }
0x6: {  	s4 =	sadd.s32 $0x65800, s0;
	s7 =	sand.u32 $0x1, s5;
	s8 =	smul.u32 $0x186A0, s11  }
0x7: {  	s11 =	smul.u32 $0xC350, s11;
	_ =	strace $0x8000004D;
	s5 =	ssub.s32 $0x2, s7  }
0x8: {  	s9 =	smul.u32 $0xC3500, s7;
	p0 =	seq.s32 s7, $0x1;
	s7 =	simm.s32 $0xC9800  }
0x9: {  	s6 =	sshrl.u32 s6, $0x2;
	s10 =	sshrl.u32 s5, $0x1;
	s22 =	sshrl.u32 s8, $0x3  }
0xa: {  	s7 =	simm.s32 @!p0 $0x97800;
	s6 =	sadd.s32 s6, s1;
	s10 =	ssub.s32 s5, s10  }
0xb: {  	s5 =	sadd.s32 s8, s1;
	s9 =	sadd.s32 s11, s9;
	s12 =	sadd.s32 $0x3200, s6  }
0xc: {  	s0 =	sadd.s32 s7, s0;
	s25 =	sadd.s32 $0x6400, s6;
	[dreg:$0x3] =	wrdreg s12  }
0xd: {  	s7 =	simm.s32 $0x7080;
	s26 =	sadd.s32 $0x9600, s6;
	[dreg:$0x4] =	wrdreg s25  }
0xe: {  	s8 =	simm.s32 $0x7210;
	s13 =	sadd.s32 $0xC800, s6;
	[dreg:$0x5] =	wrdreg s26  }
0xf: {  	s14 =	sadd.s32 $0xFA00, s6;
	s15 =	sshrl.u32 s9, $0x3;
	[dreg:$0x6] =	wrdreg s13  }
0x10: {  	s16 =	sadd.s32 $0x12C00, s6;
	s6 =	sadd.s32 $0x15E00, s6;
	[dreg:$0x7] =	wrdreg s14  }
0x11: {  	s23 =	smax.u32 s10, $0x1;
	s24 =	sadd.s32 $0x187040, s9;
	[dreg:$0x8] =	wrdreg s16  }
0x12: {  	s9 =	sadd.s32 $0x640, s9;
	[dreg:$0x9] =	wrdreg s6;
	s13 =	sadd.s32 s2, s15  }
0x13: {  	s10 =	simm.s32 $0x0;
	[dreg:$0xf] =	wrdreg s23;
	s17 =	sadd.s32 $0x30D40, s13  }
0x14: {  	s25 =	sshrl.u32 s24, $0x3;
	s18 =	sadd.s32 $0x64, s13;
	[dreg:$0xa] =	wrdreg s17  }
0x15: {  	s26 =	sshrl.u32 s9, $0x3;
	s19 =	sadd.s32 $0x30DA4, s13;
	[dreg:$0xb] =	wrdreg s18  }
0x16: {  	s23 =	simm.s32 $0x1;
	s20 =	sadd.s32 $0x1838, s13;
	[dreg:$0xc] =	wrdreg s19  }
0x17: {  	s6 =	simm.s32 $0x4;
	s21 =	sadd.s32 $0x32578, s13;
	[dreg:$0xd] =	wrdreg s20  }
0x18: {  	s9 =	simm.s32 $0x190;
	[dreg:$0xe] =	wrdreg s21;
	s20 =	sadd.s32 s0, s22  }
0x19: {  	s21 =	sadd.s32 s25, s2;
	s22 =	sadd.s32 s26, s2;
	s25 =	simm.s32 $0x5  }
0x1a: {  	v0 =	vimm.f32 $0.0e+00;
	s26 =	simm.s32 $0x6A40;
	s0 =	simm.s32 $0x3;
	s2 =	simm.s32 $0x2  }
.LBB2_1:
0x1b: {  	s11 =	simm.s32 $0x40;
	s12 =	simm.s32 $0x0  }
.LBB2_2:
0x1c: {  	p0 =	sne.s32 s11, $0xC7C0;
	[tilespmem:s12+$0x0] =	vst v0;
	s12 =	smov.u32 s11;
	s11 =	sadd.s32 $0x40, s11  }
.Ltmp0:
0x1d: {  	(pc) =	sbr.rel @p0 .LBB2_2-.Ltmp0, $2  }
0x1e: {  	_ =	sdelay $0x2  }
0x1f: {  	s12 =	sshra.s32 s12, $0x2  }
0x20: {  	[tilespmem:s12+$0x0] =	vst v0  }
0x21: {  	[spmem:s5] =	stream.linear.scatter [tilespmem:s3], [sflag:$0x1], $0x3200, $0x38;
	[tilespmem:$0x1FA40] =	vst v63  }
0x22: {  	s11 =	rddreg [dreg:$0x3]  }
0x23: {  	[spmem:s11] =	stream.linear.scatter [tilespmem:s3], [sflag:$0x1], $0x3200, $0x38;
	[tilespmem:$0x1FA40] =	vst v63  }
0x24: {  	s17 =	rddreg [dreg:$0x4]  }
0x25: {  	[spmem:s17] =	stream.linear.scatter [tilespmem:s3], [sflag:$0x1], $0x3200, $0x38;
	[tilespmem:$0x1FA40] =	vst v63  }
0x26: {  	s18 =	rddreg [dreg:$0x5]  }
0x27: {  	[spmem:s18] =	stream.linear.scatter [tilespmem:s3], [sflag:$0x1], $0x3200, $0x38;
	[tilespmem:$0x1FA40] =	vst v63  }
0x28: {  	s19 =	rddreg [dreg:$0x6]  }
0x29: {  	[spmem:s19] =	stream.linear.scatter [tilespmem:s3], [sflag:$0x1], $0x3200, $0x38;
	[tilespmem:$0x1FA40] =	vst v63  }
0x2a: {  	s24 =	rddreg [dreg:$0x7]  }
0x2b: {  	[spmem:s24] =	stream.linear.scatter [tilespmem:s3], [sflag:$0x1], $0x3200, $0x38;
	[tilespmem:$0x1FA40] =	vst v63  }
0x2c: {  	s12 =	rddreg [dreg:$0x8]  }
0x2d: {  	[spmem:s12] =	stream.linear.scatter [tilespmem:s3], [sflag:$0x1], $0x3200, $0x38;
	[tilespmem:$0x1FA40] =	vst v63  }
0x2e: {  	s14 =	rddreg [dreg:$0x9]  }
0x2f: {  	[spmem:s14] =	stream.linear.scatter [tilespmem:s3], [sflag:$0x1], $0x28A0, $0x38;
	[tilespmem:$0x1FA40] =	vst v63  }
0x30: {  	_ =	swait.ge [sflag:s23], $0x3200  }
0x31: {  	[sflag:s23] =	ssyncset.done $0x0  }
0x32: {  	[sflag:s23] =	ssyncadd.s32 $0xFFFFCE00  }
0x33: {  	_ =	swait.ge [sflag:s23], $0x3200  }
0x34: {  	[sflag:s23] =	ssyncset.done $0x0  }
0x35: {  	[sflag:s23] =	ssyncadd.s32 $0xFFFFCE00  }
0x36: {  	_ =	swait.ge [sflag:s23], $0x3200  }
0x37: {  	[sflag:s23] =	ssyncset.done $0x0  }
0x38: {  	[sflag:s23] =	ssyncadd.s32 $0xFFFFCE00  }
0x39: {  	_ =	swait.ge [sflag:s23], $0x3200  }
0x3a: {  	[sflag:s23] =	ssyncset.done $0x0  }
0x3b: {  	[sflag:s23] =	ssyncadd.s32 $0xFFFFCE00  }
0x3c: {  	_ =	swait.ge [sflag:s23], $0x3200  }
0x3d: {  	[sflag:s23] =	ssyncset.done $0x0  }
0x3e: {  	[sflag:s23] =	ssyncadd.s32 $0xFFFFCE00  }
0x3f: {  	_ =	swait.ge [sflag:s23], $0x3200  }
0x40: {  	[sflag:s23] =	ssyncset.done $0x0  }
0x41: {  	[sflag:s23] =	ssyncadd.s32 $0xFFFFCE00  }
0x42: {  	_ =	swait.ge [sflag:s23], $0x3200  }
0x43: {  	[sflag:s23] =	ssyncset.done $0x0  }
0x44: {  	[sflag:s23] =	ssyncadd.s32 $0xFFFFCE00  }
0x45: {  	_ =	swait.ge [sflag:s23], $0x28A0  }
0x46: {  	[sflag:s23] =	ssyncset.done $0x0  }
0x47: {  	[sflag:s23] =	ssyncadd.s32 $0xFFFFD760  }
0x48: {  	s15 =	simm.s32 $0x6400;
	[bflag:$0x0] =	sbarrier.arrive $0xFFFF  }
0x49: {  	[tilespmem:s15], [sflag:$0x5] =	stream.linear.gather [hbm4b:s13+s3], $0x320, $0x38;
	[tilespmem:$0x1FA40] =	vst v63  }
0x4a: {  	_ =	swait.ge [sflag:s25], $0x320  }
0x4b: {  	[sflag:s25] =	ssyncset.done $0x0  }
0x4c: {  	s16 =	rddreg [dreg:$0xa];
	[sflag:s25] =	ssyncadd.s32 $0xFFFFFCE0  }
0x4d: {  	[tilespmem:s26], [sflag:$0x5] =	stream.linear.gather [hbm4b:s16+s3], $0x320, $0x38;
	[tilespmem:$0x1FA40] =	vst v63  }
0x4e: {  	_ =	swait.ge [sflag:s25], $0x320  }
0x4f: {  	[sflag:s25] =	ssyncset.done $0x0  }
0x50: {  	[sflag:s25] =	ssyncadd.s32 $0xFFFFFCE0  }
0x51: {  	[tilespmem:s3], [sflag:$0x1] =	stream.indirect.gather [hbm4b:s4+s28], $0x10, s15, s28, $0xb8;
	[tilespmem:$0x1FA40] =	vst v63  }
0x52: {  	s17 =	rddreg [dreg:$0xb]  }
0x53: {  	[tilespmem:s29], [sflag:$0x5] =	stream.linear.gather [hbm4b:s17+s3], $0x320, $0x38;
	[tilespmem:$0x1FA40] =	vst v63  }
0x54: {  	_ =	swait.ge [sflag:s25], $0x320  }
0x55: {  	[sflag:s25] =	ssyncset.done $0x0  }
0x56: {  	s18 =	rddreg [dreg:$0xc];
	[sflag:s25] =	ssyncadd.s32 $0xFFFFFCE0  }
0x57: {  	[tilespmem:s30], [sflag:$0x5] =	stream.linear.gather [hbm4b:s18+s3], $0x320, $0x38;
	[tilespmem:$0x1FA40] =	vst v63  }
0x58: {  	_ =	swait.ge [sflag:s25], $0x320  }
0x59: {  	[sflag:s25] =	ssyncset.done $0x0  }
0x5a: {  	s19 =	simm.s32 $0x2;
	[sflag:s25] =	ssyncadd.s32 $0xFFFFFCE0  }
0x5b: {  	[tilespmem:s31], [sflag:$0x2] =	stream.indirect.gather [hbm4b:s4+s28], $0x10, s29, s28, $0xb8;
	[tilespmem:$0x1FA40] =	vst v63  }
0x5c: {  	s11 =	sand.u32 $0x1, s19;
	_ =	swait.ge [sflag:s23], $0x3200  }
0x5d: {  	p0 =	seq.s32 s11, $0x1;
	[sflag:s23] =	ssyncset.done $0x0  }
0x5e: {  	s11 =	simm.s32 @p0 $0x4;
	[sflag:s23] =	ssyncadd.s32 $0xFFFFCE00  }
0x5f: {  	[spmem:s1] =	stream.indirect.scatter.add.f32 [tilespmem:s3], [sflag:$0x3], $0x10, s26, s28, $0xb8;
	[tilespmem:$0x1FA40] =	vst v63  }
0x60: {  	_ =	swait.ge @p0 [sflag:s11], $0x3200;
	p0 =	por p0, p0  }
0x61: {  	[sflag:s11] =	ssyncset.done @p0 $0x0;
	s12 =	simm.s32 @p0 $0x5  }
0x62: {  	s14 =	simm.s32 @p0 $0x6720;
	[sflag:s11] =	ssyncadd.s32 @p0 $0xFFFFCE00;
	s11 =	simm.s32 @p0 $0x0  }
0x63: {  	[tilespmem:s14], [sflag:$0x5] =	stream.linear.gather @p0 [hbm4b:s22+s11], $0x320, $0x38;
	[tilespmem:$0x1FA40] =	vst v63  }
0x64: {  	_ =	swait.ge @p0 [sflag:s12], $0x320  }
0x65: {  	[sflag:s12] =	ssyncset.done @p0 $0x0  }
0x66: {  	s15 =	simm.s32 @p0 $0x6D60;
	[sflag:s12] =	ssyncadd.s32 @p0 $0xFFFFFCE0  }
0x67: {  	[tilespmem:s15], [sflag:$0x5] =	stream.linear.gather @p0 [hbm4b:s21+s11], $0x320, $0x38;
	[tilespmem:$0x1FA40] =	vst v63  }
0x68: {  	_ =	swait.ge @p0 [sflag:s12], $0x320  }
0x69: {  	s16 =	simm.s32 @p0 $0x3200;
	[sflag:s12] =	ssyncset.done @p0 $0x0  }
0x6a: {  	s15 =	simm.s32 @p0 $0x1;
	[sflag:s12] =	ssyncadd.s32 @p0 $0xFFFFFCE0;
	s12 =	simm.s32 @p0 $0x320  }
0x6b: {  	[tilespmem:s16], [sflag:$0x2] =	stream.indirect.gather @p0 [hbm4b:s4+s12], $0x10, s14, s12, $0xb8;
	[tilespmem:$0x1FA40] =	vst v63  }
0x6c: {  	_ =	swait.ge @p0 [sflag:s15], $0x3200  }
0x6d: {  	[sflag:s15] =	ssyncset.done @p0 $0x0  }
0x6e: {  	s14 =	simm.s32 @p0 $0x6A40;
	[sflag:s15] =	ssyncadd.s32 @p0 $0xFFFFCE00;
	s15 =	simm.s32 @!p0 $0x3  }
0x6f: {  	[spmem:s1] =	stream.indirect.scatter.add.f32 @p0 [tilespmem:s11], [sflag:$0x3], $0x10, s14, s12, $0xb8;
	[tilespmem:$0x1FA40] =	vst v63  }
0x70: {  	_ =	swait.ge @!p0 [sflag:s15], $0x3200  }
0x71: {  	s11 =	simm.s32 @!p0 $0x5;
	[sflag:s15] =	ssyncset.done @!p0 $0x0  }
0x72: {  	s12 =	simm.s32 @!p0 $0x0;
	[sflag:s15] =	ssyncadd.s32 @!p0 $0xFFFFCE00;
	s15 =	simm.s32 @!p0 $0x6400  }
0x73: {  	[tilespmem:s15], [sflag:$0x5] =	stream.linear.gather @!p0 [hbm4b:s22+s12], $0x320, $0x38;
	[tilespmem:$0x1FA40] =	vst v63  }
0x74: {  	_ =	swait.ge @!p0 [sflag:s11], $0x320  }
0x75: {  	[sflag:s11] =	ssyncset.done @!p0 $0x0  }
0x76: {  	s18 =	simm.s32 $0x3;
	s14 =	simm.s32 @!p0 $0x6A40;
	[sflag:s11] =	ssyncadd.s32 @!p0 $0xFFFFFCE0  }
0x77: {  	[tilespmem:s14], [sflag:$0x5] =	stream.linear.gather @!p0 [hbm4b:s21+s12], $0x320, $0x38;
	[tilespmem:$0x1FA40] =	vst v63  }
0x78: {  	s24 =	sand.u32 $0x1, s18;
	_ =	swait.ge @!p0 [sflag:s11], $0x320  }
0x79: {  	p2 =	seq.s32 s24, $0x1;
	s17 =	simm.s32 @!p0 $0x2;
	[sflag:s11] =	ssyncset.done @!p0 $0x0  }
0x7a: {  	s18 =	simm.s32 @!p0 $0x3200;
	s16 =	simm.s32 @!p0 $0x320;
	[sflag:s11] =	ssyncadd.s32 @!p0 $0xFFFFFCE0  }
0x7b: {  	[tilespmem:s12], [sflag:$0x1] =	stream.indirect.gather @!p0 [hbm4b:s4+s16], $0x10, s15, s16, $0xb8;
	[tilespmem:$0x1FA40] =	vst v63  }
0x7c: {  	s19 =	simm.s32 @!p0 $0x6D60;
	s14 =	simm.s32 $0x4;
	_ =	swait.ge @!p0 [sflag:s17], $0x3200  }
0x7d: {  	s11 =	sadd.s32 $0x64, s21;
	s12 =	sadd.s32 $0x64, s22;
	[sflag:s17] =	ssyncset.done @!p0 $0x0  }
.LBB2_4:
0x7e: {  	s24 =	simm.s32 @p2 $0x4  }
0x7f: {  	[sflag:s17] =	ssyncadd.s32 @!p0 $0xFFFFCE00;
	s15 =	smov.u32 s14;
	s14 =	sadd.s32 $0x1, s14  }
0x80: {  	[spmem:s1] =	stream.indirect.scatter.add.f32 @!p0 [tilespmem:s18], [sflag:$0x4], $0x10, s19, s16, $0xb8;
	[tilespmem:$0x1FA40] =	vst v63  }
0x81: {  	p1 =	sne.s32 s14, $0x3E;
	p0 =	por p2, p2;
	_ =	swait.ge @p2 [sflag:s24], $0x3200  }
0x82: {  	s16 =	simm.s32 @p0 $0x5;
	[sflag:s24] =	ssyncset.done @p0 $0x0  }
0x83: {  	s17 =	simm.s32 @p0 $0x0;
	s18 =	simm.s32 @p0 $0x6720;
	[sflag:s24] =	ssyncadd.s32 @p0 $0xFFFFCE00  }
0x84: {  	[tilespmem:s18], [sflag:$0x5] =	stream.linear.gather @p0 [hbm4b:s12+s17], $0x320, $0x38;
	[tilespmem:$0x1FA40] =	vst v63  }
0x85: {  	_ =	swait.ge @p0 [sflag:s16], $0x320  }
0x86: {  	[sflag:s16] =	ssyncset.done @p0 $0x0  }
0x87: {  	s19 =	simm.s32 @p0 $0x6D60;
	[sflag:s16] =	ssyncadd.s32 @p0 $0xFFFFFCE0  }
0x88: {  	[tilespmem:s19], [sflag:$0x5] =	stream.linear.gather @p0 [hbm4b:s11+s17], $0x320, $0x38;
	[tilespmem:$0x1FA40] =	vst v63  }
0x89: {  	_ =	swait.ge @p0 [sflag:s16], $0x320  }
0x8a: {  	s19 =	simm.s32 @p0 $0x1;
	[sflag:s16] =	ssyncset.done @p0 $0x0  }
0x8b: {  	s24 =	simm.s32 @p0 $0x3200;
	[sflag:s16] =	ssyncadd.s32 @p0 $0xFFFFFCE0;
	s16 =	simm.s32 @p0 $0x320  }
0x8c: {  	[tilespmem:s24], [sflag:$0x2] =	stream.indirect.gather @p0 [hbm4b:s4+s16], $0x10, s18, s16, $0xb8;
	[tilespmem:$0x1FA40] =	vst v63  }
0x8d: {  	_ =	swait.ge @p0 [sflag:s19], $0x3200  }
0x8e: {  	[sflag:s19] =	ssyncset.done @p0 $0x0  }
0x8f: {  	s18 =	simm.s32 @p0 $0x6A40;
	[sflag:s19] =	ssyncadd.s32 @p0 $0xFFFFCE00;
	s19 =	simm.s32 @!p0 $0x3  }
0x90: {  	[spmem:s1] =	stream.indirect.scatter.add.f32 @p0 [tilespmem:s17], [sflag:$0x3], $0x10, s18, s16, $0xb8;
	[tilespmem:$0x1FA40] =	vst v63  }
0x91: {  	_ =	swait.ge @!p0 [sflag:s19], $0x3200  }
0x92: {  	s16 =	simm.s32 @!p0 $0x5;
	[sflag:s19] =	ssyncset.done @!p0 $0x0  }
0x93: {  	s18 =	simm.s32 @!p0 $0x0;
	[sflag:s19] =	ssyncadd.s32 @!p0 $0xFFFFCE00;
	s19 =	simm.s32 @!p0 $0x6400  }
0x94: {  	[tilespmem:s19], [sflag:$0x5] =	stream.linear.gather @!p0 [hbm4b:s12+s18], $0x320, $0x38;
	[tilespmem:$0x1FA40] =	vst v63  }
0x95: {  	_ =	swait.ge @!p0 [sflag:s16], $0x320  }
0x96: {  	[sflag:s16] =	ssyncset.done @!p0 $0x0  }
0x97: {  	s17 =	simm.s32 @!p0 $0x6A40;
	[sflag:s16] =	ssyncadd.s32 @!p0 $0xFFFFFCE0  }
0x98: {  	[tilespmem:s17], [sflag:$0x5] =	stream.linear.gather @!p0 [hbm4b:s11+s18], $0x320, $0x38;
	[tilespmem:$0x1FA40] =	vst v63  }
0x99: {  	s12 =	sadd.s32 $0x64, s12;
	_ =	swait.ge @!p0 [sflag:s16], $0x320  }
.Ltmp1:
0x9a: {  	s11 =	sadd.s32 $0x64, s11;
	[sflag:s16] =	ssyncset.done @!p0 $0x0;
	(pc) =	sbr.rel @p1 .LBB2_4-.Ltmp1, $4  }
0x9b: {  	s17 =	simm.s32 @!p0 $0x2;
	[sflag:s16] =	ssyncadd.s32 @!p0 $0xFFFFFCE0;
	s16 =	simm.s32 @!p0 $0x320  }
0x9c: {  	[tilespmem:s18], [sflag:$0x1] =	stream.indirect.gather @!p0 [hbm4b:s4+s16], $0x10, s19, s16, $0xb8;
	[tilespmem:$0x1FA40] =	vst v63  }
0x9d: {  	s15 =	sand.u32 $0x1, s15;
	s18 =	simm.s32 @!p0 $0x3200;
	_ =	swait.ge @!p0 [sflag:s17], $0x3200  }
0x9e: {  	p2 =	seq.s32 s15, $0x1;
	s19 =	simm.s32 @!p0 $0x6D60;
	[sflag:s17] =	ssyncset.done @!p0 $0x0  }
0x9f: {  	[sflag:s17] =	ssyncadd.s32 @!p0 $0xFFFFCE00;
	s14 =	simm.s32 @p2 $0x4  }
0xa0: {  	[spmem:s1] =	stream.indirect.scatter.add.f32 @!p0 [tilespmem:s18], [sflag:$0x4], $0x10, s19, s16, $0xb8;
	[tilespmem:$0x1FA40] =	vst v63  }
0xa1: {  	p0 =	por p2, p2;
	_ =	swait.ge @p2 [sflag:s14], $0x3200  }
0xa2: {  	s15 =	simm.s32 @p0 $0x5;
	[sflag:s14] =	ssyncset.done @p0 $0x0  }
0xa3: {  	s16 =	simm.s32 @p0 $0x6720;
	[sflag:s14] =	ssyncadd.s32 @p0 $0xFFFFCE00;
	s14 =	simm.s32 @p0 $0x0  }
0xa4: {  	[tilespmem:s16], [sflag:$0x5] =	stream.linear.gather @p0 [hbm4b:s12+s14], $0x320, $0x38;
	[tilespmem:$0x1FA40] =	vst v63  }
0xa5: {  	_ =	swait.ge @p0 [sflag:s15], $0x320  }
0xa6: {  	[sflag:s15] =	ssyncset.done @p0 $0x0  }
0xa7: {  	s17 =	simm.s32 @p0 $0x6D60;
	[sflag:s15] =	ssyncadd.s32 @p0 $0xFFFFFCE0  }
0xa8: {  	[tilespmem:s17], [sflag:$0x5] =	stream.linear.gather @p0 [hbm4b:s11+s14], $0x320, $0x38;
	[tilespmem:$0x1FA40] =	vst v63  }
0xa9: {  	_ =	swait.ge @p0 [sflag:s15], $0x320  }
0xaa: {  	[sflag:s15] =	ssyncset.done @p0 $0x0  }
0xab: {  	s17 =	simm.s32 @p0 $0x3200;
	[sflag:s15] =	ssyncadd.s32 @p0 $0xFFFFFCE0;
	s15 =	simm.s32 @p0 $0x320  }
0xac: {  	[tilespmem:s17], [sflag:$0x2] =	stream.indirect.gather @p0 [hbm4b:s4+s15], $0x10, s16, s15, $0xb8;
	[tilespmem:$0x1FA40] =	vst v63  }
0xad: {  	s16 =	simm.s32 @p0 $0x1  }
0xae: {  	_ =	swait.ge @p0 [sflag:s16], $0x3200  }
0xaf: {  	[sflag:s16] =	ssyncset.done @p0 $0x0  }
0xb0: {  	[sflag:s16] =	ssyncadd.s32 @p0 $0xFFFFCE00;
	s16 =	simm.s32 @p0 $0x6A40  }
0xb1: {  	[spmem:s1] =	stream.indirect.scatter.add.f32 @p0 [tilespmem:s14], [sflag:$0x3], $0x10, s16, s15, $0xb8;
	[tilespmem:$0x1FA40] =	vst v63  }
0xb2: {  	s14 =	simm.s32 @!p0 $0x3  }
0xb3: {  	_ =	swait.ge @!p0 [sflag:s14], $0x3200  }
0xb4: {  	s15 =	simm.s32 @!p0 $0x5;
	[sflag:s14] =	ssyncset.done @!p0 $0x0  }
0xb5: {  	s16 =	simm.s32 @!p0 $0x6400;
	[sflag:s14] =	ssyncadd.s32 @!p0 $0xFFFFCE00;
	s14 =	simm.s32 @!p0 $0x0  }
0xb6: {  	[tilespmem:s16], [sflag:$0x5] =	stream.linear.gather @!p0 [hbm4b:s12+s14], $0x320, $0x38;
	[tilespmem:$0x1FA40] =	vst v63  }
0xb7: {  	_ =	swait.ge @!p0 [sflag:s15], $0x320  }
0xb8: {  	[sflag:s15] =	ssyncset.done @!p0 $0x0  }
0xb9: {  	s12 =	simm.s32 @!p0 $0x6A40;
	[sflag:s15] =	ssyncadd.s32 @!p0 $0xFFFFFCE0  }
0xba: {  	[tilespmem:s12], [sflag:$0x5] =	stream.linear.gather @!p0 [hbm4b:s11+s14], $0x320, $0x38;
	[tilespmem:$0x1FA40] =	vst v63  }
0xbb: {  	_ =	swait.ge @!p0 [sflag:s15], $0x320  }
0xbc: {  	[sflag:s15] =	ssyncset.done @!p0 $0x0  }
0xbd: {  	s11 =	simm.s32 @!p0 $0x320;
	s12 =	simm.s32 @!p0 $0x2;
	[sflag:s15] =	ssyncadd.s32 @!p0 $0xFFFFFCE0  }
0xbe: {  	[tilespmem:s14], [sflag:$0x1] =	stream.indirect.gather @!p0 [hbm4b:s4+s11], $0x10, s16, s11, $0xb8;
	[tilespmem:$0x1FA40] =	vst v63  }
0xbf: {  	_ =	swait.ge @!p0 [sflag:s12], $0x3200  }
0xc0: {  	[sflag:s12] =	ssyncset.done @!p0 $0x0  }
0xc1: {  	s14 =	simm.s32 @!p0 $0x3200;
	[sflag:s12] =	ssyncadd.s32 @!p0 $0xFFFFCE00;
	s12 =	simm.s32 @!p0 $0x6D60  }
0xc2: {  	[spmem:s1] =	stream.indirect.scatter.add.f32 @!p0 [tilespmem:s14], [sflag:$0x4], $0x10, s12, s11, $0xb8;
	[tilespmem:$0x1FA40] =	vst v63  }
0xc3: {  	_ =	swait.ge [sflag:s0], $0x3200  }
0xc4: {  	[sflag:s0] =	ssyncset.done $0x0  }
0xc5: {  	[sflag:s0] =	ssyncadd.s32 $0xFFFFCE00  }
0xc6: {  	_ =	swait.ge [sflag:s2], $0x3200  }
0xc7: {  	[sflag:s2] =	ssyncset.done $0x0  }
0xc8: {  	[sflag:s2] =	ssyncadd.s32 $0xFFFFCE00  }
0xc9: {  	[spmem:s1] =	stream.indirect.scatter.add.f32 [tilespmem:s31], [sflag:$0x4], $0x10, s30, s28, $0xb8;
	[tilespmem:$0x1FA40] =	vst v63  }
0xca: {  	_ =	swait.ge [sflag:s6], $0x3200  }
0xcb: {  	[sflag:s6] =	ssyncset.done $0x0  }
0xcc: {  	s16 =	rddreg [dreg:$0xd];
	[sflag:s6] =	ssyncadd.s32 $0xFFFFCE00  }
0xcd: {  	[tilespmem:s7], [sflag:$0x5] =	stream.linear.gather [hbm4b:s16+s3], $0x190, $0x38;
	[tilespmem:$0x1FA40] =	vst v63  }
0xce: {  	_ =	swait.ge [sflag:s25], $0x190  }
0xcf: {  	[sflag:s25] =	ssyncset.done $0x0  }
0xd0: {  	s17 =	rddreg [dreg:$0xe];
	[sflag:s25] =	ssyncadd.s32 $0xFFFFFE70  }
0xd1: {  	[tilespmem:s8], [sflag:$0x5] =	stream.linear.gather [hbm4b:s17+s3], $0x190, $0x38;
	[tilespmem:$0x1FA40] =	vst v63  }
0xd2: {  	_ =	swait.ge [sflag:s25], $0x190  }
0xd3: {  	[sflag:s25] =	ssyncset.done $0x0  }
0xd4: {  	[sflag:s25] =	ssyncadd.s32 $0xFFFFFE70  }
0xd5: {  	[tilespmem:s3], [sflag:$0x1] =	stream.indirect.gather [hbm4b:s4+s9], $0x10, s7, s9, $0xb8;
	[tilespmem:$0x1FA40] =	vst v63  }
0xd6: {  	_ =	swait.ge [sflag:s23], $0x1900  }
0xd7: {  	[sflag:s23] =	ssyncset.done $0x0  }
0xd8: {  	[sflag:s23] =	ssyncadd.s32 $0xFFFFE700  }
0xd9: {  	[spmem:s1] =	stream.indirect.scatter.add.f32 [tilespmem:s3], [sflag:$0x5], $0x10, s8, s9, $0xb8;
	[tilespmem:$0x1FA40] =	vst v63  }
0xda: {  	_ =	swait.ge [sflag:s25], $0x1900  }
0xdb: {  	s18 =	stileid.u32;
	[sflag:s25] =	ssyncset.done $0x0  }
0xdc: {  	s11 =	sshll.u32 s18, $0x6;
	[sflag:s25] =	ssyncadd.s32 $0xFFFFE700  }
0xdd: {  	s19 =	sshrl.u32 s5, $0x3;
	s11 =	sor.u32 $0x1C05, s11;
	[bflag:$0x0] =	sbarrier.arrive $0xFFFF  }
0xde: {  	[hbm:s20], [sflag:s11] =	dma.local [spmem:s19], $0x30D4  }
0xdf: {  	_ =	swait.ge [sflag:s25], $0x30D4  }
0xe0: {  	s10 =	sadd.s32 $0x1, s10;
	s24 =	rddreg [dreg:$0xf]  }
0xe1: {  	p0 =	sne.s32 s10, s24  }
.Ltmp2:
0xe2: {  	_ = 	snop;
	(pc) =	sbr.rel @p0 .LBB2_1-.Ltmp2, $3  }
0xe3: {  	_ =	sdelay $0x1  }
0xe4: {  	[sflag:s25] =	ssyncset.done $0x0  }
0xe5: {  	[sflag:s25] =	ssyncadd.s32 $0xFFFFCF2C  }
0xe6: {  	_ =	sfence.sel $0x180000  }
0xe7: {  	[bflag:$0x0] =	sbarrier.arrive $0xFFFF  }
0xe8: {  	_ =	strace $0x9000004D  }
0xe9: {  	s0 =	stileid.u32;
	[bflag:$0x2] =	sbarrier.arrive $0xFFFF  }
0xea: {  	p0 =	sne.s32 s0, $0x0;
	s0 =	rddreg [dreg:$0x2]  }
0xeb: {  	s0 =	sadd.s32 @!p0 $0x100000, s0  }
0xec: {  	[sflag:s0] =	ssyncadd.tile.s32 @!p0 $0x1;
	_ =	shalt  }
.Lfunc_end2:
_tile_overlayer_lowered:
.L_overlay_start_2:
0xed: {  	(tag) =	ssettag $0x2  }
0xee: {  	s0 =	rddreg [dreg:$0x0];
	s2 =	stileid.u32  }
0xef: {  	s1 =	rddreg [dreg:$0x1];
	p0 =	sne.s32 s2, $0x0  }
0xf0: {  	s3 =	rddreg [dreg:$0x2];
	[bflag:$0x3] =	sbarrier.arrive $0xFFFF;
	s2 =	simm.s32 @!p0 $0x1C05  }
0xf1: {  	[timem:s3], [sflag:s2] =	dma.local @!p0 [hbm:s0], s1  }
0xf2: {  	s0 =	simm.s32 @!p0 $0x5  }
0xf3: {  	_ =	swait.ge @!p0 [sflag:s0], s1  }
0xf4: {  	s1 =	ssub.s32 @!p0 $0x0, s1;
	[sflag:s0] =	ssyncset.done @!p0 $0x0  }
0xf5: {  	[sflag:s0] =	ssyncadd.s32 @!p0 s1  }
0xf6: {  	[bflag:$0x3] =	sbarrier.arrive $0xFFFF  }
0xf7: {  	_ =	shalt  }

// kernel: kernel.8.cloned.1.call-start
scs
__scs_entry_jumppad:
0x0: {  	(pc) =	sbr.rel $0x88, $3  }
0x1: {  	(tag) =	ssettag $0x0;
	lr =	simm.s32 $0x1  }
0x2: {  	[smem:$0x3F9B] =	sst lr;
	_ =	strace $0xD0000000  }
0x3: {  	_ = 	snop  }
0x4: {  	_ = 	snop  }
0x5: {  	_ = 	snop  }
0x6: {  	_ = 	snop  }
0x7: {  	_ = 	snop  }
__scs_overlays_trampoline_lowered:
0x8: {  	[smem:$0x3FAA] =	sst s0  }
0x9: {  	[smem:$0x3FAB] =	sst s1  }
0xa: {  	[smem:$0x3FAC] =	sst s2  }
0xb: {  	[smem:$0x3FAD] =	sst s3  }
0xc: {  	[smem:$0x3FAE] =	sst s4  }
0xd: {  	[smem:$0x3FAF] =	sst s5  }
0xe: {  	[smem:$0x3FB0] =	sst s6  }
0xf: {  	[smem:$0x3FB1] =	sst s7  }
0x10: {  	[smem:$0x3FB2] =	sst s8  }
0x11: {  	[smem:$0x3FB3] =	sst s9;
	s0 =	simm.s32 @!p0 $0x0  }
0x12: {  	s1 =	sld [smem:$0x3F99];
	s0 =	simm.s32 @p0 $0x1  }
0x13: {  	[smem:$0x3FB4] =	sst s0;
	s0 =	simm.s32 @!p1 $0x0  }
0x14: {  	s2 =	sld [smem:$0x3F98];
	s0 =	simm.s32 @p1 $0x1  }
0x15: {  	[smem:$0x3FB5] =	sst s0;
	s0 =	simm.s32 @!p2 $0x0  }
0x16: {  	s3 =	sld [smem:$0x3FDB];
	s0 =	simm.s32 @p2 $0x1  }
0x17: {  	s4 =	simm.s32 $0x1BF5;
	[smem:$0x3FB7] =	sst s0  }
0x18: {  	s0 =	sld [smem:$0x3F9A];
	_ =	swait.ge [sflag:s4], $0x0  }
0x19: {  	s7 =	sld [smem:$0x3F9B]  }
0x1a: {  	s8 =	sadd.s32 $0xFFFFE003, lr  }
0x1b: {  	s9 =	sadd.s32 $0xFFFFFEF7, lr;
	s5 =	simm.s32 $0xFFFFFFFF;
	p2 =	slt.u32 s8, $0xFFFFF086  }
0x1c: {  	p1 =	slt.u32 s9, $0xF7A;
	s5 =	simm.s32 @!p2 $0x0  }
0x1d: {  	s5 =	simm.s32 @p1 $0x1;
	p0 =	seq.s32 s7, s2  }
0x1e: {  	s7 =	smul.u32 @!p0 $0xF7A, s2;
	p2 =	seq.s32 @!p0 s5, $0x0  }
0x1f: {  	s9 =	smul.u32 $0xF7A, s1;
	s8 =	simm.s32 @!p0 $0x1BF5;
	p2 =	por !p2, p0  }
0x20: {  	[sflag:s8] =	ssyncset.s32 @!p0 $0xFFFFF086;
	s6 =	sadd.s32 @!p0 s3, s7;
	s7 =	simm.s32 @!p0 $0x108  }
0x21: {  	s3 =	sadd.s32 s3, s9;
	s6 =	sadd.s32 @!p0 $0x88, s6;
	s7 =	simm.s32 @p2 $0x1082  }
0x22: {  	[simem:s7], [sflag:s8] =	dma.local @!p0 [hbm:s6], $0xF7A  }
0x23: {  	s9 =	sor.u32 $0xD0000000, s2;
	s6 =	simm.s32 $0x108;
	_ =	swait.ge @!p0 [sflag:s8], $0x0  }
0x24: {  	s3 =	sadd.s32 $0x88, s3;
	s6 =	simm.s32 @!p1 $0x1082;
	[sflag:s4] =	ssyncset.s32 $0xFFFFF086  }
0x25: {  	[simem:s6], [sflag:s4] =	dma.local [hbm:s3], $0xF7A  }
0x26: {  	[smem:$0x3F9B] =	sst s1;
	(tag) =	ssettag s2;
	_ =	strace s9  }
0x27: {  	s1 =	sld [smem:$0x3FAB]  }
0x28: {  	s2 =	sld [smem:$0x3FAC]  }
0x29: {  	s4 =	sld [smem:$0x3FAE]  }
0x2a: {  	p0 =	seq.s32 s5, $0x0;
	s5 =	sld [smem:$0x3FAF]  }
0x2b: {  	s6 =	sld [smem:$0x3FB0]  }
0x2c: {  	s7 =	sld [smem:$0x3FB1]  }
0x2d: {  	s3 =	simm.s32 $0x108;
	s8 =	sld [smem:$0x3FB2]  }
0x2e: {  	s3 =	simm.s32 @!p0 $0x1082;
	s9 =	sld [smem:$0x3FB3]  }
0x2f: {  	lr =	sadd.s32 s0, s3;
	s0 =	sld [smem:$0x3FAA]  }
0x30: {  	s3 =	sld [smem:$0x3FAD]  }
0x31: {  	[smem:$0x3FB6] =	sst s10  }
0x32: {  	s10 =	sld [smem:$0x3FB4];
	_ =	sdelay $0x3  }
0x33: {  	p0 =	seq.s32 s10, $0x1;
	s10 =	sld [smem:$0x3FB6];
	_ =	sdelay $0x3  }
0x34: {  	[smem:$0x3FB6] =	sst s10  }
0x35: {  	s10 =	sld [smem:$0x3FB5];
	_ =	sdelay $0x3  }
0x36: {  	p1 =	seq.s32 s10, $0x1;
	s10 =	sld [smem:$0x3FB6];
	_ =	sdelay $0x3  }
0x37: {  	[smem:$0x3FB6] =	sst s10  }
0x38: {  	s10 =	sld [smem:$0x3FB7]  }
0x39: {  	_ = 	snop;
	(pc) =	sbr.ind lr, $3  }
0x3a: {  	_ = 	snop  }
0x3b: {  	_ = 	snop  }
0x3c: {  	p2 =	seq.s32 s10, $0x1;
	s10 =	sld [smem:$0x3FB6]  }
0x3d: {  	_ =	shalt  }
0x3e: {  	_ =	shalt  }
0x3f: {  	_ =	shalt  }
0x40: {  	_ =	shalt  }
0x41: {  	_ =	shalt  }
0x42: {  	_ =	shalt  }
0x43: {  	_ =	shalt  }
0x44: {  	_ =	shalt  }
0x45: {  	_ =	shalt  }
0x46: {  	_ =	shalt  }
0x47: {  	_ =	shalt  }
0x48: {  	_ =	shalt  }
0x49: {  	_ =	shalt  }
0x4a: {  	_ =	shalt  }
0x4b: {  	_ =	shalt  }
0x4c: {  	_ =	shalt  }
0x4d: {  	_ =	shalt  }
0x4e: {  	_ =	shalt  }
0x4f: {  	_ =	shalt  }
0x50: {  	_ =	shalt  }
0x51: {  	_ =	shalt  }
0x52: {  	_ =	shalt  }
0x53: {  	_ =	shalt  }
0x54: {  	_ =	shalt  }
0x55: {  	_ =	shalt  }
0x56: {  	_ =	shalt  }
0x57: {  	_ =	shalt  }
0x58: {  	_ =	shalt  }
0x59: {  	_ =	shalt  }
0x5a: {  	_ =	shalt  }
0x5b: {  	_ =	shalt  }
0x5c: {  	_ =	shalt  }
0x5d: {  	_ =	shalt  }
0x5e: {  	_ =	shalt  }
0x5f: {  	_ =	shalt  }
0x60: {  	_ =	shalt  }
0x61: {  	_ =	shalt  }
0x62: {  	_ =	shalt  }
0x63: {  	_ =	shalt  }
0x64: {  	_ =	shalt  }
0x65: {  	_ =	shalt  }
0x66: {  	_ =	shalt  }
0x67: {  	_ =	shalt  }
0x68: {  	_ =	shalt  }
0x69: {  	_ =	shalt  }
0x6a: {  	_ =	shalt  }
0x6b: {  	_ =	shalt  }
0x6c: {  	_ =	shalt  }
0x6d: {  	_ =	shalt  }
0x6e: {  	_ =	shalt  }
0x6f: {  	_ =	shalt  }
0x70: {  	_ =	shalt  }
0x71: {  	_ =	shalt  }
0x72: {  	_ =	shalt  }
0x73: {  	_ =	shalt  }
0x74: {  	_ =	shalt  }
0x75: {  	_ =	shalt  }
0x76: {  	_ =	shalt  }
0x77: {  	_ =	shalt  }
0x78: {  	_ =	shalt  }
0x79: {  	_ =	shalt  }
0x7a: {  	_ =	shalt  }
0x7b: {  	_ =	shalt  }
0x7c: {  	_ =	shalt  }
0x7d: {  	_ =	shalt  }
0x7e: {  	_ =	shalt  }
0x7f: {  	_ =	shalt  }
0x80: {  	_ =	shalt  }
0x81: {  	_ =	shalt  }
0x82: {  	_ =	shalt  }
0x83: {  	_ =	shalt  }
0x84: {  	_ =	shalt  }
0x85: {  	_ =	shalt  }
0x86: {  	_ =	shalt  }
0x87: {  	_ =	shalt  }
.Lfunc_end0:
.L_simem_size_0:
called_computation_lowered:
.L_overlay_start_0:
0x88: {  	s2 =	sld [smem:$0x3FD9]  }
0x89: {  	s3 =	sld [smem:$0x3FFE];
	_ =	sdelay $0x1  }
0x8a: {  	s1 =	srdreg.scid  }
0x8b: {  	s0 =	sand.u32 $0x1, s1  }
0x8c: {  	s16 =	sshll.u32 s0, $0xA;
	s2 =	sadd.s32 s3, s2  }
0x8d: {  	s2 =	sadd.s32 s2, s16  }
0x8e: {  	[smem:$0x3FC2] =	sst s2  }
0x8f: {  	_ = 	snop  }
0x90: {  	(tm) =	ssettm $0x1  }
0x91: {  	s17 =	sld [smem:$0x3FFB];
	_ =	sdelay $0x3  }
0x92: {  	_ =	strace s17  }
0x93: {  	s2 =	sld [smem:$0x3FFC];
	_ =	sdelay $0x3  }
0x94: {  	_ =	strace s2  }
0x95: {  	s2 =	sld [smem:$0x3FFD];
	_ =	sdelay $0x3  }
0x96: {  	_ =	strace s2  }
0x97: {  	_ =	strace $0x8FFFFFFF  }
0x98: {  	s18 =	sld [smem:$0x3FDB];
	_ =	sdelay $0x1  }
0x99: {  	s19 =	simm.s32 $_scs_section_size  }
0x9a: {  	s4 =	simm.s32 $_size__tile_overlayer_lowered;
	s5 =	simm.s32 $_tile_overlayer_lowered  }
0x9b: {  	s22 =	simm.s32 $0x1BFF;
	s21 =	sshll.u32 s5, $0x1;
	s2 =	sadd.s32 s19, s18  }
0x9c: {  	s6 =	simm.s32 $0x0;
	s20 =	sshll.u32 s4, $0x1;
	s4 =	sadd.s32 s21, s2  }
0x9d: {  	[timem:s6], [sflag:s22] =	dma.local [hbm:s4], s20  }
0x9e: {  	_ =	swait.ge [sflag:s22], s20  }
0x9f: {  	s3 =	ssub.s32 $0x0, s20;
	[sflag:s22] =	ssyncset.done $0x0  }
0xa0: {  	[sflag:s22] =	ssyncadd.s32 s3;
	_ =	sdelay $0x1  }
0xa1: {  	s23 =	simm.s32 $0x1B8B  }
0xa2: {  	_ =	swait.ge [sflag:s23], $0x1  }
0xa3: {  	[sflag:s23] =	ssyncset.done $0x0  }
0xa4: {  	s25 =	simm.s32 $0x1B8E;
	s24 =	sld [smem:$0x3FFE];
	[sflag:s23] =	ssyncadd.s32 $0xFFFFFFFF  }
0xa5: {  	s26 =	simm.s32 $execute0_lowered;
	[smem:$0x3FD2] =	sst s25  }
0xa6: {  	s4 =	sshll.u32 s26, $0x1;
	_ =	strace $0x80000046;
	[dreg:$0x1] =	wrdreg $0xFFFFFFFF  }
0xa7: {  	s28 =	simm.s32 $_size_execute0_lowered;
	s2 =	sadd.s32 s2, s4;
	[dreg:$0x0] =	wrdreg $0x0  }
0xa8: {  	s4 =	sshll.u32 s28, $0x1;
	[dreg:$0x2] =	wrdreg s2  }
0xa9: {  	[dreg:$0x3] =	wrdreg s4  }
0xaa: {  	[dreg:$0x4] =	wrdreg $0xC0  }
0xab: {  	_ =	task [dreg:s6], $0x5FFFF  }
0xac: {  	[dreg:$0x1] =	wrdreg $0xFFFFFFFF  }
0xad: {  	[dreg:$0x0] =	wrdreg $0x60  }
0xae: {  	[dreg:$0x2] =	wrdreg s24  }
0xaf: {  	[dreg:$0x3] =	wrdreg $0x6BD00  }
0xb0: {  	[dreg:$0x4] =	wrdreg $0x9  }
0xb1: {  	_ =	task.clear_ibuf [dreg:s6], $0x5FFFF;
	_ =	strace $0x90000046  }
0xb2: {  	s29 =	simm.s32 $0x9;
	_ =	strace $0x80000048  }
0xb3: {  	_ =	swait.ge [sflag:s29], $0x1  }
0xb4: {  	[sflag:s29] =	ssyncadd.s32 $0xFFFFFFFF  }
0xb5: {  	_ =	strace $0x90000048  }
0xb6: {  	_ =	sfence  }
0xb7: {  	s30 =	sld [smem:$0x0];
	_ =	sdelay $0x2  }
0xb8: {  	s31 =	sshll.u32 s1, $0xD;
	s1 =	sshrl.u32 s1, $0x2  }
0xb9: {  	s3 =	sand.u32 $0x4000, s31;
	s1 =	sadd.s32 s1, s30  }
0xba: {  	s0 =	sor.u32 s3, s0;
	s1 =	sshll.u32 s1, $0x11  }
0xbb: {  	s0 =	sor.u32 s1, s0  }
0xbc: {  	s0 =	sadd.s32 $0x8F2B, s0  }
0xbd: {  	[sflag:s0] =	ssyncadd.remote.s32 $0x1  }
0xbe: {  	_ =	sfence.sel $0xFFFF  }
0xbf: {  	[dreg:$0x0] =	wrdreg $0xFFFFFFFF;
	(pc) =	sbr.abs _section_cstart, $3  }
0xc0: {  	[dreg:$0x1] =	wrdreg $0xFFFFFFFF  }
0xc1: {  	_ =	task.clear_ibuf [dreg:s6], $0x2FFFF;
	_ =	strace $0x9FFFFFFF  }
0xc2: {  	(tm) =	ssettm $0x7FFFFFFF  }
0xc3: {  	_ =	shalt  }
tec
execute0_lowered:
.L_overlay_start_1:
0x0: {  	(tag) =	ssettag $0x1  }
0x1: {  	s0 =	rddreg [dreg:$0x0]  }
0x2: {  	s2 =	rddreg [dreg:$0x1];
	s3 =	simm.s32 $0x0  }
0x3: {  	s9 =	stileid.u32;
	s1 =	srdreg.scid;
	s20 =	simm.s32 $0x3  }
0x4: {  	s21 =	simm.s32 $0x320;
	s22 =	simm.s32 $0x3200;
	s23 =	simm.s32 $0x6720  }
0x5: {  	s24 =	simm.s32 $0x2;
	s25 =	simm.s32 $0x6A40;
	s15 =	smul.u32 $0x186A0, s9  }
0x6: {  	s28 =	simm.s32 $0x0;
	[smem:$0x7FF] =	sst s3;
	s4 =	smul.u32 $0x61A80, s9  }
0x7: {  	s1 =	sand.u32 $0x1, s1;
	s17 =	sadd.s32 $0x3C00, s0;
	s9 =	smul.u32 $0xC350, s9  }
0x8: {  	_ =	strace $0x80000047;
	s5 =	ssub.s32 $0x2, s1;
	s7 =	smul.u32 $0xC3500, s1  }
0x9: {  	p0 =	seq.s32 s1, $0x1;
	s1 =	simm.s32 $0x97800;
	s6 =	sshrl.u32 s5, $0x1  }
0xa: {  	s8 =	sshrl.u32 s4, $0x2;
	s4 =	sadd.s32 s15, s2;
	s19 =	sshrl.u32 s15, $0x3  }
0xb: {  	s1 =	simm.s32 @!p0 $0x65800;
	s16 =	ssub.s32 s5, s6;
	s11 =	sadd.s32 s8, s2  }
0xc: {  	s18 =	sadd.s32 s9, s7;
	s0 =	sadd.s32 s1, s0;
	s26 =	sadd.s32 $0x3200, s11  }
0xd: {  	s29 =	sadd.s32 $0x6400, s11;
	s30 =	sadd.s32 $0x9600, s11;
	s8 =	sadd.s32 $0xC800, s11  }
0xe: {  	s12 =	sshrl.u32 s18, $0x3;
	s9 =	sadd.s32 $0xFA00, s11;
	s10 =	sadd.s32 $0x12C00, s11  }
0xf: {  	s11 =	sadd.s32 $0x15E00, s11;
	s18 =	sadd.s32 $0x187040, s18;
	[dreg:$0x3] =	wrdreg s26  }
0x10: {  	s15 =	smax.u32 s16, $0x1;
	s16 =	sadd.s32 s0, s19;
	[dreg:$0x4] =	wrdreg s29  }
0x11: {  	s19 =	simm.s32 $0x6400;
	[dreg:$0x5] =	wrdreg s30;
	s14 =	sadd.s32 s17, s12  }
0x12: {  	s31 =	sshrl.u32 s18, $0x3;
	s18 =	simm.s32 $0x1;
	s12 =	sadd.s32 $0x30D40, s14  }
0x13: {  	v0 =	vimm.f32 $0.0e+00;
	v1 =	vimm.f32 $1.000000000e+00;
	s13 =	sadd.s32 $0x30DA4, s14;
	s14 =	sadd.s32 $0x32578, s14;
	s17 =	sadd.s32 s31, s17  }
.LBB2_1:
0x14: {  	s0 =	simm.s32 $0x0  }
.LBB2_2:
0x15: {  	p0 =	sne.s32 s0, $0xC7C0  }
.Ltmp0:
0x16: {  	_ = 	snop;
	(pc) =	sbr.rel @p0 .LBB2_2-.Ltmp0, $3  }
0x17: {  	_ =	sdelay $0x1  }
0x18: {  	s1 =	sshra.s32 s0, $0x2  }
0x19: {  	s0 =	sadd.s32 $0x40, s0;
	[tilespmem:s1+$0x0] =	vst v0  }
0x1a: {  	s0 =	simm.s32 $0x40;
	s1 =	simm.s32 $0x0  }
.LBB2_4:
0x1b: {  	p0 =	sne.s32 s0, $0xC7C0;
	[tilespmem:s1+$0x3200] =	vst v1;
	s1 =	smov.u32 s0;
	s0 =	sadd.s32 $0x40, s0  }
.Ltmp1:
0x1c: {  	(pc) =	sbr.rel @p0 .LBB2_4-.Ltmp1, $2  }
0x1d: {  	_ =	sdelay $0x2  }
0x1e: {  	s1 =	sshra.s32 s1, $0x2  }
0x1f: {  	[tilespmem:s1+$0x3200] =	vst v1  }
0x20: {  	[spmem:s4] =	stream.linear.scatter [tilespmem:s3], [sflag:$0x1], $0x3200, $0x38;
	[tilespmem:$0x1F270] =	vst v63  }
0x21: {  	s0 =	rddreg [dreg:$0x3]  }
0x22: {  	[spmem:s0] =	stream.linear.scatter [tilespmem:s3], [sflag:$0x1], $0x3200, $0x38;
	[tilespmem:$0x1F270] =	vst v63  }
0x23: {  	s26 =	rddreg [dreg:$0x4]  }
0x24: {  	[spmem:s26] =	stream.linear.scatter [tilespmem:s3], [sflag:$0x1], $0x3200, $0x38;
	[tilespmem:$0x1F270] =	vst v63  }
0x25: {  	s1 =	rddreg [dreg:$0x5]  }
0x26: {  	[spmem:s1] =	stream.linear.scatter [tilespmem:s3], [sflag:$0x1], $0x3200, $0x38;
	[tilespmem:$0x1F270] =	vst v63  }
0x27: {  	_ = 	snop  }
0x28: {  	[spmem:s8] =	stream.linear.scatter [tilespmem:s3], [sflag:$0x1], $0x3200, $0x38;
	[tilespmem:$0x1F270] =	vst v63  }
0x29: {  	_ = 	snop  }
0x2a: {  	[spmem:s9] =	stream.linear.scatter [tilespmem:s3], [sflag:$0x1], $0x3200, $0x38;
	[tilespmem:$0x1F270] =	vst v63  }
0x2b: {  	_ = 	snop  }
0x2c: {  	[spmem:s10] =	stream.linear.scatter [tilespmem:s3], [sflag:$0x1], $0x3200, $0x38;
	[tilespmem:$0x1F270] =	vst v63  }
0x2d: {  	_ = 	snop  }
0x2e: {  	[spmem:s11] =	stream.linear.scatter [tilespmem:s3], [sflag:$0x1], $0x28A0, $0x38;
	[tilespmem:$0x1F270] =	vst v63  }
0x2f: {  	_ =	swait.ge [sflag:s18], $0x3200  }
0x30: {  	[sflag:s18] =	ssyncset.done $0x0  }
0x31: {  	[sflag:s18] =	ssyncadd.s32 $0xFFFFCE00  }
0x32: {  	_ =	swait.ge [sflag:s18], $0x3200  }
0x33: {  	[sflag:s18] =	ssyncset.done $0x0  }
0x34: {  	[sflag:s18] =	ssyncadd.s32 $0xFFFFCE00  }
0x35: {  	_ =	swait.ge [sflag:s18], $0x3200  }
0x36: {  	[sflag:s18] =	ssyncset.done $0x0  }
0x37: {  	[sflag:s18] =	ssyncadd.s32 $0xFFFFCE00  }
0x38: {  	_ =	swait.ge [sflag:s18], $0x3200  }
0x39: {  	[sflag:s18] =	ssyncset.done $0x0  }
0x3a: {  	[sflag:s18] =	ssyncadd.s32 $0xFFFFCE00  }
0x3b: {  	_ =	swait.ge [sflag:s18], $0x3200  }
0x3c: {  	[sflag:s18] =	ssyncset.done $0x0  }
0x3d: {  	[sflag:s18] =	ssyncadd.s32 $0xFFFFCE00  }
0x3e: {  	_ =	swait.ge [sflag:s18], $0x3200  }
0x3f: {  	[sflag:s18] =	ssyncset.done $0x0  }
0x40: {  	[sflag:s18] =	ssyncadd.s32 $0xFFFFCE00  }
0x41: {  	_ =	swait.ge [sflag:s18], $0x3200  }
0x42: {  	[sflag:s18] =	ssyncset.done $0x0  }
0x43: {  	[sflag:s18] =	ssyncadd.s32 $0xFFFFCE00  }
0x44: {  	_ =	swait.ge [sflag:s18], $0x28A0  }
0x45: {  	[sflag:s18] =	ssyncset.done $0x0  }
0x46: {  	[sflag:s18] =	ssyncadd.s32 $0xFFFFD760  }
0x47: {  	[bflag:$0x0] =	sbarrier.arrive $0xFFFF  }
0x48: {  	[tilespmem:s19], [sflag:$0x3] =	stream.linear.gather [hbm4b:s12+s3], $0x320, $0x38;
	[tilespmem:$0x1F270] =	vst v63  }
0x49: {  	_ =	swait.ge [sflag:s20], $0x320  }
0x4a: {  	[sflag:s20] =	ssyncset.done $0x0  }
0x4b: {  	[sflag:s20] =	ssyncadd.s32 $0xFFFFFCE0  }
0x4c: {  	[spmem:s2] =	stream.indirect.scatter.add.f32 [tilespmem:s22], [sflag:$0x1], $0x10, s19, s21, $0xb8;
	[tilespmem:$0x1F270] =	vst v63  }
0x4d: {  	s5 =	simm.s32 $0x2  }
0x4e: {  	[tilespmem:s23], [sflag:$0x3] =	stream.linear.gather [hbm4b:s13+s3], $0x320, $0x38;
	[tilespmem:$0x1F270] =	vst v63  }
0x4f: {  	s0 =	sand.u32 $0x1, s5;
	_ =	swait.ge [sflag:s20], $0x320  }
0x50: {  	p0 =	seq.s32 s0, $0x1;
	[sflag:s20] =	ssyncset.done $0x0  }
0x51: {  	s0 =	simm.s32 @p0 $0x2;
	[sflag:s20] =	ssyncadd.s32 $0xFFFFFCE0  }
0x52: {  	[spmem:s2] =	stream.indirect.scatter.add.f32 [tilespmem:s22], [sflag:$0x2], $0x10, s23, s21, $0xb8;
	[tilespmem:$0x1F270] =	vst v63  }
0x53: {  	_ =	swait.ge @p0 [sflag:s0], $0x3200;
	p0 =	por p0, p0  }
0x54: {  	[sflag:s0] =	ssyncset.done @p0 $0x0;
	s1 =	simm.s32 @p0 $0x3  }
0x55: {  	s26 =	simm.s32 @p0 $0x6720;
	[sflag:s0] =	ssyncadd.s32 @p0 $0xFFFFCE00;
	s0 =	simm.s32 @p0 $0x0  }
0x56: {  	[tilespmem:s26], [sflag:$0x3] =	stream.linear.gather @p0 [hbm4b:s17+s0], $0x320, $0x38;
	[tilespmem:$0x1F270] =	vst v63  }
0x57: {  	_ =	swait.ge @p0 [sflag:s1], $0x320  }
0x58: {  	s29 =	simm.s32 @p0 $0x3200;
	[sflag:s1] =	ssyncset.done @p0 $0x0  }
0x59: {  	s0 =	simm.s32 @!p0 $0x1;
	[sflag:s1] =	ssyncadd.s32 @p0 $0xFFFFFCE0;
	s1 =	simm.s32 @p0 $0x320  }
0x5a: {  	[spmem:s2] =	stream.indirect.scatter.add.f32 @p0 [tilespmem:s29], [sflag:$0x2], $0x10, s26, s1, $0xb8;
	[tilespmem:$0x1F270] =	vst v63  }
0x5b: {  	s6 =	simm.s32 $0x3;
	s30 =	simm.s32 $0x4;
	_ =	swait.ge @!p0 [sflag:s0], $0x3200  }
0x5c: {  	s7 =	sand.u32 $0x1, s6;
	s31 =	simm.s32 @!p0 $0x3;
	[sflag:s0] =	ssyncset.done @!p0 $0x0  }
0x5d: {  	s26 =	simm.s32 @!p0 $0x0;
	[sflag:s0] =	ssyncadd.s32 @!p0 $0xFFFFCE00;
	s0 =	simm.s32 @!p0 $0x6400  }
0x5e: {  	[tilespmem:s0], [sflag:$0x3] =	stream.linear.gather @!p0 [hbm4b:s17+s26], $0x320, $0x38;
	[tilespmem:$0x1F270] =	vst v63  }
0x5f: {  	p2 =	seq.s32 s7, $0x1;
	s29 =	sadd.s32 $0x64, s17;
	_ =	swait.ge @!p0 [sflag:s31], $0x320  }
0x60: {  	s1 =	simm.s32 @!p0 $0x3200;
	s26 =	simm.s32 @!p0 $0x320;
	[sflag:s31] =	ssyncset.done @!p0 $0x0  }
.LBB2_6:
0x61: {  	s5 =	simm.s32 @p2 $0x2;
	[sflag:s31] =	ssyncadd.s32 @!p0 $0xFFFFFCE0  }
0x62: {  	s6 =	smov.u32 s30;
	s30 =	sadd.s32 $0x1, s30;
	s7 =	smov.u32 s29  }
0x63: {  	[spmem:s2] =	stream.indirect.scatter.add.f32 @!p0 [tilespmem:s1], [sflag:$0x1], $0x10, s0, s26, $0xb8;
	[tilespmem:$0x1F270] =	vst v63  }
0x64: {  	p1 =	sne.s32 s30, $0x3E;
	p0 =	por p2, p2;
	_ =	swait.ge @p2 [sflag:s5], $0x3200  }
0x65: {  	s0 =	simm.s32 @p0 $0x3;
	[sflag:s5] =	ssyncset.done @p0 $0x0  }
0x66: {  	s1 =	simm.s32 @p0 $0x0;
	[sflag:s5] =	ssyncadd.s32 @p0 $0xFFFFCE00;
	s5 =	simm.s32 @p0 $0x6720  }
0x67: {  	[tilespmem:s5], [sflag:$0x3] =	stream.linear.gather @p0 [hbm4b:s29+s1], $0x320, $0x38;
	[tilespmem:$0x1F270] =	vst v63  }
0x68: {  	_ =	swait.ge @p0 [sflag:s0], $0x320  }
0x69: {  	s1 =	simm.s32 @!p0 $0x1;
	[sflag:s0] =	ssyncset.done @p0 $0x0  }
0x6a: {  	s26 =	simm.s32 @p0 $0x3200;
	[sflag:s0] =	ssyncadd.s32 @p0 $0xFFFFFCE0;
	s0 =	simm.s32 @p0 $0x320  }
0x6b: {  	[spmem:s2] =	stream.indirect.scatter.add.f32 @p0 [tilespmem:s26], [sflag:$0x2], $0x10, s5, s0, $0xb8;
	[tilespmem:$0x1F270] =	vst v63  }
0x6c: {  	s29 =	sadd.s32 $0x64, s29;
	_ =	swait.ge @!p0 [sflag:s1], $0x3200  }
.Ltmp2:
0x6d: {  	s31 =	simm.s32 @!p0 $0x3;
	[sflag:s1] =	ssyncset.done @!p0 $0x0;
	(pc) =	sbr.rel @p1 .LBB2_6-.Ltmp2, $4  }
0x6e: {  	s0 =	simm.s32 @!p0 $0x6400;
	[sflag:s1] =	ssyncadd.s32 @!p0 $0xFFFFCE00;
	s1 =	simm.s32 @!p0 $0x0  }
0x6f: {  	[tilespmem:s0], [sflag:$0x3] =	stream.linear.gather @!p0 [hbm4b:s7+s1], $0x320, $0x38;
	[tilespmem:$0x1F270] =	vst v63  }
0x70: {  	s5 =	sand.u32 $0x1, s6;
	s1 =	simm.s32 @!p0 $0x3200;
	_ =	swait.ge @!p0 [sflag:s31], $0x320  }
0x71: {  	s26 =	simm.s32 @!p0 $0x320;
	p2 =	seq.s32 s5, $0x1;
	[sflag:s31] =	ssyncset.done @!p0 $0x0  }
0x72: {  	s5 =	simm.s32 @p2 $0x2;
	[sflag:s31] =	ssyncadd.s32 @!p0 $0xFFFFFCE0  }
0x73: {  	[spmem:s2] =	stream.indirect.scatter.add.f32 @!p0 [tilespmem:s1], [sflag:$0x1], $0x10, s0, s26, $0xb8;
	[tilespmem:$0x1F270] =	vst v63  }
0x74: {  	p0 =	por p2, p2;
	_ =	swait.ge @p2 [sflag:s5], $0x3200  }
0x75: {  	s0 =	simm.s32 @p0 $0x3;
	[sflag:s5] =	ssyncset.done @p0 $0x0  }
0x76: {  	s1 =	simm.s32 @p0 $0x0;
	[sflag:s5] =	ssyncadd.s32 @p0 $0xFFFFCE00;
	s5 =	simm.s32 @p0 $0x6720  }
0x77: {  	[tilespmem:s5], [sflag:$0x3] =	stream.linear.gather @p0 [hbm4b:s29+s1], $0x320, $0x38;
	[tilespmem:$0x1F270] =	vst v63  }
0x78: {  	_ =	swait.ge @p0 [sflag:s0], $0x320  }
0x79: {  	s6 =	simm.s32 @p0 $0x3200;
	[sflag:s0] =	ssyncset.done @p0 $0x0  }
0x7a: {  	s1 =	simm.s32 @!p0 $0x1;
	[sflag:s0] =	ssyncadd.s32 @p0 $0xFFFFFCE0;
	s0 =	simm.s32 @p0 $0x320  }
0x7b: {  	[spmem:s2] =	stream.indirect.scatter.add.f32 @p0 [tilespmem:s6], [sflag:$0x2], $0x10, s5, s0, $0xb8;
	[tilespmem:$0x1F270] =	vst v63  }
0x7c: {  	_ =	swait.ge @!p0 [sflag:s1], $0x3200  }
0x7d: {  	s0 =	simm.s32 @!p0 $0x3;
	[sflag:s1] =	ssyncset.done @!p0 $0x0  }
0x7e: {  	s5 =	simm.s32 @!p0 $0x6400;
	[sflag:s1] =	ssyncadd.s32 @!p0 $0xFFFFCE00;
	s1 =	simm.s32 @!p0 $0x0  }
0x7f: {  	[tilespmem:s5], [sflag:$0x3] =	stream.linear.gather @!p0 [hbm4b:s29+s1], $0x320, $0x38;
	[tilespmem:$0x1F270] =	vst v63  }
0x80: {  	_ =	swait.ge @!p0 [sflag:s0], $0x320  }
0x81: {  	[sflag:s0] =	ssyncset.done @!p0 $0x0  }
0x82: {  	s6 =	simm.s32 @!p0 $0x320;
	s1 =	simm.s32 @!p0 $0x3200;
	[sflag:s0] =	ssyncadd.s32 @!p0 $0xFFFFFCE0  }
0x83: {  	[spmem:s2] =	stream.indirect.scatter.add.f32 @!p0 [tilespmem:s1], [sflag:$0x1], $0x10, s5, s6, $0xb8;
	[tilespmem:$0x1F270] =	vst v63  }
0x84: {  	_ =	swait.ge [sflag:s18], $0x3200  }
0x85: {  	[sflag:s18] =	ssyncset.done $0x0  }
0x86: {  	[sflag:s18] =	ssyncadd.s32 $0xFFFFCE00  }
0x87: {  	_ =	swait.ge [sflag:s24], $0x3200  }
0x88: {  	[sflag:s24] =	ssyncset.done $0x0  }
0x89: {  	[sflag:s24] =	ssyncadd.s32 $0xFFFFCE00  }
0x8a: {  	[tilespmem:s25], [sflag:$0x3] =	stream.linear.gather [hbm4b:s14+s3], $0x190, $0x38;
	[tilespmem:$0x1F270] =	vst v63  }
0x8b: {  	_ =	swait.ge [sflag:s20], $0x190  }
0x8c: {  	[sflag:s20] =	ssyncset.done $0x0  }
0x8d: {  	s29 =	simm.s32 $0x190;
	[sflag:s20] =	ssyncadd.s32 $0xFFFFFE70  }
0x8e: {  	[spmem:s2] =	stream.indirect.scatter.add.f32 [tilespmem:s22], [sflag:$0x3], $0x10, s25, s29, $0xb8;
	[tilespmem:$0x1F270] =	vst v63  }
0x8f: {  	s30 =	stileid.u32;
	_ =	swait.ge [sflag:s20], $0x1900  }
0x90: {  	s31 =	sshrl.u32 s4, $0x3;
	s28 =	sadd.s32 $0x1, s28;
	[sflag:s20] =	ssyncset.done $0x0  }
0x91: {  	s0 =	sshll.u32 s30, $0x6;
	p0 =	sne.s32 s28, s15;
	[sflag:s20] =	ssyncadd.s32 $0xFFFFE700  }
.Ltmp3:
0x92: {  	s0 =	sor.u32 $0x1C03, s0;
	[bflag:$0x0] =	sbarrier.arrive $0xFFFF;
	(pc) =	sbr.rel @p0 .LBB2_1-.Ltmp3, $4  }
0x93: {  	[hbm:s16], [sflag:s0] =	dma.local [spmem:s31], $0x30D4  }
0x94: {  	_ =	swait.ge [sflag:s20], $0x30D4  }
0x95: {  	[sflag:s20] =	ssyncset.done $0x0  }
0x96: {  	[sflag:s20] =	ssyncadd.s32 $0xFFFFCF2C  }
0x97: {  	_ =	sfence.sel $0x180000  }
0x98: {  	[bflag:$0x0] =	sbarrier.arrive $0xFFFF  }
0x99: {  	_ =	strace $0x90000047  }
0x9a: {  	s0 =	stileid.u32;
	[bflag:$0x2] =	sbarrier.arrive $0xFFFF  }
0x9b: {  	p0 =	sne.s32 s0, $0x0;
	s0 =	rddreg [dreg:$0x2]  }
0x9c: {  	s0 =	sadd.s32 @!p0 $0x100000, s0  }
0x9d: {  	[sflag:s0] =	ssyncadd.tile.s32 @!p0 $0x1;
	_ =	shalt  }
.Lfunc_end2:
_tile_overlayer_lowered:
.L_overlay_start_2:
0x9e: {  	(tag) =	ssettag $0x2  }
0x9f: {  	s0 =	rddreg [dreg:$0x0];
	s2 =	stileid.u32  }
0xa0: {  	s1 =	rddreg [dreg:$0x1];
	p0 =	sne.s32 s2, $0x0  }
0xa1: {  	s3 =	rddreg [dreg:$0x2];
	[bflag:$0x3] =	sbarrier.arrive $0xFFFF;
	s2 =	simm.s32 @!p0 $0x1C03  }
0xa2: {  	[timem:s3], [sflag:s2] =	dma.local @!p0 [hbm:s0], s1  }
0xa3: {  	s0 =	simm.s32 @!p0 $0x3  }
0xa4: {  	_ =	swait.ge @!p0 [sflag:s0], s1  }
0xa5: {  	s1 =	ssub.s32 @!p0 $0x0, s1;
	[sflag:s0] =	ssyncset.done @!p0 $0x0  }
0xa6: {  	[sflag:s0] =	ssyncadd.s32 @!p0 s1  }
0xa7: {  	[bflag:$0x3] =	sbarrier.arrive $0xFFFF  }
0xa8: {  	_ =	shalt  }

</sc_bundles>
